<compile_context>
chip_gen: v7x
topology: tpu7x:2x2x1
jax: 0.10.2.dev20260603
libtpu: 0.0.44.dev20260713+nightly
codegen_flags: <defaults>
</compile_context>

<pallas_src>
import functools

import jax
import jax.numpy as jnp
from jax import lax
from jax.experimental import pallas as pl
from jax.experimental.pallas import tpu as pltpu
from jax.experimental.pallas import tpu_sc as plsc

B = 32
N_EXAMPLES = 50000
N_CLASSES = 64
LANES = 16

SC_BATCHES = 16
WPB = B // SC_BATCHES
ROWS_PER_CHUNK = 500
CHUNK_ELEMS = ROWS_PER_CHUNK * N_CLASSES
CHUNKS_PER_BATCH = N_EXAMPLES // ROWS_PER_CHUNK
CHUNKS_PER_WORKER = CHUNKS_PER_BATCH // WPB
ROW_UNROLL = 4

TC_ROWS = 25000
SCALE = 1.0 / N_EXAMPLES


def _sc_body(x_hbm, out_hbm, buf0, buf1, hist, out_v, scr, sem0, sem1):
    wid = lax.axis_index("s") * 2 + lax.axis_index("c")
    batch = wid // WPB
    sub = wid % WPB
    chunk0 = sub * CHUNKS_PER_WORKER
    iota = lax.broadcasted_iota(jnp.int32, (LANES,), 0)
    zeros = jnp.zeros((LANES,), jnp.float32)
    ones = jnp.ones((LANES,), jnp.float32)
    lane0 = iota == 0
    xor_idx = [iota ^ sh for sh in (8, 4, 2, 1)]

    for j in range(N_CLASSES // LANES):
        hist[pl.ds(j * LANES, LANES)] = zeros

    def start(i, buf, sem):
        pltpu.async_copy(x_hbm.at[batch, chunk0 + i], buf, sem)

    def wait(buf, sem):
        pltpu.make_async_copy(x_hbm.at[0, 0], buf, sem).wait()

    def one_row(buf, r):
        off = r * N_CLASSES
        sbase = r * LANES
        q = [buf[pl.ds(off + k * LANES, LANES)] for k in range(4)]
        m = jnp.maximum(jnp.maximum(q[0], q[1]), jnp.maximum(q[2], q[3]))
        for p in xor_idx:
            scr[pl.ds(sbase, LANES)] = m
            t = plsc.load_gather(scr, [p + sbase])
            m = jnp.maximum(m, t)
        f = [plsc.all_reduce_ffs(q[k] == m) for k in range(4)]
        h = [jnp.where(f[k] == LANES, N_CLASSES, f[k] + k * LANES)
             for k in range(3)]
        cls = jnp.minimum(jnp.minimum(h[0], h[1]),
                          jnp.minimum(h[2], f[3] + 3 * LANES))
        cls = jnp.broadcast_to(cls, (LANES,)).astype(jnp.int32)
        plsc.addupdate_scatter(hist, [cls], ones, mask=lane0)

    def process(buf):
        @plsc.parallel_loop(0, ROWS_PER_CHUNK, unroll=ROW_UNROLL)
        def _rows(r):
            one_row(buf, r)

    C = CHUNKS_PER_WORKER
    start(0, buf0, sem0)
    if C % 2 == 1:
        def pair_body(k, _):
            start(2 * k + 1, buf1, sem1)
            wait(buf0, sem0)
            process(buf0)
            start(2 * k + 2, buf0, sem0)
            wait(buf1, sem1)
            process(buf1)
            return 0

        lax.fori_loop(0, (C - 1) // 2, pair_body, 0)
        wait(buf0, sem0)
        process(buf0)
    else:
        def pair_body(k, _):
            start(2 * k + 1, buf1, sem1)
            wait(buf0, sem0)
            process(buf0)
            start(2 * k + 2, buf0, sem0)
            wait(buf1, sem1)
            process(buf1)
            return 0

        lax.fori_loop(0, C // 2 - 1, pair_body, 0)
        start(C - 1, buf1, sem1)
        wait(buf0, sem0)
        process(buf0)
        wait(buf1, sem1)
        process(buf1)

    scale = jnp.float32(SCALE)
    for j in range(N_CLASSES // LANES):
        out_v[pl.ds(j * LANES, LANES)] = hist[pl.ds(j * LANES, LANES)] * scale

    pltpu.sync_copy(out_v, out_hbm.at[wid])


def _sc_run(x_sc):
    x3 = x_sc.reshape(SC_BATCHES, CHUNKS_PER_BATCH, CHUNK_ELEMS)
    mesh = plsc.VectorSubcoreMesh(core_axis_name="c", subcore_axis_name="s")
    k = functools.partial(
        pl.kernel,
        out_type=jax.ShapeDtypeStruct((B, N_CLASSES), jnp.float32),
        mesh=mesh,
        scratch_types=[
            pltpu.VMEM((CHUNK_ELEMS,), jnp.float32),
            pltpu.VMEM((CHUNK_ELEMS,), jnp.float32),
            pltpu.VMEM((N_CLASSES,), jnp.float32),
            pltpu.VMEM((N_CLASSES,), jnp.float32),
            pltpu.VMEM((ROWS_PER_CHUNK * LANES,), jnp.float32),
            pltpu.SemaphoreType.DMA,
            pltpu.SemaphoreType.DMA,
        ],
        compiler_params=pltpu.CompilerParams(needs_layout_passes=False),
    )(_sc_body)
    partial = k(x3)
    return partial.reshape(SC_BATCHES, WPB, N_CLASSES).sum(axis=1)


def _tc_body(x_ref, o_ref):
    j = pl.program_id(1)
    x = x_ref[0]
    iota2 = lax.broadcasted_iota(jnp.int32, (TC_ROWS, N_CLASSES), 1)
    amax = jnp.argmax(x, axis=1).astype(jnp.int32)
    first = amax[:, None] == iota2
    counts = jnp.sum(first.astype(jnp.float32), axis=0) * jnp.float32(SCALE)

    @pl.when(j == 0)
    def _():
        o_ref[...] = jnp.zeros_like(o_ref)

    o_ref[0, 0, :] += counts


def _tc_run(x_tc):
    bt = x_tc.shape[0]
    out = pl.pallas_call(
        _tc_body,
        grid=(bt, N_EXAMPLES // TC_ROWS),
        in_specs=[pl.BlockSpec((1, TC_ROWS, N_CLASSES),
                               lambda b, j: (b, j, 0))],
        out_specs=pl.BlockSpec((1, 1, N_CLASSES), lambda b, j: (b, 0, 0)),
        out_shape=jax.ShapeDtypeStruct((bt, 1, N_CLASSES), jnp.float32),
        compiler_params=pltpu.CompilerParams(
            dimension_semantics=("parallel", "arbitrary")),
    )(x_tc)
    return out.reshape(bt, N_CLASSES)


def kernel(input):
    sc_out = _sc_run(input[:SC_BATCHES])
    tc_out = _tc_run(input[SC_BATCHES:])
    return jnp.concatenate([sc_out, tc_out], axis=0)

# --- scband reference (transcript-rebuilt; emitter-appended) ---
"""Pipeline reference for scband-basic-count-22359599743499 (READ-ONLY COPY).

The authoritative reference and input builder live on the scoring server;
editing this copy changes nothing except your own understanding.
"""

import jax, jax.numpy as jnp
import numpy as np

N_CLASSES = 64

def setup_inputs(seed: int = 0) -> dict:
    key = jax.random.key(seed)
    x = jax.random.normal(key, (32, 50000, N_CLASSES), dtype=jnp.float32)
    return {"input": x}

def reference(input):
    # argmax over class dim
    mx = jnp.argmax(input, axis=2)  # [B, n_examples] int
    n_examples = input.shape[1]
    # per-batch bincount with fixed length (jit-compatible)
    counts = jax.vmap(lambda s: jnp.bincount(s, length=N_CLASSES))(mx)  # [B, n_classes]
    freqs = counts.astype(jnp.float32) / float(n_examples)
    return freqs

if __name__ == "__main__":
    import jax
    _d = setup_inputs()
    print(jax.jit(kernel)(*tuple(_d.values())))

</pallas_src>

<mosaic_0001>
#map = affine_map<(d0, d1) -> (0, 0, 0)>
#map1 = affine_map<(d0, d1) -> (0, 0)>
module attributes {stable_mosaic.version = 14 : i64} {
  func.func @_sc_body(%arg0: i32, %arg1: i32, %arg2: memref<16x100x32000xf32, #tpu.memory_space<hbm>>, %arg3: memref<32x64xf32, #tpu.memory_space<hbm>>, %arg4: memref<32000xf32, #tpu.memory_space<vmem>>, %arg5: memref<32000xf32, #tpu.memory_space<vmem>>, %arg6: memref<64xf32, #tpu.memory_space<vmem>>, %arg7: memref<64xf32, #tpu.memory_space<vmem>>, %arg8: memref<8000xf32, #tpu.memory_space<vmem>>, %arg9: memref<!tpu.dma_semaphore, #tpu.memory_space<semaphore_mem>>, %arg10: memref<!tpu.dma_semaphore, #tpu.memory_space<semaphore_mem>>) attributes {dimension_semantics = [#tpu.dimension_semantics<core_parallel>, #tpu.dimension_semantics<subcore_parallel>], iteration_bounds = array<i64: 2, 16>, scalar_prefetch = 0 : i64, scratch_operands = 7 : i64, tpu.core_type = #tpu.core_type<sc_vector_subcore>, window_params = [{transform_indices = #map}, {transform_indices = #map1}]} {
    %mul3A = arith.constant 2 : i32
    %mul3A_0 = arith.muli %arg1, %mul3A : i32
    %add3A = arith.addi %mul3A_0, %arg0 : i32
    %jit3A = arith.constant 2 : i32
    %div3A = arith.divsi %add3A, %jit3A : i32
    %sign3A = arith.constant 0 : i32
    %sign3A_1 = arith.cmpi sgt, %add3A, %sign3A : i32
    %sign3A_2 = arith.extui %sign3A_1 : i1 to i32
    %sign3A_3 = arith.constant 0 : i32
    %sign3A_4 = arith.cmpi slt, %add3A, %sign3A_3 : i32
    %sign3A_5 = arith.extui %sign3A_4 : i1 to i32
    %sign3A_6 = arith.subi %sign3A_2, %sign3A_5 : i32
    %sign3A_7 = arith.constant 0 : i32
    %sign3A_8 = arith.cmpi sgt, %jit3A, %sign3A_7 : i32
    %sign3A_9 = arith.extui %sign3A_8 : i1 to i32
    %sign3A_10 = arith.constant 0 : i32
    %sign3A_11 = arith.cmpi slt, %jit3A, %sign3A_10 : i32
    %sign3A_12 = arith.extui %sign3A_11 : i1 to i32
    %sign3A_13 = arith.subi %sign3A_9, %sign3A_12 : i32
    %ne3A = arith.cmpi ne, %sign3A_6, %sign3A_13 : i32
    %rem3A = arith.remsi %add3A, %jit3A : i32
    %ne3A_14 = arith.constant 0 : i32
    %ne3A_15 = arith.cmpi ne, %rem3A, %ne3A_14 : i32
    %and3A = arith.andi %ne3A, %ne3A_15 : i1
    %sub3A = arith.constant 1 : i32
    %sub3A_16 = arith.subi %div3A, %sub3A : i32
    %select_n3A = arith.select %and3A, %sub3A_16, %div3A : i32
    %jit3A_17 = arith.constant 2 : i32
    %eq3A = arith.constant 0 : i32
    %eq3A_18 = arith.cmpi eq, %jit3A_17, %eq3A : i32
    %jit3A_19 = arith.constant 1 : i32
    %select_n3A_20 = arith.select %eq3A_18, %jit3A_19, %jit3A_17 : i32
    %rem3A_21 = arith.remsi %add3A, %select_n3A_20 : i32
    %ne3A_22 = arith.constant 0 : i32
    %ne3A_23 = arith.cmpi ne, %rem3A_21, %ne3A_22 : i32
    %lt3A = arith.constant 0 : i32
    %lt3A_24 = arith.cmpi slt, %rem3A_21, %lt3A : i32
    %lt3A_25 = arith.constant 0 : i32
    %lt3A_26 = arith.cmpi slt, %select_n3A_20, %lt3A_25 : i32
    %ne3A_27 = arith.xori %lt3A_24, %lt3A_26 : i1
    %and3A_28 = arith.andi %ne3A_27, %ne3A_23 : i1
    %add3A_29 = arith.addi %rem3A_21, %select_n3A_20 : i32
    %select_n3A_30 = arith.select %and3A_28, %add3A_29, %rem3A_21 : i32
    %mul3A_31 = arith.constant 50 : i32
    %mul3A_32 = arith.muli %select_n3A_30, %mul3A_31 : i32
    %iota3A = tpu.iota {dimensions = array<i32: 0>} : vector<16xi32>
    %broadcast_in_dim3A = arith.constant 0.000000e+00 : f32
    %broadcast_in_dim3A_33 = vector.broadcast %broadcast_in_dim3A : f32 to vector<16xf32>
    %broadcast_in_dim3A_34 = arith.constant 1.000000e+00 : f32
    %broadcast_in_dim3A_35 = vector.broadcast %broadcast_in_dim3A_34 : f32 to vector<16xf32>
    %eq3A_36 = arith.constant 0 : i32
    %eq3A_37 = vector.broadcast %eq3A_36 : i32 to vector<16xi32>
    %eq3A_38 = arith.cmpi eq, %iota3A, %eq3A_37 : vector<16xi32>
    %xor3A = arith.constant 8 : i32
    %xor3A_39 = vector.broadcast %xor3A : i32 to vector<16xi32>
    %xor3A_40 = arith.xori %iota3A, %xor3A_39 : vector<16xi32>
    %xor3A_41 = arith.constant 4 : i32
    %xor3A_42 = vector.broadcast %xor3A_41 : i32 to vector<16xi32>
    %xor3A_43 = arith.xori %iota3A, %xor3A_42 : vector<16xi32>
    %xor3A_44 = arith.constant 2 : i32
    %xor3A_45 = vector.broadcast %xor3A_44 : i32 to vector<16xi32>
    %xor3A_46 = arith.xori %iota3A, %xor3A_45 : vector<16xi32>
    %xor3A_47 = arith.constant 1 : i32
    %xor3A_48 = vector.broadcast %xor3A_47 : i32 to vector<16xi32>
    %xor3A_49 = arith.xori %iota3A, %xor3A_48 : vector<16xi32>
    %swap3A = arith.constant 0 : index
    %swap3A_50 = tpu.vector_load %arg6[%swap3A] {strides = array<i32>} : memref<64xf32, #tpu.memory_space<vmem>>, vector<16xf32>,
    tpu.vector_store %arg6[%swap3A], %broadcast_in_dim3A_33 {strides = array<i32>} : memref<64xf32, #tpu.memory_space<vmem>>, vector<16xf32>,
    %swap3A_51 = arith.constant 16 : index
    %swap3A_52 = tpu.vector_load %arg6[%swap3A_51] {strides = array<i32>} : memref<64xf32, #tpu.memory_space<vmem>>, vector<16xf32>,
    tpu.vector_store %arg6[%swap3A_51], %broadcast_in_dim3A_33 {strides = array<i32>} : memref<64xf32, #tpu.memory_space<vmem>>, vector<16xf32>,
    %swap3A_53 = arith.constant 32 : index
    %swap3A_54 = tpu.vector_load %arg6[%swap3A_53] {strides = array<i32>} : memref<64xf32, #tpu.memory_space<vmem>>, vector<16xf32>,
    tpu.vector_store %arg6[%swap3A_53], %broadcast_in_dim3A_33 {strides = array<i32>} : memref<64xf32, #tpu.memory_space<vmem>>, vector<16xf32>,
    %swap3A_55 = arith.constant 48 : index
    %swap3A_56 = tpu.vector_load %arg6[%swap3A_55] {strides = array<i32>} : memref<64xf32, #tpu.memory_space<vmem>>, vector<16xf32>,
    tpu.vector_store %arg6[%swap3A_55], %broadcast_in_dim3A_33 {strides = array<i32>} : memref<64xf32, #tpu.memory_space<vmem>>, vector<16xf32>,
    %add3A_57 = arith.constant 0 : i32
    %add3A_58 = arith.addi %mul3A_32, %add3A_57 : i32
    %dma_start3A = arith.constant 0 : i32
    %dma_start3A_59 = tpu.memref_slice %arg2[%select_n3A, %add3A_58, %dma_start3A] : memref<16x100x32000xf32, #tpu.memory_space<hbm>> -> memref<1x1x32000xf32, #tpu.memory_space<hbm>>
    %dma_start3A_60 = tpu.memref_squeeze %dma_start3A_59 : memref<1x1x32000xf32, #tpu.memory_space<hbm>> -> memref<32000xf32, #tpu.memory_space<hbm>>
    %dma_start3A_61 = arith.constant 0 : i32
    %dma_start3A_62 = tpu.memref_slice %arg2[%select_n3A, %add3A_58, %dma_start3A_61] : memref<16x100x32000xf32, #tpu.memory_space<hbm>> -> memref<1x1x32000xf32, #tpu.memory_space<hbm>>
    %dma_start3A_63 = tpu.memref_squeeze %dma_start3A_62 : memref<1x1x32000xf32, #tpu.memory_space<hbm>> -> memref<32000xf32, #tpu.memory_space<hbm>>
    tpu.enqueue_dma source(%dma_start3A_63 : memref<32000xf32, #tpu.memory_space<hbm>>) target(%arg4 : memref<32000xf32, #tpu.memory_space<vmem>>) target_semaphore(%arg9 : memref<!tpu.dma_semaphore, #tpu.memory_space<semaphore_mem>>)
    %scan3A = arith.constant 0 : i32
    %scan3A_64 = arith.constant 0 : i32
    %scan3A_65 = arith.constant 24 : i32
    %scan3A_66 = arith.addi %scan3A_64, %scan3A_65 : i32
    %scan3A_67 = arith.constant 1 : i32
    %scan3A_68 = scf.for %scan3A_125 = %scan3A_64 to %scan3A_66 step %scan3A_67 iter_args(%scan3A_126 = %scan3A) -> (i32)  : i32 {
      %mul3A_127 = arith.constant 2 : i32
      %mul3A_128 = arith.muli %mul3A_127, %scan3A_125 : i32
      %add3A_129 = arith.constant 1 : i32
      %add3A_130 = arith.addi %mul3A_128, %add3A_129 : i32
      %add3A_131 = arith.addi %mul3A_32, %add3A_130 : i32
      %dma_start3A_132 = arith.constant 0 : i32
      %dma_start3A_133 = tpu.memref_slice %arg2[%select_n3A, %add3A_131, %dma_start3A_132] : memref<16x100x32000xf32, #tpu.memory_space<hbm>> -> memref<1x1x32000xf32, #tpu.memory_space<hbm>>
      %dma_start3A_134 = tpu.memref_squeeze %dma_start3A_133 : memref<1x1x32000xf32, #tpu.memory_space<hbm>> -> memref<32000xf32, #tpu.memory_space<hbm>>
      %dma_start3A_135 = arith.constant 0 : i32
      %dma_start3A_136 = tpu.memref_slice %arg2[%select_n3A, %add3A_131, %dma_start3A_135] : memref<16x100x32000xf32, #tpu.memory_space<hbm>> -> memref<1x1x32000xf32, #tpu.memory_space<hbm>>
      %dma_start3A_137 = tpu.memref_squeeze %dma_start3A_136 : memref<1x1x32000xf32, #tpu.memory_space<hbm>> -> memref<32000xf32, #tpu.memory_space<hbm>>
      tpu.enqueue_dma source(%dma_start3A_137 : memref<32000xf32, #tpu.memory_space<hbm>>) target(%arg5 : memref<32000xf32, #tpu.memory_space<vmem>>) target_semaphore(%arg10 : memref<!tpu.dma_semaphore, #tpu.memory_space<semaphore_mem>>)
      %dma_wait3A_138 = arith.constant 0 : i32
      %dma_wait3A_139 = arith.constant 0 : i32
      %dma_wait3A_140 = arith.constant 0 : i32
      %dma_wait3A_141 = tpu.memref_slice %arg2[%dma_wait3A_138, %dma_wait3A_139, %dma_wait3A_140] : memref<16x100x32000xf32, #tpu.memory_space<hbm>> -> memref<1x1x32000xf32, #tpu.memory_space<hbm>>
      %dma_wait3A_142 = tpu.memref_squeeze %dma_wait3A_141 : memref<1x1x32000xf32, #tpu.memory_space<hbm>> -> memref<32000xf32, #tpu.memory_space<hbm>>
      %dma_wait3A_143 = arith.constant 0 : i32
      %dma_wait3A_144 = tpu.memref_slice %arg2[%dma_wait3A_138, %dma_wait3A_139, %dma_wait3A_143] : memref<16x100x32000xf32, #tpu.memory_space<hbm>> -> memref<1x1x32000xf32, #tpu.memory_space<hbm>>
      %dma_wait3A_145 = tpu.memref_squeeze %dma_wait3A_144 : memref<1x1x32000xf32, #tpu.memory_space<hbm>> -> memref<32000xf32, #tpu.memory_space<hbm>>
      tpu.wait_dma2 semaphore(%arg9 : memref<!tpu.dma_semaphore, #tpu.memory_space<semaphore_mem>>) src(%dma_wait3A_145 : memref<32000xf32, #tpu.memory_space<hbm>>) dst(%arg4 : memref<32000xf32, #tpu.memory_space<vmem>>)
      %parallel_loop3A_146 = arith.constant 0 : i32
      %parallel_loop3A_147 = arith.constant 500 : i32
      %parallel_loop3A_148 = arith.constant 1 : i32
      scf.for %parallel_loop3A_172 = %parallel_loop3A_146 to %parallel_loop3A_147 step %parallel_loop3A_148  : i32 {
        %parallel_loop3A_173 = arith.constant 64 : i32
        %parallel_loop3A_174 = arith.muli %parallel_loop3A_172, %parallel_loop3A_173 : i32
        %parallel_loop3A_175 = arith.constant 16 : i32
        %parallel_loop3A_176 = arith.muli %parallel_loop3A_172, %parallel_loop3A_175 : i32
        %parallel_loop3A_177 = arith.constant 0 : i32
        %parallel_loop3A_178 = arith.addi %parallel_loop3A_174, %parallel_loop3A_177 : i32
        %parallel_loop3A_179 = arith.index_cast %parallel_loop3A_178 : i32 to index
        %parallel_loop3A_180 = tpu.vector_load %arg4[%parallel_loop3A_179] {strides = array<i32>} : memref<32000xf32, #tpu.memory_space<vmem>>, vector<16xf32>,
        %parallel_loop3A_181 = arith.constant 16 : i32
        %parallel_loop3A_182 = arith.addi %parallel_loop3A_174, %parallel_loop3A_181 : i32
        %parallel_loop3A_183 = arith.index_cast %parallel_loop3A_182 : i32 to index
        %parallel_loop3A_184 = tpu.vector_load %arg4[%parallel_loop3A_183] {strides = array<i32>} : memref<32000xf32, #tpu.memory_space<vmem>>, vector<16xf32>,
        %parallel_loop3A_185 = arith.constant 32 : i32
        %parallel_loop3A_186 = arith.addi %parallel_loop3A_174, %parallel_loop3A_185 : i32
        %parallel_loop3A_187 = arith.index_cast %parallel_loop3A_186 : i32 to index
        %parallel_loop3A_188 = tpu.vector_load %arg4[%parallel_loop3A_187] {strides = array<i32>} : memref<32000xf32, #tpu.memory_space<vmem>>, vector<16xf32>,
        %parallel_loop3A_189 = arith.constant 48 : i32
        %parallel_loop3A_190 = arith.addi %parallel_loop3A_174, %parallel_loop3A_189 : i32
        %parallel_loop3A_191 = arith.index_cast %parallel_loop3A_190 : i32 to index
        %parallel_loop3A_192 = tpu.vector_load %arg4[%parallel_loop3A_191] {strides = array<i32>} : memref<32000xf32, #tpu.memory_space<vmem>>, vector<16xf32>,
        %parallel_loop3A_193 = arith.maximumf %parallel_loop3A_180, %parallel_loop3A_184 : vector<16xf32>
        %parallel_loop3A_194 = arith.maximumf %parallel_loop3A_188, %parallel_loop3A_192 : vector<16xf32>
        %parallel_loop3A_195 = arith.maximumf %parallel_loop3A_193, %parallel_loop3A_194 : vector<16xf32>
        %parallel_loop3A_196 = arith.index_cast %parallel_loop3A_176 : i32 to index
        %parallel_loop3A_197 = tpu.vector_load %arg8[%parallel_loop3A_196] {strides = array<i32>} : memref<8000xf32, #tpu.memory_space<vmem>>, vector<16xf32>,
        tpu.vector_store %arg8[%parallel_loop3A_196], %parallel_loop3A_195 {strides = array<i32>} : memref<8000xf32, #tpu.memory_space<vmem>>, vector<16xf32>,
        %parallel_loop3A_198 = vector.broadcast %parallel_loop3A_176 : i32 to vector<16xi32>
        %parallel_loop3A_199 = arith.addi %xor3A_40, %parallel_loop3A_198 : vector<16xi32>
        %parallel_loop3A_200 = tpu.vector_load_idx %arg8[%parallel_loop3A_199] : memref<8000xf32, #tpu.memory_space<vmem>>[vector<16xi32>], vector<16xf32>,
        %parallel_loop3A_201 = arith.maximumf %parallel_loop3A_195, %parallel_loop3A_200 : vector<16xf32>
        %parallel_loop3A_202 = arith.index_cast %parallel_loop3A_176 : i32 to index
        %parallel_loop3A_203 = tpu.vector_load %arg8[%parallel_loop3A_202] {strides = array<i32>} : memref<8000xf32, #tpu.memory_space<vmem>>, vector<16xf32>,
        tpu.vector_store %arg8[%parallel_loop3A_202], %parallel_loop3A_201 {strides = array<i32>} : memref<8000xf32, #tpu.memory_space<vmem>>, vector<16xf32>,
        %parallel_loop3A_204 = vector.broadcast %parallel_loop3A_176 : i32 to vector<16xi32>
        %parallel_loop3A_205 = arith.addi %xor3A_43, %parallel_loop3A_204 : vector<16xi32>
        %parallel_loop3A_206 = tpu.vector_load_idx %arg8[%parallel_loop3A_205] : memref<8000xf32, #tpu.memory_space<vmem>>[vector<16xi32>], vector<16xf32>,
        %parallel_loop3A_207 = arith.maximumf %parallel_loop3A_201, %parallel_loop3A_206 : vector<16xf32>
        %parallel_loop3A_208 = arith.index_cast %parallel_loop3A_176 : i32 to index
        %parallel_loop3A_209 = tpu.vector_load %arg8[%parallel_loop3A_208] {strides = array<i32>} : memref<8000xf32, #tpu.memory_space<vmem>>, vector<16xf32>,
        tpu.vector_store %arg8[%parallel_loop3A_208], %parallel_loop3A_207 {strides = array<i32>} : memref<8000xf32, #tpu.memory_space<vmem>>, vector<16xf32>,
        %parallel_loop3A_210 = vector.broadcast %parallel_loop3A_176 : i32 to vector<16xi32>
        %parallel_loop3A_211 = arith.addi %xor3A_46, %parallel_loop3A_210 : vector<16xi32>
        %parallel_loop3A_212 = tpu.vector_load_idx %arg8[%parallel_loop3A_211] : memref<8000xf32, #tpu.memory_space<vmem>>[vector<16xi32>], vector<16xf32>,
        %parallel_loop3A_213 = arith.maximumf %parallel_loop3A_207, %parallel_loop3A_212 : vector<16xf32>
        %parallel_loop3A_214 = arith.index_cast %parallel_loop3A_176 : i32 to index
        %parallel_loop3A_215 = tpu.vector_load %arg8[%parallel_loop3A_214] {strides = array<i32>} : memref<8000xf32, #tpu.memory_space<vmem>>, vector<16xf32>,
        tpu.vector_store %arg8[%parallel_loop3A_214], %parallel_loop3A_213 {strides = array<i32>} : memref<8000xf32, #tpu.memory_space<vmem>>, vector<16xf32>,
        %parallel_loop3A_216 = vector.broadcast %parallel_loop3A_176 : i32 to vector<16xi32>
        %parallel_loop3A_217 = arith.addi %xor3A_49, %parallel_loop3A_216 : vector<16xi32>
        %parallel_loop3A_218 = tpu.vector_load_idx %arg8[%parallel_loop3A_217] : memref<8000xf32, #tpu.memory_space<vmem>>[vector<16xi32>], vector<16xf32>,
        %parallel_loop3A_219 = arith.maximumf %parallel_loop3A_213, %parallel_loop3A_218 : vector<16xf32>
        %parallel_loop3A_220 = arith.cmpf oeq, %parallel_loop3A_180, %parallel_loop3A_219 : vector<16xf32>
        %parallel_loop3A_221 = tpu.all_reduce %parallel_loop3A_220 {dim = 0 : i64, kind = #tpu.reduction_kind<find_first_set>} : vector<16xi1> -> vector<16xi32>
        %parallel_loop3A_222 = arith.cmpf oeq, %parallel_loop3A_184, %parallel_loop3A_219 : vector<16xf32>
        %parallel_loop3A_223 = tpu.all_reduce %parallel_loop3A_222 {dim = 0 : i64, kind = #tpu.reduction_kind<find_first_set>} : vector<16xi1> -> vector<16xi32>
        %parallel_loop3A_224 = arith.cmpf oeq, %parallel_loop3A_188, %parallel_loop3A_219 : vector<16xf32>
        %parallel_loop3A_225 = tpu.all_reduce %parallel_loop3A_224 {dim = 0 : i64, kind = #tpu.reduction_kind<find_first_set>} : vector<16xi1> -> vector<16xi32>
        %parallel_loop3A_226 = arith.cmpf oeq, %parallel_loop3A_192, %parallel_loop3A_219 : vector<16xf32>
        %parallel_loop3A_227 = tpu.all_reduce %parallel_loop3A_226 {dim = 0 : i64, kind = #tpu.reduction_kind<find_first_set>} : vector<16xi1> -> vector<16xi32>
        %parallel_loop3A_228 = arith.constant 16 : i32
        %parallel_loop3A_229 = vector.broadcast %parallel_loop3A_228 : i32 to vector<16xi32>
        %parallel_loop3A_230 = arith.cmpi eq, %parallel_loop3A_221, %parallel_loop3A_229 : vector<16xi32>
        %parallel_loop3A_231 = arith.constant 0 : i32
        %parallel_loop3A_232 = vector.broadcast %parallel_loop3A_231 : i32 to vector<16xi32>
        %parallel_loop3A_233 = arith.addi %parallel_loop3A_221, %parallel_loop3A_232 : vector<16xi32>
        %parallel_loop3A_234 = arith.constant 64 : i32
        %parallel_loop3A_235 = vector.broadcast %parallel_loop3A_234 : i32 to vector<16xi32>
        %parallel_loop3A_236 = arith.select %parallel_loop3A_230, %parallel_loop3A_235, %parallel_loop3A_233 : vector<16xi1>, vector<16xi32>
        %parallel_loop3A_237 = arith.constant 16 : i32
        %parallel_loop3A_238 = vector.broadcast %parallel_loop3A_237 : i32 to vector<16xi32>
        %parallel_loop3A_239 = arith.cmpi eq, %parallel_loop3A_223, %parallel_loop3A_238 : vector<16xi32>
        %parallel_loop3A_240 = arith.constant 16 : i32
        %parallel_loop3A_241 = vector.broadcast %parallel_loop3A_240 : i32 to vector<16xi32>
        %parallel_loop3A_242 = arith.addi %parallel_loop3A_223, %parallel_loop3A_241 : vector<16xi32>
        %parallel_loop3A_243 = arith.constant 64 : i32
        %parallel_loop3A_244 = vector.broadcast %parallel_loop3A_243 : i32 to vector<16xi32>
        %parallel_loop3A_245 = arith.select %parallel_loop3A_239, %parallel_loop3A_244, %parallel_loop3A_242 : vector<16xi1>, vector<16xi32>
        %parallel_loop3A_246 = arith.constant 16 : i32
        %parallel_loop3A_247 = vector.broadcast %parallel_loop3A_246 : i32 to vector<16xi32>
        %parallel_loop3A_248 = arith.cmpi eq, %parallel_loop3A_225, %parallel_loop3A_247 : vector<16xi32>
        %parallel_loop3A_249 = arith.constant 32 : i32
        %parallel_loop3A_250 = vector.broadcast %parallel_loop3A_249 : i32 to vector<16xi32>
        %parallel_loop3A_251 = arith.addi %parallel_loop3A_225, %parallel_loop3A_250 : vector<16xi32>
        %parallel_loop3A_252 = arith.constant 64 : i32
        %parallel_loop3A_253 = vector.broadcast %parallel_loop3A_252 : i32 to vector<16xi32>
        %parallel_loop3A_254 = arith.select %parallel_loop3A_248, %parallel_loop3A_253, %parallel_loop3A_251 : vector<16xi1>, vector<16xi32>
        %parallel_loop3A_255 = arith.minsi %parallel_loop3A_236, %parallel_loop3A_245 : vector<16xi32>
        %parallel_loop3A_256 = arith.constant 48 : i32
        %parallel_loop3A_257 = vector.broadcast %parallel_loop3A_256 : i32 to vector<16xi32>
        %parallel_loop3A_258 = arith.addi %parallel_loop3A_227, %parallel_loop3A_257 : vector<16xi32>
        %parallel_loop3A_259 = arith.minsi %parallel_loop3A_254, %parallel_loop3A_258 : vector<16xi32>
        %parallel_loop3A_260 = arith.minsi %parallel_loop3A_255, %parallel_loop3A_259 : vector<16xi32>
        tpu.vector_store_idx %arg6[%parallel_loop3A_260], %broadcast_in_dim3A_35 masked %eq3A_38 {add = true} : memref<64xf32, #tpu.memory_space<vmem>>[vector<16xi32>], vector<16xf32>, vector<16xi1>
      } {sc.loop_unroll_factor = 4 : i64, sc.parallel_access}
      %mul3A_149 = arith.constant 2 : i32
      %mul3A_150 = arith.muli %mul3A_149, %scan3A_125 : i32
      %add3A_151 = arith.constant 2 : i32
      %add3A_152 = arith.addi %mul3A_150, %add3A_151 : i32
      %add3A_153 = arith.addi %mul3A_32, %add3A_152 : i32
      %dma_start3A_154 = arith.constant 0 : i32
      %dma_start3A_155 = tpu.memref_slice %arg2[%select_n3A, %add3A_153, %dma_start3A_154] : memref<16x100x32000xf32, #tpu.memory_space<hbm>> -> memref<1x1x32000xf32, #tpu.memory_space<hbm>>
      %dma_start3A_156 = tpu.memref_squeeze %dma_start3A_155 : memref<1x1x32000xf32, #tpu.memory_space<hbm>> -> memref<32000xf32, #tpu.memory_space<hbm>>
      %dma_start3A_157 = arith.constant 0 : i32
      %dma_start3A_158 = tpu.memref_slice %arg2[%select_n3A, %add3A_153, %dma_start3A_157] : memref<16x100x32000xf32, #tpu.memory_space<hbm>> -> memref<1x1x32000xf32, #tpu.memory_space<hbm>>
      %dma_start3A_159 = tpu.memref_squeeze %dma_start3A_158 : memref<1x1x32000xf32, #tpu.memory_space<hbm>> -> memref<32000xf32, #tpu.memory_space<hbm>>
      tpu.enqueue_dma source(%dma_start3A_159 : memref<32000xf32, #tpu.memory_space<hbm>>) target(%arg4 : memref<32000xf32, #tpu.memory_space<vmem>>) target_semaphore(%arg9 : memref<!tpu.dma_semaphore, #tpu.memory_space<semaphore_mem>>)
      %dma_wait3A_160 = arith.constant 0 : i32
      %dma_wait3A_161 = arith.constant 0 : i32
      %dma_wait3A_162 = arith.constant 0 : i32
      %dma_wait3A_163 = tpu.memref_slice %arg2[%dma_wait3A_160, %dma_wait3A_161, %dma_wait3A_162] : memref<16x100x32000xf32, #tpu.memory_space<hbm>> -> memref<1x1x32000xf32, #tpu.memory_space<hbm>>
      %dma_wait3A_164 = tpu.memref_squeeze %dma_wait3A_163 : memref<1x1x32000xf32, #tpu.memory_space<hbm>> -> memref<32000xf32, #tpu.memory_space<hbm>>
      %dma_wait3A_165 = arith.constant 0 : i32
      %dma_wait3A_166 = tpu.memref_slice %arg2[%dma_wait3A_160, %dma_wait3A_161, %dma_wait3A_165] : memref<16x100x32000xf32, #tpu.memory_space<hbm>> -> memref<1x1x32000xf32, #tpu.memory_space<hbm>>
      %dma_wait3A_167 = tpu.memref_squeeze %dma_wait3A_166 : memref<1x1x32000xf32, #tpu.memory_space<hbm>> -> memref<32000xf32, #tpu.memory_space<hbm>>
      tpu.wait_dma2 semaphore(%arg10 : memref<!tpu.dma_semaphore, #tpu.memory_space<semaphore_mem>>) src(%dma_wait3A_167 : memref<32000xf32, #tpu.memory_space<hbm>>) dst(%arg5 : memref<32000xf32, #tpu.memory_space<vmem>>)
      %parallel_loop3A_168 = arith.constant 0 : i32
      %parallel_loop3A_169 = arith.constant 500 : i32
      %parallel_loop3A_170 = arith.constant 1 : i32
      scf.for %parallel_loop3A_172 = %parallel_loop3A_168 to %parallel_loop3A_169 step %parallel_loop3A_170  : i32 {
        %parallel_loop3A_173 = arith.constant 64 : i32
        %parallel_loop3A_174 = arith.muli %parallel_loop3A_172, %parallel_loop3A_173 : i32
        %parallel_loop3A_175 = arith.constant 16 : i32
        %parallel_loop3A_176 = arith.muli %parallel_loop3A_172, %parallel_loop3A_175 : i32
        %parallel_loop3A_177 = arith.constant 0 : i32
        %parallel_loop3A_178 = arith.addi %parallel_loop3A_174, %parallel_loop3A_177 : i32
        %parallel_loop3A_179 = arith.index_cast %parallel_loop3A_178 : i32 to index
        %parallel_loop3A_180 = tpu.vector_load %arg5[%parallel_loop3A_179] {strides = array<i32>} : memref<32000xf32, #tpu.memory_space<vmem>>, vector<16xf32>,
        %parallel_loop3A_181 = arith.constant 16 : i32
        %parallel_loop3A_182 = arith.addi %parallel_loop3A_174, %parallel_loop3A_181 : i32
        %parallel_loop3A_183 = arith.index_cast %parallel_loop3A_182 : i32 to index
        %parallel_loop3A_184 = tpu.vector_load %arg5[%parallel_loop3A_183] {strides = array<i32>} : memref<32000xf32, #tpu.memory_space<vmem>>, vector<16xf32>,
        %parallel_loop3A_185 = arith.constant 32 : i32
        %parallel_loop3A_186 = arith.addi %parallel_loop3A_174, %parallel_loop3A_185 : i32
        %parallel_loop3A_187 = arith.index_cast %parallel_loop3A_186 : i32 to index
        %parallel_loop3A_188 = tpu.vector_load %arg5[%parallel_loop3A_187] {strides = array<i32>} : memref<32000xf32, #tpu.memory_space<vmem>>, vector<16xf32>,
        %parallel_loop3A_189 = arith.constant 48 : i32
        %parallel_loop3A_190 = arith.addi %parallel_loop3A_174, %parallel_loop3A_189 : i32
        %parallel_loop3A_191 = arith.index_cast %parallel_loop3A_190 : i32 to index
        %parallel_loop3A_192 = tpu.vector_load %arg5[%parallel_loop3A_191] {strides = array<i32>} : memref<32000xf32, #tpu.memory_space<vmem>>, vector<16xf32>,
        %parallel_loop3A_193 = arith.maximumf %parallel_loop3A_180, %parallel_loop3A_184 : vector<16xf32>
        %parallel_loop3A_194 = arith.maximumf %parallel_loop3A_188, %parallel_loop3A_192 : vector<16xf32>
        %parallel_loop3A_195 = arith.maximumf %parallel_loop3A_193, %parallel_loop3A_194 : vector<16xf32>
        %parallel_loop3A_196 = arith.index_cast %parallel_loop3A_176 : i32 to index
        %parallel_loop3A_197 = tpu.vector_load %arg8[%parallel_loop3A_196] {strides = array<i32>} : memref<8000xf32, #tpu.memory_space<vmem>>, vector<16xf32>,
        tpu.vector_store %arg8[%parallel_loop3A_196], %parallel_loop3A_195 {strides = array<i32>} : memref<8000xf32, #tpu.memory_space<vmem>>, vector<16xf32>,
        %parallel_loop3A_198 = vector.broadcast %parallel_loop3A_176 : i32 to vector<16xi32>
        %parallel_loop3A_199 = arith.addi %xor3A_40, %parallel_loop3A_198 : vector<16xi32>
        %parallel_loop3A_200 = tpu.vector_load_idx %arg8[%parallel_loop3A_199] : memref<8000xf32, #tpu.memory_space<vmem>>[vector<16xi32>], vector<16xf32>,
        %parallel_loop3A_201 = arith.maximumf %parallel_loop3A_195, %parallel_loop3A_200 : vector<16xf32>
        %parallel_loop3A_202 = arith.index_cast %parallel_loop3A_176 : i32 to index
        %parallel_loop3A_203 = tpu.vector_load %arg8[%parallel_loop3A_202] {strides = array<i32>} : memref<8000xf32, #tpu.memory_space<vmem>>, vector<16xf32>,
        tpu.vector_store %arg8[%parallel_loop3A_202], %parallel_loop3A_201 {strides = array<i32>} : memref<8000xf32, #tpu.memory_space<vmem>>, vector<16xf32>,
        %parallel_loop3A_204 = vector.broadcast %parallel_loop3A_176 : i32 to vector<16xi32>
        %parallel_loop3A_205 = arith.addi %xor3A_43, %parallel_loop3A_204 : vector<16xi32>
        %parallel_loop3A_206 = tpu.vector_load_idx %arg8[%parallel_loop3A_205] : memref<8000xf32, #tpu.memory_space<vmem>>[vector<16xi32>], vector<16xf32>,
        %parallel_loop3A_207 = arith.maximumf %parallel_loop3A_201, %parallel_loop3A_206 : vector<16xf32>
        %parallel_loop3A_208 = arith.index_cast %parallel_loop3A_176 : i32 to index
        %parallel_loop3A_209 = tpu.vector_load %arg8[%parallel_loop3A_208] {strides = array<i32>} : memref<8000xf32, #tpu.memory_space<vmem>>, vector<16xf32>,
        tpu.vector_store %arg8[%parallel_loop3A_208], %parallel_loop3A_207 {strides = array<i32>} : memref<8000xf32, #tpu.memory_space<vmem>>, vector<16xf32>,
        %parallel_loop3A_210 = vector.broadcast %parallel_loop3A_176 : i32 to vector<16xi32>
        %parallel_loop3A_211 = arith.addi %xor3A_46, %parallel_loop3A_210 : vector<16xi32>
        %parallel_loop3A_212 = tpu.vector_load_idx %arg8[%parallel_loop3A_211] : memref<8000xf32, #tpu.memory_space<vmem>>[vector<16xi32>], vector<16xf32>,
        %parallel_loop3A_213 = arith.maximumf %parallel_loop3A_207, %parallel_loop3A_212 : vector<16xf32>
        %parallel_loop3A_214 = arith.index_cast %parallel_loop3A_176 : i32 to index
        %parallel_loop3A_215 = tpu.vector_load %arg8[%parallel_loop3A_214] {strides = array<i32>} : memref<8000xf32, #tpu.memory_space<vmem>>, vector<16xf32>,
        tpu.vector_store %arg8[%parallel_loop3A_214], %parallel_loop3A_213 {strides = array<i32>} : memref<8000xf32, #tpu.memory_space<vmem>>, vector<16xf32>,
        %parallel_loop3A_216 = vector.broadcast %parallel_loop3A_176 : i32 to vector<16xi32>
        %parallel_loop3A_217 = arith.addi %xor3A_49, %parallel_loop3A_216 : vector<16xi32>
        %parallel_loop3A_218 = tpu.vector_load_idx %arg8[%parallel_loop3A_217] : memref<8000xf32, #tpu.memory_space<vmem>>[vector<16xi32>], vector<16xf32>,
        %parallel_loop3A_219 = arith.maximumf %parallel_loop3A_213, %parallel_loop3A_218 : vector<16xf32>
        %parallel_loop3A_220 = arith.cmpf oeq, %parallel_loop3A_180, %parallel_loop3A_219 : vector<16xf32>
        %parallel_loop3A_221 = tpu.all_reduce %parallel_loop3A_220 {dim = 0 : i64, kind = #tpu.reduction_kind<find_first_set>} : vector<16xi1> -> vector<16xi32>
        %parallel_loop3A_222 = arith.cmpf oeq, %parallel_loop3A_184, %parallel_loop3A_219 : vector<16xf32>
        %parallel_loop3A_223 = tpu.all_reduce %parallel_loop3A_222 {dim = 0 : i64, kind = #tpu.reduction_kind<find_first_set>} : vector<16xi1> -> vector<16xi32>
        %parallel_loop3A_224 = arith.cmpf oeq, %parallel_loop3A_188, %parallel_loop3A_219 : vector<16xf32>
        %parallel_loop3A_225 = tpu.all_reduce %parallel_loop3A_224 {dim = 0 : i64, kind = #tpu.reduction_kind<find_first_set>} : vector<16xi1> -> vector<16xi32>
        %parallel_loop3A_226 = arith.cmpf oeq, %parallel_loop3A_192, %parallel_loop3A_219 : vector<16xf32>
        %parallel_loop3A_227 = tpu.all_reduce %parallel_loop3A_226 {dim = 0 : i64, kind = #tpu.reduction_kind<find_first_set>} : vector<16xi1> -> vector<16xi32>
        %parallel_loop3A_228 = arith.constant 16 : i32
        %parallel_loop3A_229 = vector.broadcast %parallel_loop3A_228 : i32 to vector<16xi32>
        %parallel_loop3A_230 = arith.cmpi eq, %parallel_loop3A_221, %parallel_loop3A_229 : vector<16xi32>
        %parallel_loop3A_231 = arith.constant 0 : i32
        %parallel_loop3A_232 = vector.broadcast %parallel_loop3A_231 : i32 to vector<16xi32>
        %parallel_loop3A_233 = arith.addi %parallel_loop3A_221, %parallel_loop3A_232 : vector<16xi32>
        %parallel_loop3A_234 = arith.constant 64 : i32
        %parallel_loop3A_235 = vector.broadcast %parallel_loop3A_234 : i32 to vector<16xi32>
        %parallel_loop3A_236 = arith.select %parallel_loop3A_230, %parallel_loop3A_235, %parallel_loop3A_233 : vector<16xi1>, vector<16xi32>
        %parallel_loop3A_237 = arith.constant 16 : i32
        %parallel_loop3A_238 = vector.broadcast %parallel_loop3A_237 : i32 to vector<16xi32>
        %parallel_loop3A_239 = arith.cmpi eq, %parallel_loop3A_223, %parallel_loop3A_238 : vector<16xi32>
        %parallel_loop3A_240 = arith.constant 16 : i32
        %parallel_loop3A_241 = vector.broadcast %parallel_loop3A_240 : i32 to vector<16xi32>
        %parallel_loop3A_242 = arith.addi %parallel_loop3A_223, %parallel_loop3A_241 : vector<16xi32>
        %parallel_loop3A_243 = arith.constant 64 : i32
        %parallel_loop3A_244 = vector.broadcast %parallel_loop3A_243 : i32 to vector<16xi32>
        %parallel_loop3A_245 = arith.select %parallel_loop3A_239, %parallel_loop3A_244, %parallel_loop3A_242 : vector<16xi1>, vector<16xi32>
        %parallel_loop3A_246 = arith.constant 16 : i32
        %parallel_loop3A_247 = vector.broadcast %parallel_loop3A_246 : i32 to vector<16xi32>
        %parallel_loop3A_248 = arith.cmpi eq, %parallel_loop3A_225, %parallel_loop3A_247 : vector<16xi32>
        %parallel_loop3A_249 = arith.constant 32 : i32
        %parallel_loop3A_250 = vector.broadcast %parallel_loop3A_249 : i32 to vector<16xi32>
        %parallel_loop3A_251 = arith.addi %parallel_loop3A_225, %parallel_loop3A_250 : vector<16xi32>
        %parallel_loop3A_252 = arith.constant 64 : i32
        %parallel_loop3A_253 = vector.broadcast %parallel_loop3A_252 : i32 to vector<16xi32>
        %parallel_loop3A_254 = arith.select %parallel_loop3A_248, %parallel_loop3A_253, %parallel_loop3A_251 : vector<16xi1>, vector<16xi32>
        %parallel_loop3A_255 = arith.minsi %parallel_loop3A_236, %parallel_loop3A_245 : vector<16xi32>
        %parallel_loop3A_256 = arith.constant 48 : i32
        %parallel_loop3A_257 = vector.broadcast %parallel_loop3A_256 : i32 to vector<16xi32>
        %parallel_loop3A_258 = arith.addi %parallel_loop3A_227, %parallel_loop3A_257 : vector<16xi32>
        %parallel_loop3A_259 = arith.minsi %parallel_loop3A_254, %parallel_loop3A_258 : vector<16xi32>
        %parallel_loop3A_260 = arith.minsi %parallel_loop3A_255, %parallel_loop3A_259 : vector<16xi32>
        tpu.vector_store_idx %arg6[%parallel_loop3A_260], %broadcast_in_dim3A_35 masked %eq3A_38 {add = true} : memref<64xf32, #tpu.memory_space<vmem>>[vector<16xi32>], vector<16xf32>, vector<16xi1>
      } {sc.loop_unroll_factor = 4 : i64, sc.parallel_access}
      %scan3A_171 = arith.constant 0 : i32
      scf.yield %scan3A_171 : i32
    }
    %scan3A_69 = arith.constant 24 : i32
    %add3A_70 = arith.constant 49 : i32
    %add3A_71 = arith.addi %mul3A_32, %add3A_70 : i32
    %dma_start3A_72 = arith.constant 0 : i32
    %dma_start3A_73 = tpu.memref_slice %arg2[%select_n3A, %add3A_71, %dma_start3A_72] : memref<16x100x32000xf32, #tpu.memory_space<hbm>> -> memref<1x1x32000xf32, #tpu.memory_space<hbm>>
    %dma_start3A_74 = tpu.memref_squeeze %dma_start3A_73 : memref<1x1x32000xf32, #tpu.memory_space<hbm>> -> memref<32000xf32, #tpu.memory_space<hbm>>
    %dma_start3A_75 = arith.constant 0 : i32
    %dma_start3A_76 = tpu.memref_slice %arg2[%select_n3A, %add3A_71, %dma_start3A_75] : memref<16x100x32000xf32, #tpu.memory_space<hbm>> -> memref<1x1x32000xf32, #tpu.memory_space<hbm>>
    %dma_start3A_77 = tpu.memref_squeeze %dma_start3A_76 : memref<1x1x32000xf32, #tpu.memory_space<hbm>> -> memref<32000xf32, #tpu.memory_space<hbm>>
    tpu.enqueue_dma source(%dma_start3A_77 : memref<32000xf32, #tpu.memory_space<hbm>>) target(%arg5 : memref<32000xf32, #tpu.memory_space<vmem>>) target_semaphore(%arg10 : memref<!tpu.dma_semaphore, #tpu.memory_space<semaphore_mem>>)
    %dma_wait3A = arith.constant 0 : i32
    %dma_wait3A_78 = arith.constant 0 : i32
    %dma_wait3A_79 = arith.constant 0 : i32
    %dma_wait3A_80 = tpu.memref_slice %arg2[%dma_wait3A, %dma_wait3A_78, %dma_wait3A_79] : memref<16x100x32000xf32, #tpu.memory_space<hbm>> -> memref<1x1x32000xf32, #tpu.memory_space<hbm>>
    %dma_wait3A_81 = tpu.memref_squeeze %dma_wait3A_80 : memref<1x1x32000xf32, #tpu.memory_space<hbm>> -> memref<32000xf32, #tpu.memory_space<hbm>>
    %dma_wait3A_82 = arith.constant 0 : i32
    %dma_wait3A_83 = tpu.memref_slice %arg2[%dma_wait3A, %dma_wait3A_78, %dma_wait3A_82] : memref<16x100x32000xf32, #tpu.memory_space<hbm>> -> memref<1x1x32000xf32, #tpu.memory_space<hbm>>
    %dma_wait3A_84 = tpu.memref_squeeze %dma_wait3A_83 : memref<1x1x32000xf32, #tpu.memory_space<hbm>> -> memref<32000xf32, #tpu.memory_space<hbm>>
    tpu.wait_dma2 semaphore(%arg9 : memref<!tpu.dma_semaphore, #tpu.memory_space<semaphore_mem>>) src(%dma_wait3A_84 : memref<32000xf32, #tpu.memory_space<hbm>>) dst(%arg4 : memref<32000xf32, #tpu.memory_space<vmem>>)
    %parallel_loop3A = arith.constant 0 : i32
    %parallel_loop3A_85 = arith.constant 500 : i32
    %parallel_loop3A_86 = arith.constant 1 : i32
    scf.for %parallel_loop3A_125 = %parallel_loop3A to %parallel_loop3A_85 step %parallel_loop3A_86  : i32 {
      %parallel_loop3A_126 = arith.constant 64 : i32
      %parallel_loop3A_127 = arith.muli %parallel_loop3A_125, %parallel_loop3A_126 : i32
      %parallel_loop3A_128 = arith.constant 16 : i32
      %parallel_loop3A_129 = arith.muli %parallel_loop3A_125, %parallel_loop3A_128 : i32
      %parallel_loop3A_130 = arith.constant 0 : i32
      %parallel_loop3A_131 = arith.addi %parallel_loop3A_127, %parallel_loop3A_130 : i32
      %parallel_loop3A_132 = arith.index_cast %parallel_loop3A_131 : i32 to index
      %parallel_loop3A_133 = tpu.vector_load %arg4[%parallel_loop3A_132] {strides = array<i32>} : memref<32000xf32, #tpu.memory_space<vmem>>, vector<16xf32>,
      %parallel_loop3A_134 = arith.constant 16 : i32
      %parallel_loop3A_135 = arith.addi %parallel_loop3A_127, %parallel_loop3A_134 : i32
      %parallel_loop3A_136 = arith.index_cast %parallel_loop3A_135 : i32 to index
      %parallel_loop3A_137 = tpu.vector_load %arg4[%parallel_loop3A_136] {strides = array<i32>} : memref<32000xf32, #tpu.memory_space<vmem>>, vector<16xf32>,
      %parallel_loop3A_138 = arith.constant 32 : i32
      %parallel_loop3A_139 = arith.addi %parallel_loop3A_127, %parallel_loop3A_138 : i32
      %parallel_loop3A_140 = arith.index_cast %parallel_loop3A_139 : i32 to index
      %parallel_loop3A_141 = tpu.vector_load %arg4[%parallel_loop3A_140] {strides = array<i32>} : memref<32000xf32, #tpu.memory_space<vmem>>, vector<16xf32>,
      %parallel_loop3A_142 = arith.constant 48 : i32
      %parallel_loop3A_143 = arith.addi %parallel_loop3A_127, %parallel_loop3A_142 : i32
      %parallel_loop3A_144 = arith.index_cast %parallel_loop3A_143 : i32 to index
      %parallel_loop3A_145 = tpu.vector_load %arg4[%parallel_loop3A_144] {strides = array<i32>} : memref<32000xf32, #tpu.memory_space<vmem>>, vector<16xf32>,
      %parallel_loop3A_146 = arith.maximumf %parallel_loop3A_133, %parallel_loop3A_137 : vector<16xf32>
      %parallel_loop3A_147 = arith.maximumf %parallel_loop3A_141, %parallel_loop3A_145 : vector<16xf32>
      %parallel_loop3A_148 = arith.maximumf %parallel_loop3A_146, %parallel_loop3A_147 : vector<16xf32>
      %parallel_loop3A_149 = arith.index_cast %parallel_loop3A_129 : i32 to index
      %parallel_loop3A_150 = tpu.vector_load %arg8[%parallel_loop3A_149] {strides = array<i32>} : memref<8000xf32, #tpu.memory_space<vmem>>, vector<16xf32>,
      tpu.vector_store %arg8[%parallel_loop3A_149], %parallel_loop3A_148 {strides = array<i32>} : memref<8000xf32, #tpu.memory_space<vmem>>, vector<16xf32>,
      %parallel_loop3A_151 = vector.broadcast %parallel_loop3A_129 : i32 to vector<16xi32>
      %parallel_loop3A_152 = arith.addi %xor3A_40, %parallel_loop3A_151 : vector<16xi32>
      %parallel_loop3A_153 = tpu.vector_load_idx %arg8[%parallel_loop3A_152] : memref<8000xf32, #tpu.memory_space<vmem>>[vector<16xi32>], vector<16xf32>,
      %parallel_loop3A_154 = arith.maximumf %parallel_loop3A_148, %parallel_loop3A_153 : vector<16xf32>
      %parallel_loop3A_155 = arith.index_cast %parallel_loop3A_129 : i32 to index
      %parallel_loop3A_156 = tpu.vector_load %arg8[%parallel_loop3A_155] {strides = array<i32>} : memref<8000xf32, #tpu.memory_space<vmem>>, vector<16xf32>,
      tpu.vector_store %arg8[%parallel_loop3A_155], %parallel_loop3A_154 {strides = array<i32>} : memref<8000xf32, #tpu.memory_space<vmem>>, vector<16xf32>,
      %parallel_loop3A_157 = vector.broadcast %parallel_loop3A_129 : i32 to vector<16xi32>
      %parallel_loop3A_158 = arith.addi %xor3A_43, %parallel_loop3A_157 : vector<16xi32>
      %parallel_loop3A_159 = tpu.vector_load_idx %arg8[%parallel_loop3A_158] : memref<8000xf32, #tpu.memory_space<vmem>>[vector<16xi32>], vector<16xf32>,
      %parallel_loop3A_160 = arith.maximumf %parallel_loop3A_154, %parallel_loop3A_159 : vector<16xf32>
      %parallel_loop3A_161 = arith.index_cast %parallel_loop3A_129 : i32 to index
      %parallel_loop3A_162 = tpu.vector_load %arg8[%parallel_loop3A_161] {strides = array<i32>} : memref<8000xf32, #tpu.memory_space<vmem>>, vector<16xf32>,
      tpu.vector_store %arg8[%parallel_loop3A_161], %parallel_loop3A_160 {strides = array<i32>} : memref<8000xf32, #tpu.memory_space<vmem>>, vector<16xf32>,
      %parallel_loop3A_163 = vector.broadcast %parallel_loop3A_129 : i32 to vector<16xi32>
      %parallel_loop3A_164 = arith.addi %xor3A_46, %parallel_loop3A_163 : vector<16xi32>
      %parallel_loop3A_165 = tpu.vector_load_idx %arg8[%parallel_loop3A_164] : memref<8000xf32, #tpu.memory_space<vmem>>[vector<16xi32>], vector<16xf32>,
      %parallel_loop3A_166 = arith.maximumf %parallel_loop3A_160, %parallel_loop3A_165 : vector<16xf32>
      %parallel_loop3A_167 = arith.index_cast %parallel_loop3A_129 : i32 to index
      %parallel_loop3A_168 = tpu.vector_load %arg8[%parallel_loop3A_167] {strides = array<i32>} : memref<8000xf32, #tpu.memory_space<vmem>>, vector<16xf32>,
      tpu.vector_store %arg8[%parallel_loop3A_167], %parallel_loop3A_166 {strides = array<i32>} : memref<8000xf32, #tpu.memory_space<vmem>>, vector<16xf32>,
      %parallel_loop3A_169 = vector.broadcast %parallel_loop3A_129 : i32 to vector<16xi32>
      %parallel_loop3A_170 = arith.addi %xor3A_49, %parallel_loop3A_169 : vector<16xi32>
      %parallel_loop3A_171 = tpu.vector_load_idx %arg8[%parallel_loop3A_170] : memref<8000xf32, #tpu.memory_space<vmem>>[vector<16xi32>], vector<16xf32>,
      %parallel_loop3A_172 = arith.maximumf %parallel_loop3A_166, %parallel_loop3A_171 : vector<16xf32>
      %parallel_loop3A_173 = arith.cmpf oeq, %parallel_loop3A_133, %parallel_loop3A_172 : vector<16xf32>
      %parallel_loop3A_174 = tpu.all_reduce %parallel_loop3A_173 {dim = 0 : i64, kind = #tpu.reduction_kind<find_first_set>} : vector<16xi1> -> vector<16xi32>
      %parallel_loop3A_175 = arith.cmpf oeq, %parallel_loop3A_137, %parallel_loop3A_172 : vector<16xf32>
      %parallel_loop3A_176 = tpu.all_reduce %parallel_loop3A_175 {dim = 0 : i64, kind = #tpu.reduction_kind<find_first_set>} : vector<16xi1> -> vector<16xi32>
      %parallel_loop3A_177 = arith.cmpf oeq, %parallel_loop3A_141, %parallel_loop3A_172 : vector<16xf32>
      %parallel_loop3A_178 = tpu.all_reduce %parallel_loop3A_177 {dim = 0 : i64, kind = #tpu.reduction_kind<find_first_set>} : vector<16xi1> -> vector<16xi32>
      %parallel_loop3A_179 = arith.cmpf oeq, %parallel_loop3A_145, %parallel_loop3A_172 : vector<16xf32>
      %parallel_loop3A_180 = tpu.all_reduce %parallel_loop3A_179 {dim = 0 : i64, kind = #tpu.reduction_kind<find_first_set>} : vector<16xi1> -> vector<16xi32>
      %parallel_loop3A_181 = arith.constant 16 : i32
      %parallel_loop3A_182 = vector.broadcast %parallel_loop3A_181 : i32 to vector<16xi32>
      %parallel_loop3A_183 = arith.cmpi eq, %parallel_loop3A_174, %parallel_loop3A_182 : vector<16xi32>
      %parallel_loop3A_184 = arith.constant 0 : i32
      %parallel_loop3A_185 = vector.broadcast %parallel_loop3A_184 : i32 to vector<16xi32>
      %parallel_loop3A_186 = arith.addi %parallel_loop3A_174, %parallel_loop3A_185 : vector<16xi32>
      %parallel_loop3A_187 = arith.constant 64 : i32
      %parallel_loop3A_188 = vector.broadcast %parallel_loop3A_187 : i32 to vector<16xi32>
      %parallel_loop3A_189 = arith.select %parallel_loop3A_183, %parallel_loop3A_188, %parallel_loop3A_186 : vector<16xi1>, vector<16xi32>
      %parallel_loop3A_190 = arith.constant 16 : i32
      %parallel_loop3A_191 = vector.broadcast %parallel_loop3A_190 : i32 to vector<16xi32>
      %parallel_loop3A_192 = arith.cmpi eq, %parallel_loop3A_176, %parallel_loop3A_191 : vector<16xi32>
      %parallel_loop3A_193 = arith.constant 16 : i32
      %parallel_loop3A_194 = vector.broadcast %parallel_loop3A_193 : i32 to vector<16xi32>
      %parallel_loop3A_195 = arith.addi %parallel_loop3A_176, %parallel_loop3A_194 : vector<16xi32>
      %parallel_loop3A_196 = arith.constant 64 : i32
      %parallel_loop3A_197 = vector.broadcast %parallel_loop3A_196 : i32 to vector<16xi32>
      %parallel_loop3A_198 = arith.select %parallel_loop3A_192, %parallel_loop3A_197, %parallel_loop3A_195 : vector<16xi1>, vector<16xi32>
      %parallel_loop3A_199 = arith.constant 16 : i32
      %parallel_loop3A_200 = vector.broadcast %parallel_loop3A_199 : i32 to vector<16xi32>
      %parallel_loop3A_201 = arith.cmpi eq, %parallel_loop3A_178, %parallel_loop3A_200 : vector<16xi32>
      %parallel_loop3A_202 = arith.constant 32 : i32
      %parallel_loop3A_203 = vector.broadcast %parallel_loop3A_202 : i32 to vector<16xi32>
      %parallel_loop3A_204 = arith.addi %parallel_loop3A_178, %parallel_loop3A_203 : vector<16xi32>
      %parallel_loop3A_205 = arith.constant 64 : i32
      %parallel_loop3A_206 = vector.broadcast %parallel_loop3A_205 : i32 to vector<16xi32>
      %parallel_loop3A_207 = arith.select %parallel_loop3A_201, %parallel_loop3A_206, %parallel_loop3A_204 : vector<16xi1>, vector<16xi32>
      %parallel_loop3A_208 = arith.minsi %parallel_loop3A_189, %parallel_loop3A_198 : vector<16xi32>
      %parallel_loop3A_209 = arith.constant 48 : i32
      %parallel_loop3A_210 = vector.broadcast %parallel_loop3A_209 : i32 to vector<16xi32>
      %parallel_loop3A_211 = arith.addi %parallel_loop3A_180, %parallel_loop3A_210 : vector<16xi32>
      %parallel_loop3A_212 = arith.minsi %parallel_loop3A_207, %parallel_loop3A_211 : vector<16xi32>
      %parallel_loop3A_213 = arith.minsi %parallel_loop3A_208, %parallel_loop3A_212 : vector<16xi32>
      tpu.vector_store_idx %arg6[%parallel_loop3A_213], %broadcast_in_dim3A_35 masked %eq3A_38 {add = true} : memref<64xf32, #tpu.memory_space<vmem>>[vector<16xi32>], vector<16xf32>, vector<16xi1>
    } {sc.loop_unroll_factor = 4 : i64, sc.parallel_access}
    %dma_wait3A_87 = arith.constant 0 : i32
    %dma_wait3A_88 = arith.constant 0 : i32
    %dma_wait3A_89 = arith.constant 0 : i32
    %dma_wait3A_90 = tpu.memref_slice %arg2[%dma_wait3A_87, %dma_wait3A_88, %dma_wait3A_89] : memref<16x100x32000xf32, #tpu.memory_space<hbm>> -> memref<1x1x32000xf32, #tpu.memory_space<hbm>>
    %dma_wait3A_91 = tpu.memref_squeeze %dma_wait3A_90 : memref<1x1x32000xf32, #tpu.memory_space<hbm>> -> memref<32000xf32, #tpu.memory_space<hbm>>
    %dma_wait3A_92 = arith.constant 0 : i32
    %dma_wait3A_93 = tpu.memref_slice %arg2[%dma_wait3A_87, %dma_wait3A_88, %dma_wait3A_92] : memref<16x100x32000xf32, #tpu.memory_space<hbm>> -> memref<1x1x32000xf32, #tpu.memory_space<hbm>>
    %dma_wait3A_94 = tpu.memref_squeeze %dma_wait3A_93 : memref<1x1x32000xf32, #tpu.memory_space<hbm>> -> memref<32000xf32, #tpu.memory_space<hbm>>
    tpu.wait_dma2 semaphore(%arg10 : memref<!tpu.dma_semaphore, #tpu.memory_space<semaphore_mem>>) src(%dma_wait3A_94 : memref<32000xf32, #tpu.memory_space<hbm>>) dst(%arg5 : memref<32000xf32, #tpu.memory_space<vmem>>)
    %parallel_loop3A_95 = arith.constant 0 : i32
    %parallel_loop3A_96 = arith.constant 500 : i32
    %parallel_loop3A_97 = arith.constant 1 : i32
    scf.for %parallel_loop3A_125 = %parallel_loop3A_95 to %parallel_loop3A_96 step %parallel_loop3A_97  : i32 {
      %parallel_loop3A_126 = arith.constant 64 : i32
      %parallel_loop3A_127 = arith.muli %parallel_loop3A_125, %parallel_loop3A_126 : i32
      %parallel_loop3A_128 = arith.constant 16 : i32
      %parallel_loop3A_129 = arith.muli %parallel_loop3A_125, %parallel_loop3A_128 : i32
      %parallel_loop3A_130 = arith.constant 0 : i32
      %parallel_loop3A_131 = arith.addi %parallel_loop3A_127, %parallel_loop3A_130 : i32
      %parallel_loop3A_132 = arith.index_cast %parallel_loop3A_131 : i32 to index
      %parallel_loop3A_133 = tpu.vector_load %arg5[%parallel_loop3A_132] {strides = array<i32>} : memref<32000xf32, #tpu.memory_space<vmem>>, vector<16xf32>,
      %parallel_loop3A_134 = arith.constant 16 : i32
      %parallel_loop3A_135 = arith.addi %parallel_loop3A_127, %parallel_loop3A_134 : i32
      %parallel_loop3A_136 = arith.index_cast %parallel_loop3A_135 : i32 to index
      %parallel_loop3A_137 = tpu.vector_load %arg5[%parallel_loop3A_136] {strides = array<i32>} : memref<32000xf32, #tpu.memory_space<vmem>>, vector<16xf32>,
      %parallel_loop3A_138 = arith.constant 32 : i32
      %parallel_loop3A_139 = arith.addi %parallel_loop3A_127, %parallel_loop3A_138 : i32
      %parallel_loop3A_140 = arith.index_cast %parallel_loop3A_139 : i32 to index
      %parallel_loop3A_141 = tpu.vector_load %arg5[%parallel_loop3A_140] {strides = array<i32>} : memref<32000xf32, #tpu.memory_space<vmem>>, vector<16xf32>,
      %parallel_loop3A_142 = arith.constant 48 : i32
      %parallel_loop3A_143 = arith.addi %parallel_loop3A_127, %parallel_loop3A_142 : i32
      %parallel_loop3A_144 = arith.index_cast %parallel_loop3A_143 : i32 to index
      %parallel_loop3A_145 = tpu.vector_load %arg5[%parallel_loop3A_144] {strides = array<i32>} : memref<32000xf32, #tpu.memory_space<vmem>>, vector<16xf32>,
      %parallel_loop3A_146 = arith.maximumf %parallel_loop3A_133, %parallel_loop3A_137 : vector<16xf32>
      %parallel_loop3A_147 = arith.maximumf %parallel_loop3A_141, %parallel_loop3A_145 : vector<16xf32>
      %parallel_loop3A_148 = arith.maximumf %parallel_loop3A_146, %parallel_loop3A_147 : vector<16xf32>
      %parallel_loop3A_149 = arith.index_cast %parallel_loop3A_129 : i32 to index
      %parallel_loop3A_150 = tpu.vector_load %arg8[%parallel_loop3A_149] {strides = array<i32>} : memref<8000xf32, #tpu.memory_space<vmem>>, vector<16xf32>,
      tpu.vector_store %arg8[%parallel_loop3A_149], %parallel_loop3A_148 {strides = array<i32>} : memref<8000xf32, #tpu.memory_space<vmem>>, vector<16xf32>,
      %parallel_loop3A_151 = vector.broadcast %parallel_loop3A_129 : i32 to vector<16xi32>
      %parallel_loop3A_152 = arith.addi %xor3A_40, %parallel_loop3A_151 : vector<16xi32>
      %parallel_loop3A_153 = tpu.vector_load_idx %arg8[%parallel_loop3A_152] : memref<8000xf32, #tpu.memory_space<vmem>>[vector<16xi32>], vector<16xf32>,
      %parallel_loop3A_154 = arith.maximumf %parallel_loop3A_148, %parallel_loop3A_153 : vector<16xf32>
      %parallel_loop3A_155 = arith.index_cast %parallel_loop3A_129 : i32 to index
      %parallel_loop3A_156 = tpu.vector_load %arg8[%parallel_loop3A_155] {strides = array<i32>} : memref<8000xf32, #tpu.memory_space<vmem>>, vector<16xf32>,
      tpu.vector_store %arg8[%parallel_loop3A_155], %parallel_loop3A_154 {strides = array<i32>} : memref<8000xf32, #tpu.memory_space<vmem>>, vector<16xf32>,
      %parallel_loop3A_157 = vector.broadcast %parallel_loop3A_129 : i32 to vector<16xi32>
      %parallel_loop3A_158 = arith.addi %xor3A_43, %parallel_loop3A_157 : vector<16xi32>
      %parallel_loop3A_159 = tpu.vector_load_idx %arg8[%parallel_loop3A_158] : memref<8000xf32, #tpu.memory_space<vmem>>[vector<16xi32>], vector<16xf32>,
      %parallel_loop3A_160 = arith.maximumf %parallel_loop3A_154, %parallel_loop3A_159 : vector<16xf32>
      %parallel_loop3A_161 = arith.index_cast %parallel_loop3A_129 : i32 to index
      %parallel_loop3A_162 = tpu.vector_load %arg8[%parallel_loop3A_161] {strides = array<i32>} : memref<8000xf32, #tpu.memory_space<vmem>>, vector<16xf32>,
      tpu.vector_store %arg8[%parallel_loop3A_161], %parallel_loop3A_160 {strides = array<i32>} : memref<8000xf32, #tpu.memory_space<vmem>>, vector<16xf32>,
      %parallel_loop3A_163 = vector.broadcast %parallel_loop3A_129 : i32 to vector<16xi32>
      %parallel_loop3A_164 = arith.addi %xor3A_46, %parallel_loop3A_163 : vector<16xi32>
      %parallel_loop3A_165 = tpu.vector_load_idx %arg8[%parallel_loop3A_164] : memref<8000xf32, #tpu.memory_space<vmem>>[vector<16xi32>], vector<16xf32>,
      %parallel_loop3A_166 = arith.maximumf %parallel_loop3A_160, %parallel_loop3A_165 : vector<16xf32>
      %parallel_loop3A_167 = arith.index_cast %parallel_loop3A_129 : i32 to index
      %parallel_loop3A_168 = tpu.vector_load %arg8[%parallel_loop3A_167] {strides = array<i32>} : memref<8000xf32, #tpu.memory_space<vmem>>, vector<16xf32>,
      tpu.vector_store %arg8[%parallel_loop3A_167], %parallel_loop3A_166 {strides = array<i32>} : memref<8000xf32, #tpu.memory_space<vmem>>, vector<16xf32>,
      %parallel_loop3A_169 = vector.broadcast %parallel_loop3A_129 : i32 to vector<16xi32>
      %parallel_loop3A_170 = arith.addi %xor3A_49, %parallel_loop3A_169 : vector<16xi32>
      %parallel_loop3A_171 = tpu.vector_load_idx %arg8[%parallel_loop3A_170] : memref<8000xf32, #tpu.memory_space<vmem>>[vector<16xi32>], vector<16xf32>,
      %parallel_loop3A_172 = arith.maximumf %parallel_loop3A_166, %parallel_loop3A_171 : vector<16xf32>
      %parallel_loop3A_173 = arith.cmpf oeq, %parallel_loop3A_133, %parallel_loop3A_172 : vector<16xf32>
      %parallel_loop3A_174 = tpu.all_reduce %parallel_loop3A_173 {dim = 0 : i64, kind = #tpu.reduction_kind<find_first_set>} : vector<16xi1> -> vector<16xi32>
      %parallel_loop3A_175 = arith.cmpf oeq, %parallel_loop3A_137, %parallel_loop3A_172 : vector<16xf32>
      %parallel_loop3A_176 = tpu.all_reduce %parallel_loop3A_175 {dim = 0 : i64, kind = #tpu.reduction_kind<find_first_set>} : vector<16xi1> -> vector<16xi32>
      %parallel_loop3A_177 = arith.cmpf oeq, %parallel_loop3A_141, %parallel_loop3A_172 : vector<16xf32>
      %parallel_loop3A_178 = tpu.all_reduce %parallel_loop3A_177 {dim = 0 : i64, kind = #tpu.reduction_kind<find_first_set>} : vector<16xi1> -> vector<16xi32>
      %parallel_loop3A_179 = arith.cmpf oeq, %parallel_loop3A_145, %parallel_loop3A_172 : vector<16xf32>
      %parallel_loop3A_180 = tpu.all_reduce %parallel_loop3A_179 {dim = 0 : i64, kind = #tpu.reduction_kind<find_first_set>} : vector<16xi1> -> vector<16xi32>
      %parallel_loop3A_181 = arith.constant 16 : i32
      %parallel_loop3A_182 = vector.broadcast %parallel_loop3A_181 : i32 to vector<16xi32>
      %parallel_loop3A_183 = arith.cmpi eq, %parallel_loop3A_174, %parallel_loop3A_182 : vector<16xi32>
      %parallel_loop3A_184 = arith.constant 0 : i32
      %parallel_loop3A_185 = vector.broadcast %parallel_loop3A_184 : i32 to vector<16xi32>
      %parallel_loop3A_186 = arith.addi %parallel_loop3A_174, %parallel_loop3A_185 : vector<16xi32>
      %parallel_loop3A_187 = arith.constant 64 : i32
      %parallel_loop3A_188 = vector.broadcast %parallel_loop3A_187 : i32 to vector<16xi32>
      %parallel_loop3A_189 = arith.select %parallel_loop3A_183, %parallel_loop3A_188, %parallel_loop3A_186 : vector<16xi1>, vector<16xi32>
      %parallel_loop3A_190 = arith.constant 16 : i32
      %parallel_loop3A_191 = vector.broadcast %parallel_loop3A_190 : i32 to vector<16xi32>
      %parallel_loop3A_192 = arith.cmpi eq, %parallel_loop3A_176, %parallel_loop3A_191 : vector<16xi32>
      %parallel_loop3A_193 = arith.constant 16 : i32
      %parallel_loop3A_194 = vector.broadcast %parallel_loop3A_193 : i32 to vector<16xi32>
      %parallel_loop3A_195 = arith.addi %parallel_loop3A_176, %parallel_loop3A_194 : vector<16xi32>
      %parallel_loop3A_196 = arith.constant 64 : i32
      %parallel_loop3A_197 = vector.broadcast %parallel_loop3A_196 : i32 to vector<16xi32>
      %parallel_loop3A_198 = arith.select %parallel_loop3A_192, %parallel_loop3A_197, %parallel_loop3A_195 : vector<16xi1>, vector<16xi32>
      %parallel_loop3A_199 = arith.constant 16 : i32
      %parallel_loop3A_200 = vector.broadcast %parallel_loop3A_199 : i32 to vector<16xi32>
      %parallel_loop3A_201 = arith.cmpi eq, %parallel_loop3A_178, %parallel_loop3A_200 : vector<16xi32>
      %parallel_loop3A_202 = arith.constant 32 : i32
      %parallel_loop3A_203 = vector.broadcast %parallel_loop3A_202 : i32 to vector<16xi32>
      %parallel_loop3A_204 = arith.addi %parallel_loop3A_178, %parallel_loop3A_203 : vector<16xi32>
      %parallel_loop3A_205 = arith.constant 64 : i32
      %parallel_loop3A_206 = vector.broadcast %parallel_loop3A_205 : i32 to vector<16xi32>
      %parallel_loop3A_207 = arith.select %parallel_loop3A_201, %parallel_loop3A_206, %parallel_loop3A_204 : vector<16xi1>, vector<16xi32>
      %parallel_loop3A_208 = arith.minsi %parallel_loop3A_189, %parallel_loop3A_198 : vector<16xi32>
      %parallel_loop3A_209 = arith.constant 48 : i32
      %parallel_loop3A_210 = vector.broadcast %parallel_loop3A_209 : i32 to vector<16xi32>
      %parallel_loop3A_211 = arith.addi %parallel_loop3A_180, %parallel_loop3A_210 : vector<16xi32>
      %parallel_loop3A_212 = arith.minsi %parallel_loop3A_207, %parallel_loop3A_211 : vector<16xi32>
      %parallel_loop3A_213 = arith.minsi %parallel_loop3A_208, %parallel_loop3A_212 : vector<16xi32>
      tpu.vector_store_idx %arg6[%parallel_loop3A_213], %broadcast_in_dim3A_35 masked %eq3A_38 {add = true} : memref<64xf32, #tpu.memory_space<vmem>>[vector<16xi32>], vector<16xf32>, vector<16xi1>
    } {sc.loop_unroll_factor = 4 : i64, sc.parallel_access}
    %get3A = arith.constant 0 : index
    %get3A_98 = tpu.vector_load %arg6[%get3A] {strides = array<i32>} : memref<64xf32, #tpu.memory_space<vmem>>, vector<16xf32>,
    %mul3A_99 = arith.constant 2.000000e-05 : f32
    %mul3A_100 = vector.broadcast %mul3A_99 : f32 to vector<16xf32>
    %mul3A_101 = arith.mulf %get3A_98, %mul3A_100 : vector<16xf32>
    %swap3A_102 = arith.constant 0 : index
    %swap3A_103 = tpu.vector_load %arg7[%swap3A_102] {strides = array<i32>} : memref<64xf32, #tpu.memory_space<vmem>>, vector<16xf32>,
    tpu.vector_store %arg7[%swap3A_102], %mul3A_101 {strides = array<i32>} : memref<64xf32, #tpu.memory_space<vmem>>, vector<16xf32>,
    %get3A_104 = arith.constant 16 : index
    %get3A_105 = tpu.vector_load %arg6[%get3A_104] {strides = array<i32>} : memref<64xf32, #tpu.memory_space<vmem>>, vector<16xf32>,
    %mul3A_106 = arith.constant 2.000000e-05 : f32
    %mul3A_107 = vector.broadcast %mul3A_106 : f32 to vector<16xf32>
    %mul3A_108 = arith.mulf %get3A_105, %mul3A_107 : vector<16xf32>
    %swap3A_109 = arith.constant 16 : index
    %swap3A_110 = tpu.vector_load %arg7[%swap3A_109] {strides = array<i32>} : memref<64xf32, #tpu.memory_space<vmem>>, vector<16xf32>,
    tpu.vector_store %arg7[%swap3A_109], %mul3A_108 {strides = array<i32>} : memref<64xf32, #tpu.memory_space<vmem>>, vector<16xf32>,
    %get3A_111 = arith.constant 32 : index
    %get3A_112 = tpu.vector_load %arg6[%get3A_111] {strides = array<i32>} : memref<64xf32, #tpu.memory_space<vmem>>, vector<16xf32>,
    %mul3A_113 = arith.constant 2.000000e-05 : f32
    %mul3A_114 = vector.broadcast %mul3A_113 : f32 to vector<16xf32>
    %mul3A_115 = arith.mulf %get3A_112, %mul3A_114 : vector<16xf32>
    %swap3A_116 = arith.constant 32 : index
    %swap3A_117 = tpu.vector_load %arg7[%swap3A_116] {strides = array<i32>} : memref<64xf32, #tpu.memory_space<vmem>>, vector<16xf32>,
    tpu.vector_store %arg7[%swap3A_116], %mul3A_115 {strides = array<i32>} : memref<64xf32, #tpu.memory_space<vmem>>, vector<16xf32>,
    %get3A_118 = arith.constant 48 : index
    %get3A_119 = tpu.vector_load %arg6[%get3A_118] {strides = array<i32>} : memref<64xf32, #tpu.memory_space<vmem>>, vector<16xf32>,
    %mul3A_120 = arith.constant 2.000000e-05 : f32
    %mul3A_121 = vector.broadcast %mul3A_120 : f32 to vector<16xf32>
    %mul3A_122 = arith.mulf %get3A_119, %mul3A_121 : vector<16xf32>
    %swap3A_123 = arith.constant 48 : index
    %swap3A_124 = tpu.vector_load %arg7[%swap3A_123] {strides = array<i32>} : memref<64xf32, #tpu.memory_space<vmem>>, vector<16xf32>,
    tpu.vector_store %arg7[%swap3A_123], %mul3A_122 {strides = array<i32>} : memref<64xf32, #tpu.memory_space<vmem>>, vector<16xf32>,
    "tpu.region"() ({
      %run_scoped3A = tpu.sem_alloc : memref<!tpu.dma_semaphore, #tpu.memory_space<semaphore_mem>>
      %dma_start3A_125 = arith.constant 0 : i32
      %dma_start3A_126 = tpu.memref_slice %arg3[%add3A, %dma_start3A_125] : memref<32x64xf32, #tpu.memory_space<hbm>> -> memref<1x64xf32, #tpu.memory_space<hbm>>
      %dma_start3A_127 = tpu.memref_squeeze %dma_start3A_126 : memref<1x64xf32, #tpu.memory_space<hbm>> -> memref<64xf32, #tpu.memory_space<hbm>>
      %dma_start3A_128 = arith.constant 0 : i32
      %dma_start3A_129 = tpu.memref_slice %arg3[%add3A, %dma_start3A_128] : memref<32x64xf32, #tpu.memory_space<hbm>> -> memref<1x64xf32, #tpu.memory_space<hbm>>
      %dma_start3A_130 = tpu.memref_squeeze %dma_start3A_129 : memref<1x64xf32, #tpu.memory_space<hbm>> -> memref<64xf32, #tpu.memory_space<hbm>>
      tpu.enqueue_dma source(%arg7 : memref<64xf32, #tpu.memory_space<vmem>>) target(%dma_start3A_130 : memref<64xf32, #tpu.memory_space<hbm>>) target_semaphore(%run_scoped3A : memref<!tpu.dma_semaphore, #tpu.memory_space<semaphore_mem>>)
      %dma_wait3A_131 = arith.constant 0 : i32
      %dma_wait3A_132 = tpu.memref_slice %arg3[%add3A, %dma_wait3A_131] : memref<32x64xf32, #tpu.memory_space<hbm>> -> memref<1x64xf32, #tpu.memory_space<hbm>>
      %dma_wait3A_133 = tpu.memref_squeeze %dma_wait3A_132 : memref<1x64xf32, #tpu.memory_space<hbm>> -> memref<64xf32, #tpu.memory_space<hbm>>
      %dma_wait3A_134 = arith.constant 0 : i32
      %dma_wait3A_135 = tpu.memref_slice %arg3[%add3A, %dma_wait3A_134] : memref<32x64xf32, #tpu.memory_space<hbm>> -> memref<1x64xf32, #tpu.memory_space<hbm>>
      %dma_wait3A_136 = tpu.memref_squeeze %dma_wait3A_135 : memref<1x64xf32, #tpu.memory_space<hbm>> -> memref<64xf32, #tpu.memory_space<hbm>>
      tpu.wait_dma2 semaphore(%run_scoped3A : memref<!tpu.dma_semaphore, #tpu.memory_space<semaphore_mem>>) src(%arg7 : memref<64xf32, #tpu.memory_space<vmem>>) dst(%dma_wait3A_136 : memref<64xf32, #tpu.memory_space<hbm>>)
      tpu.yield
    }) : () -> ()
    return
  }
}

module attributes {stable_mosaic.version = 14 : i64} {
  func.func @_tc_body(%arg0: i32, %arg1: i32, %arg2: memref<1x25000x64xf32, #tpu.memory_space<vmem>>, %arg3: memref<1x1x64xf32, #tpu.memory_space<vmem>>) attributes {dimension_semantics = [#tpu.dimension_semantics<parallel>, #tpu.dimension_semantics<arbitrary>], iteration_bounds = array<i64: 16, 2>, scalar_prefetch = 0 : i64, scratch_operands = 0 : i64, tpu.core_type = #tpu.core_type<tc>, window_params = [{transform_indices = @transform_0, window_bounds = array<i64: 1, 25000, 64>}, {transform_indices = @transform_1, window_bounds = array<i64: 1, 1, 64>}]} {
    %get3A = arith.constant 0 : index
    %get3A_0 = arith.constant 0 : index
    %get3A_1 = arith.constant 0 : index
    %get3A_2 = vector.load %arg2[%get3A, %get3A_0, %get3A_1] : memref<1x25000x64xf32, #tpu.memory_space<vmem>>, vector<1x25000x64xf32>
    %get3A_3 = vector.shape_cast %get3A_2 : vector<1x25000x64xf32> to vector<25000x64xf32>
    %iota3A = tpu.iota {dimensions = array<i32: 1>} : vector<25000x64xi32>
    %argmax3A = tpu.reduce_index %get3A_3 {axis = 1 : i32, kind = #tpu.reduction_kind<arg_max>} : vector<25000x64xf32> -> vector<25000xi32>
    %broadcast_in_dim3A = vector.shape_cast %argmax3A : vector<25000xi32> to vector<25000x1xi32>
    %eq3A = vector.broadcast %broadcast_in_dim3A : vector<25000x1xi32> to vector<25000x64xi32>
    %eq3A_4 = arith.cmpi eq, %eq3A, %iota3A : vector<25000x64xi32>
    %convert_element_type3A = arith.extui %eq3A_4 : vector<25000x64xi1> to vector<25000x64xi32>
    %convert_element_type3A_5 = arith.sitofp %convert_element_type3A : vector<25000x64xi32> to vector<25000x64xf32>
    %reduce_sum3A = arith.constant dense<0.000000e+00> : vector<64xf32>
    %reduce_sum3A_6 = vector.multi_reduction <add>, %convert_element_type3A_5, %reduce_sum3A [0] : vector<25000x64xf32> to vector<64xf32>
    %mul3A = arith.constant 2.000000e-05 : f32
    %mul3A_7 = vector.broadcast %mul3A : f32 to vector<64xf32>
    %mul3A_8 = arith.mulf %reduce_sum3A_6, %mul3A_7 : vector<64xf32>
    %eq3A_9 = arith.constant 0 : i32
    %eq3A_10 = arith.cmpi eq, %arg1, %eq3A_9 : i32
    %convert_element_type3A_11 = arith.extui %eq3A_10 : i1 to i32
    %cond3A = arith.constant 0 : i32
    %cond3A_12 = arith.cmpi ne, %convert_element_type3A_11, %cond3A : i32
    scf.if %cond3A_12 {
      %broadcast_in_dim3A_23 = arith.constant 0.000000e+00 : f32
      %broadcast_in_dim3A_24 = vector.broadcast %broadcast_in_dim3A_23 : f32 to vector<1x1x64xf32>
      %swap3A_25 = arith.constant 0 : index
      %swap3A_26 = arith.constant 0 : index
      %swap3A_27 = arith.constant 0 : index
      %swap3A_28 = vector.load %arg3[%swap3A_25, %swap3A_26, %swap3A_27] : memref<1x1x64xf32, #tpu.memory_space<vmem>>, vector<1x1x64xf32>
      tpu.vector_store %arg3[%swap3A_25, %swap3A_26, %swap3A_27], %broadcast_in_dim3A_24 {strides = array<i32>} : memref<1x1x64xf32, #tpu.memory_space<vmem>>, vector<1x1x64xf32>,
    } else {
    }
    %get3A_13 = arith.constant 0 : index
    %get3A_14 = arith.constant 0 : index
    %get3A_15 = arith.constant 0 : index
    %get3A_16 = vector.load %arg3[%get3A_13, %get3A_14, %get3A_15] : memref<1x1x64xf32, #tpu.memory_space<vmem>>, vector<1x1x64xf32>
    %get3A_17 = vector.shape_cast %get3A_16 : vector<1x1x64xf32> to vector<64xf32>
    %add3A = arith.addf %get3A_17, %mul3A_8 : vector<64xf32>
    %swap3A = arith.constant 0 : index
    %swap3A_18 = arith.constant 0 : index
    %swap3A_19 = arith.constant 0 : index
    %swap3A_20 = vector.load %arg3[%swap3A, %swap3A_18, %swap3A_19] : memref<1x1x64xf32, #tpu.memory_space<vmem>>, vector<1x1x64xf32>
    %swap3A_21 = vector.shape_cast %swap3A_20 : vector<1x1x64xf32> to vector<64xf32>
    %swap3A_22 = vector.shape_cast %add3A : vector<64xf32> to vector<1x1x64xf32>
    tpu.vector_store %arg3[%swap3A, %swap3A_18, %swap3A_19], %swap3A_22 {strides = array<i32>} : memref<1x1x64xf32, #tpu.memory_space<vmem>>, vector<1x1x64xf32>,
    return
  }
  func.func @transform_0(%arg0: i32, %arg1: i32) -> (i32, i32, i32) {
    %c0_i32 = arith.constant 0 : i32
    %c0_i32_0 = arith.constant 0 : i32
    return %arg0, %arg1, %c0_i32 : i32, i32, i32
  }
  func.func @transform_1(%arg0: i32, %arg1: i32) -> (i32, i32, i32) {
    %c0_i32 = arith.constant 0 : i32
    %c0_i32_0 = arith.constant 0 : i32
    %c0_i32_1 = arith.constant 0 : i32
    return %arg0, %c0_i32, %c0_i32_0 : i32, i32, i32
  }
}

</mosaic_0001>

<sc_bundles>
// kernel: kernel.4.cloned.1.call-start
scs
__scs_entry_jumppad:
0x0: {  	(pc) =	sbr.rel $0x88, $3  }
0x1: {  	(tag) =	ssettag $0x0;
	lr =	simm.s32 $0x1  }
0x2: {  	[smem:$0x3FA0] =	sst lr;
	_ =	strace $0xD0000000  }
0x3: {  	_ = 	snop  }
0x4: {  	_ = 	snop  }
0x5: {  	_ = 	snop  }
0x6: {  	_ = 	snop  }
0x7: {  	_ = 	snop  }
__scs_overlays_trampoline_lowered:
0x8: {  	[smem:$0x3FAF] =	sst s0  }
0x9: {  	[smem:$0x3FB0] =	sst s1  }
0xa: {  	[smem:$0x3FB1] =	sst s2  }
0xb: {  	[smem:$0x3FB2] =	sst s3  }
0xc: {  	[smem:$0x3FB3] =	sst s4  }
0xd: {  	[smem:$0x3FB4] =	sst s5  }
0xe: {  	[smem:$0x3FB5] =	sst s6  }
0xf: {  	[smem:$0x3FB6] =	sst s7  }
0x10: {  	[smem:$0x3FB7] =	sst s8  }
0x11: {  	[smem:$0x3FB8] =	sst s9;
	s0 =	simm.s32 @!p0 $0x0  }
0x12: {  	s1 =	sld [smem:$0x3F9E];
	s0 =	simm.s32 @p0 $0x1  }
0x13: {  	[smem:$0x3FB9] =	sst s0;
	s0 =	simm.s32 @!p1 $0x0  }
0x14: {  	s2 =	sld [smem:$0x3F9D];
	s0 =	simm.s32 @p1 $0x1  }
0x15: {  	[smem:$0x3FBA] =	sst s0;
	s0 =	simm.s32 @!p2 $0x0  }
0x16: {  	s3 =	sld [smem:$0x3FDB];
	s0 =	simm.s32 @p2 $0x1  }
0x17: {  	s4 =	simm.s32 $0x1BF5;
	[smem:$0x3FBC] =	sst s0  }
0x18: {  	s0 =	sld [smem:$0x3F9F];
	_ =	swait.ge [sflag:s4], $0x0  }
0x19: {  	s7 =	sld [smem:$0x3FA0]  }
0x1a: {  	s8 =	sadd.s32 $0xFFFFE003, lr  }
0x1b: {  	s9 =	sadd.s32 $0xFFFFFEF7, lr;
	s5 =	simm.s32 $0xFFFFFFFF;
	p2 =	slt.u32 s8, $0xFFFFF086  }
0x1c: {  	p1 =	slt.u32 s9, $0xF7A;
	s5 =	simm.s32 @!p2 $0x0  }
0x1d: {  	s5 =	simm.s32 @p1 $0x1;
	p0 =	seq.s32 s7, s2  }
0x1e: {  	s7 =	smul.u32 @!p0 $0xF7A, s2;
	p2 =	seq.s32 @!p0 s5, $0x0  }
0x1f: {  	s9 =	smul.u32 $0xF7A, s1;
	s8 =	simm.s32 @!p0 $0x1BF5;
	p2 =	por !p2, p0  }
0x20: {  	[sflag:s8] =	ssyncset.s32 @!p0 $0xFFFFF086;
	s6 =	sadd.s32 @!p0 s3, s7;
	s7 =	simm.s32 @!p0 $0x108  }
0x21: {  	s3 =	sadd.s32 s3, s9;
	s6 =	sadd.s32 @!p0 $0x88, s6;
	s7 =	simm.s32 @p2 $0x1082  }
0x22: {  	[simem:s7], [sflag:s8] =	dma.local @!p0 [hbm:s6], $0xF7A  }
0x23: {  	s9 =	sor.u32 $0xD0000000, s2;
	s6 =	simm.s32 $0x108;
	_ =	swait.ge @!p0 [sflag:s8], $0x0  }
0x24: {  	s3 =	sadd.s32 $0x88, s3;
	s6 =	simm.s32 @!p1 $0x1082;
	[sflag:s4] =	ssyncset.s32 $0xFFFFF086  }
0x25: {  	[simem:s6], [sflag:s4] =	dma.local [hbm:s3], $0xF7A  }
0x26: {  	[smem:$0x3FA0] =	sst s1;
	(tag) =	ssettag s2;
	_ =	strace s9  }
0x27: {  	s1 =	sld [smem:$0x3FB0]  }
0x28: {  	s2 =	sld [smem:$0x3FB1]  }
0x29: {  	s4 =	sld [smem:$0x3FB3]  }
0x2a: {  	p0 =	seq.s32 s5, $0x0;
	s5 =	sld [smem:$0x3FB4]  }
0x2b: {  	s6 =	sld [smem:$0x3FB5]  }
0x2c: {  	s7 =	sld [smem:$0x3FB6]  }
0x2d: {  	s3 =	simm.s32 $0x108;
	s8 =	sld [smem:$0x3FB7]  }
0x2e: {  	s3 =	simm.s32 @!p0 $0x1082;
	s9 =	sld [smem:$0x3FB8]  }
0x2f: {  	lr =	sadd.s32 s0, s3;
	s0 =	sld [smem:$0x3FAF]  }
0x30: {  	s3 =	sld [smem:$0x3FB2]  }
0x31: {  	[smem:$0x3FBB] =	sst s10  }
0x32: {  	s10 =	sld [smem:$0x3FB9];
	_ =	sdelay $0x3  }
0x33: {  	p0 =	seq.s32 s10, $0x1;
	s10 =	sld [smem:$0x3FBB];
	_ =	sdelay $0x3  }
0x34: {  	[smem:$0x3FBB] =	sst s10  }
0x35: {  	s10 =	sld [smem:$0x3FBA];
	_ =	sdelay $0x3  }
0x36: {  	p1 =	seq.s32 s10, $0x1;
	s10 =	sld [smem:$0x3FBB];
	_ =	sdelay $0x3  }
0x37: {  	[smem:$0x3FBB] =	sst s10  }
0x38: {  	s10 =	sld [smem:$0x3FBC]  }
0x39: {  	_ = 	snop;
	(pc) =	sbr.ind lr, $3  }
0x3a: {  	_ = 	snop  }
0x3b: {  	_ = 	snop  }
0x3c: {  	p2 =	seq.s32 s10, $0x1;
	s10 =	sld [smem:$0x3FBB]  }
0x3d: {  	_ =	shalt  }
0x3e: {  	_ =	shalt  }
0x3f: {  	_ =	shalt  }
0x40: {  	_ =	shalt  }
0x41: {  	_ =	shalt  }
0x42: {  	_ =	shalt  }
0x43: {  	_ =	shalt  }
0x44: {  	_ =	shalt  }
0x45: {  	_ =	shalt  }
0x46: {  	_ =	shalt  }
0x47: {  	_ =	shalt  }
0x48: {  	_ =	shalt  }
0x49: {  	_ =	shalt  }
0x4a: {  	_ =	shalt  }
0x4b: {  	_ =	shalt  }
0x4c: {  	_ =	shalt  }
0x4d: {  	_ =	shalt  }
0x4e: {  	_ =	shalt  }
0x4f: {  	_ =	shalt  }
0x50: {  	_ =	shalt  }
0x51: {  	_ =	shalt  }
0x52: {  	_ =	shalt  }
0x53: {  	_ =	shalt  }
0x54: {  	_ =	shalt  }
0x55: {  	_ =	shalt  }
0x56: {  	_ =	shalt  }
0x57: {  	_ =	shalt  }
0x58: {  	_ =	shalt  }
0x59: {  	_ =	shalt  }
0x5a: {  	_ =	shalt  }
0x5b: {  	_ =	shalt  }
0x5c: {  	_ =	shalt  }
0x5d: {  	_ =	shalt  }
0x5e: {  	_ =	shalt  }
0x5f: {  	_ =	shalt  }
0x60: {  	_ =	shalt  }
0x61: {  	_ =	shalt  }
0x62: {  	_ =	shalt  }
0x63: {  	_ =	shalt  }
0x64: {  	_ =	shalt  }
0x65: {  	_ =	shalt  }
0x66: {  	_ =	shalt  }
0x67: {  	_ =	shalt  }
0x68: {  	_ =	shalt  }
0x69: {  	_ =	shalt  }
0x6a: {  	_ =	shalt  }
0x6b: {  	_ =	shalt  }
0x6c: {  	_ =	shalt  }
0x6d: {  	_ =	shalt  }
0x6e: {  	_ =	shalt  }
0x6f: {  	_ =	shalt  }
0x70: {  	_ =	shalt  }
0x71: {  	_ =	shalt  }
0x72: {  	_ =	shalt  }
0x73: {  	_ =	shalt  }
0x74: {  	_ =	shalt  }
0x75: {  	_ =	shalt  }
0x76: {  	_ =	shalt  }
0x77: {  	_ =	shalt  }
0x78: {  	_ =	shalt  }
0x79: {  	_ =	shalt  }
0x7a: {  	_ =	shalt  }
0x7b: {  	_ =	shalt  }
0x7c: {  	_ =	shalt  }
0x7d: {  	_ =	shalt  }
0x7e: {  	_ =	shalt  }
0x7f: {  	_ =	shalt  }
0x80: {  	_ =	shalt  }
0x81: {  	_ =	shalt  }
0x82: {  	_ =	shalt  }
0x83: {  	_ =	shalt  }
0x84: {  	_ =	shalt  }
0x85: {  	_ =	shalt  }
0x86: {  	_ =	shalt  }
0x87: {  	_ =	shalt  }
.Lfunc_end0:
.L_simem_size_0:
called_computation_lowered:
.L_overlay_start_0:
0x88: {  	s2 =	sld [smem:$0x3FD9]  }
0x89: {  	s3 =	sld [smem:$0x3FFE];
	_ =	sdelay $0x1  }
0x8a: {  	s1 =	srdreg.scid  }
0x8b: {  	s0 =	sand.u32 $0x1, s1  }
0x8c: {  	s17 =	sshll.u32 s0, $0xA;
	s2 =	sadd.s32 s3, s2  }
0x8d: {  	s2 =	sadd.s32 s2, s17  }
0x8e: {  	[smem:$0x3FC7] =	sst s2  }
0x8f: {  	_ = 	snop  }
0x90: {  	s2 =	sld [smem:$0x3FD0];
	(tm) =	ssettm $0x1  }
0x91: {  	s18 =	sld [smem:$0x3FFB];
	_ =	sdelay $0x3  }
0x92: {  	_ =	strace s18  }
0x93: {  	s3 =	sld [smem:$0x3FFC];
	_ =	sdelay $0x3  }
0x94: {  	_ =	strace s3  }
0x95: {  	s3 =	sld [smem:$0x3FFD];
	_ =	sdelay $0x3  }
0x96: {  	_ =	strace s3  }
0x97: {  	_ =	strace $0x8FFFFFFF  }
0x98: {  	s19 =	sld [smem:$0x3FDB];
	_ =	sdelay $0x1  }
0x99: {  	s4 =	simm.s32 $_scs_section_size  }
0x9a: {  	s5 =	simm.s32 $_size__tile_overlayer_lowered;
	s6 =	simm.s32 $_tile_overlayer_lowered  }
0x9b: {  	s22 =	simm.s32 $0x1BFF;
	s21 =	sshll.u32 s6, $0x1;
	s3 =	sadd.s32 s4, s19  }
0x9c: {  	s7 =	simm.s32 $0x0;
	s20 =	sshll.u32 s5, $0x1;
	s5 =	sadd.s32 s21, s3  }
0x9d: {  	[timem:s7], [sflag:s22] =	dma.local [hbm:s5], s20  }
0x9e: {  	_ =	swait.ge [sflag:s22], s20  }
0x9f: {  	s4 =	ssub.s32 $0x0, s20;
	[sflag:s22] =	ssyncset.done $0x0  }
0xa0: {  	[sflag:s22] =	ssyncadd.s32 s4;
	_ =	sdelay $0x1  }
0xa1: {  	s23 =	simm.s32 $0x1B8B  }
0xa2: {  	_ =	swait.ge [sflag:s23], $0x1  }
0xa3: {  	[sflag:s23] =	ssyncset.done $0x0  }
0xa4: {  	s25 =	simm.s32 $0x1B8E;
	s24 =	sld [smem:$0x3FFE];
	[sflag:s23] =	ssyncadd.s32 $0xFFFFFFFF  }
0xa5: {  	s26 =	simm.s32 $execute0_lowered;
	[smem:$0x3FD2] =	sst s25  }
0xa6: {  	s5 =	sshll.u32 s26, $0x1;
	_ =	strace $0x80000046;
	[dreg:$0x1] =	wrdreg $0xFFFFFFFF  }
0xa7: {  	s28 =	simm.s32 $_size_execute0_lowered;
	s3 =	sadd.s32 s3, s5;
	[dreg:$0x0] =	wrdreg $0x0  }
0xa8: {  	s5 =	sshll.u32 s28, $0x1;
	[dreg:$0x2] =	wrdreg s3  }
0xa9: {  	[dreg:$0x3] =	wrdreg s5  }
0xaa: {  	[dreg:$0x4] =	wrdreg $0xC0  }
0xab: {  	_ =	task [dreg:s7], $0x5FFFF  }
0xac: {  	[dreg:$0x1] =	wrdreg $0xFFFFFFFF  }
0xad: {  	[dreg:$0x0] =	wrdreg $0x60  }
0xae: {  	[dreg:$0x2] =	wrdreg s24  }
0xaf: {  	[dreg:$0x3] =	wrdreg s2  }
0xb0: {  	[dreg:$0x4] =	wrdreg $0x9  }
0xb1: {  	_ =	task.clear_ibuf [dreg:s7], $0x5FFFF;
	_ =	strace $0x90000046  }
0xb2: {  	s29 =	simm.s32 $0x9;
	_ =	strace $0x80000048  }
0xb3: {  	_ =	swait.ge [sflag:s29], $0x1  }
0xb4: {  	[sflag:s29] =	ssyncadd.s32 $0xFFFFFFFF  }
0xb5: {  	_ =	strace $0x90000048  }
0xb6: {  	_ =	sfence  }
0xb7: {  	s30 =	sld [smem:$0x0];
	_ =	sdelay $0x2  }
0xb8: {  	s31 =	sshll.u32 s1, $0xD;
	s1 =	sshrl.u32 s1, $0x2  }
0xb9: {  	s3 =	sand.u32 $0x4000, s31;
	s1 =	sadd.s32 s1, s30  }
0xba: {  	s0 =	sor.u32 s3, s0;
	s1 =	sshll.u32 s1, $0x11  }
0xbb: {  	s0 =	sor.u32 s1, s0  }
0xbc: {  	s0 =	sadd.s32 $0x8F2B, s0  }
0xbd: {  	[sflag:s0] =	ssyncadd.remote.s32 $0x1  }
0xbe: {  	_ =	sfence.sel $0xFFFF  }
0xbf: {  	[dreg:$0x0] =	wrdreg $0xFFFFFFFF;
	(pc) =	sbr.abs _section_cstart, $3  }
0xc0: {  	[dreg:$0x1] =	wrdreg $0xFFFFFFFF  }
0xc1: {  	_ =	task.clear_ibuf [dreg:s7], $0x2FFFF;
	_ =	strace $0x9FFFFFFF  }
0xc2: {  	(tm) =	ssettm $0x7FFFFFFF  }
0xc3: {  	_ =	shalt  }
tec
execute0_lowered:
.L_overlay_start_1:
0x0: {  	(tag) =	ssettag $0x1  }
0x1: {  	s0 =	srdreg.scid  }
0x2: {  	s5 =	stileid.u32;
	s2 =	rddreg [dreg:$0x0]  }
0x3: {  	s26 =	rddreg [dreg:$0x1];
	s18 =	simm.s32 $0x0;
	s4 =	simm.s32 $0x1  }
0x4: {  	s3 =	simm.s32 $0x32;
	s12 =	simm.s32 $0x80;
	s13 =	simm.s32 $0x400  }
0x5: {  	s14 =	simm.s32 $0x7D00;
	s1 =	sand.u32 $0x1, s0;
	s25 =	sshll.u32 s5, $0x1  }
0x6: {  	s15 =	simm.s32 $0xFB00;
	s16 =	simm.s32 $0xFA00;
	s7 =	sor.u32 s1, s25  }
0x7: {  	v0 =	vimm.s32 $0xFEDCBA98;
	v1 =	vimm.s32 $0x76543210;
	v2 =	vimm.s32 $0xBA98FEDC;
	s17 =	simm.s32 $0x2;
	p1 =	seq.s32 s1, $0x1;
	p0 =	seq.s32 s7, $0x0  }
0x8: {  	v3 =	vimm.s32 $0x32107654;
	v4 =	vimm.s32 $0xDCFE98BA;
	v5 =	vimm.s32 $0x54761032;
	s19 =	simm.s32 $0x3;
	s20 =	simm.s32 $0x0;
	p0 =	por !p0, !p1  }
0x9: {  	v6 =	vimm.s32 $0xEFCDAB89;
	v7 =	vimm.s32 $0x67452301;
	[smem:$0x7FF] =	sst s18;
	v0 =	vunpack.c.l.s4.s8 v0;
	s3 =	simm.s32 @!p1 $0x0;
	p0 =	por !p0, !p0  }
0xa: {  	v1 =	vunpack.c.l.s4.s8 v1;
	v2 =	vunpack.c.l.s4.s8 v2;
	v3 =	vunpack.c.l.s4.s8 v3;
	_ =	strace $0x80000047;
	s28 =	sshrl.u32 s3, $0x3;
	s4 =	simm.s32 @!p0 $0x0  }
0xb: {  	v4 =	vunpack.c.l.s4.s8 v4;
	v5 =	vunpack.c.l.s4.s8 v5;
	v6 =	vunpack.c.l.s4.s8 v6;
	s5 =	ssub.s32 s5, s4;
	s4 =	sadd.s32 $0x186D200, s2;
	s2 =	smul.u32 $0x3E800, s28  }
0xc: {  	v7 =	vunpack.c.l.s4.s8 v7;
	s1 =	ssub.s32 $0x2, s1;
	v0 =	vunpack.c.0.s8.s32 v0;
	v2 =	vunpack.c.0.s8.s32 v2;
	s6 =	sadd.s32 $0x31, s3;
	s5 =	smul.u32 $0x32C800, s5  }
0xd: {  	s8 =	sshrl.u32 s1, $0x1;
	v4 =	vunpack.c.0.s8.s32 v4;
	v5 =	vunpack.c.0.s8.s32 v5;
	v1 =	vunpack.c.0.s8.s32 v1;
	s9 =	sshll.u32 s3, $0x7;
	s10 =	sshrl.u32 s6, $0x3  }
0xe: {  	v6 =	vunpack.c.0.s8.s32 v6;
	v7 =	vunpack.c.0.s8.s32 v7;
	s9 =	sand.u32 $0x100, s9;
	v54 =	vand.u32 $0xF, v0;
	s10 =	smul.u32 $0x3E800, s10;
	s2 =	sadd.s32 s2, s5  }
0xf: {  	v3 =	vunpack.c.0.s8.s32 v3;
	s7 =	sshll.u32 s7, $0x4;
	s6 =	sshll.u32 s6, $0x7;
	v53 =	vcombine.low v5, v4;
	v59 =	vcombine.low v54, v1;
	s2 =	sor.u32 s9, s2  }
0x10: {  	v55 =	vcombine.low v7, v6;
	s30 =	sand.u32 $0x180, s6;
	s29 =	sadd.s32 s10, s5;
	s2 =	sshrl.u32 s2, $0x3  }
0x11: {  	s1 =	ssub.s32 s1, s8;
	v2 =	vcombine.low v3, v2;
	v61 =	vand.u32 $0xF, v53;
	[tilespmem:$0x1FFC0] =	vst v59;
	s31 =	sor.u32 s30, s29;
	s2 =	sadd.s32 s4, s2  }
0x12: {  	s0 =	sadd.s32 s26, s7;
	v60 =	vand.u32 $0xF, v55;
	[tilespmem:$0x1FFD0] =	vst v61;
	[dreg:$0x3] =	wrdreg s2;
	s2 =	sshrl.u32 s31, $0x3  }
0x13: {  	s8 =	sadd.s32 $0x2, s3;
	[dreg:$0x5] =	wrdreg s0;
	v49 =	vand.u32 $0xF, v2;
	[tilespmem:$0x1FFE0] =	vst v60;
	s2 =	sadd.s32 s4, s2  }
0x14: {  	v62 =	vimm.f32 $1.000000000e+00;
	s11 =	smax.u32 s1, $0x1;
	s6 =	simm.s32 $0x1;
	[tilespmem:$0x1FFF0] =	vst v49;
	[dreg:$0x4] =	wrdreg s2  }
.LBB2_1:
0x15: {  	v0 =	vimm.f32 $0.0e+00  }
0x16: {  	[tilespmem:$0xFA00] =	vst v0  }
0x17: {  	[tilespmem:$0xFA10] =	vst v0  }
0x18: {  	[tilespmem:$0xFA20] =	vst v0  }
0x19: {  	s0 =	rddreg [dreg:$0x3];
	s21 =	simm.s32 $0x0;
	[tilespmem:$0xFA30] =	vst v0  }
0x1a: {  	[tilespmem:s18], [sflag:$0x1] =	stream.strided.gather [hbm4b:s0+s12], $0x7D00, s13, s12, $0x38;
	[tilespmem:$0x11A80] =	vst v63  }
.LBB2_2:
0x1b: {  	s22 =	sshll.u32 s21, $0x1  }
0x1c: {  	s0 =	sadd.s32 s22, s3  }
0x1d: {  	s0 =	sadd.s32 $0x1, s0  }
0x1e: {  	s1 =	sshrl.u32 s0, $0x3  }
0x1f: {  	s1 =	smul.u32 $0x3E800, s1  }
0x20: {  	s0 =	sshll.u32 s0, $0x7  }
0x21: {  	s0 =	sand.u32 $0x380, s0;
	s1 =	sadd.s32 s5, s1  }
0x22: {  	s0 =	sor.u32 s0, s1  }
0x23: {  	s0 =	sshrl.u32 s0, $0x3  }
0x24: {  	s31 =	simm.s32 $0x80;
	s0 =	sadd.s32 s4, s0  }
0x25: {  	[tilespmem:s14], [sflag:$0x2] =	stream.strided.gather [hbm4b:s0+s31], $0x7D00, s13, s31, $0x38;
	[tilespmem:$0x11A80] =	vst v63  }
0x26: {  	_ =	swait.ge [sflag:s6], $0x7D00  }
0x27: {  	[sflag:s6] =	ssyncset.done $0x0  }
0x28: {  	[sflag:s6] =	ssyncadd.s32 $0xFFFF8300  }
0x29: {  	v13 =	vld [tilespmem:s31+$0x30]  }
0x2a: {  	v14 =	vld [tilespmem:s31+$0x20]  }
0x2b: {  	v12 =	vld [tilespmem:s31+$0x10]  }
0x2c: {  	v11 =	vld [tilespmem:s31+$0xFFFFFFA0]  }
0x2d: {  	v10 =	vld [tilespmem:s31+$0xFFFFFFB0]  }
0x2e: {  	v35 =	vld [tilespmem:s31+$0x40]  }
0x2f: {  	s9 =	simm.s32 $0xC0;
	v37 =	vld [tilespmem:s31+$0x0]  }
0x30: {  	s2 =	sor.u32 $0x50, s9;
	v20 =	vld [tilespmem:s31+$0xFFFFFFC0]  }
0x31: {  	s7 =	sor.u32 $0x60, s9;
	v25 =	vld [tilespmem:s2+$0x0]  }
0x32: {  	s23 =	simm.s32 $0x40;
	s0 =	sor.u32 $0x70, s9;
	v27 =	vld [tilespmem:s7+$0x0]  }
0x33: {  	s10 =	sor.u32 $0x50, s23;
	v23 =	vld [tilespmem:s0+$0x0]  }
0x34: {  	s18 =	simm.s32 $0x20;
	s25 =	sor.u32 $0x70, s23;
	v17 =	vld [tilespmem:s10+$0x0]  }
0x35: {  	s24 =	simm.s32 $0x30;
	s26 =	sor.u32 $0x60, s23;
	v6 =	vor.u32 s18, v59;
	v16 =	vld [tilespmem:s25+$0x0]  }
0x36: {  	v7 =	vor.u32 s24, v59;
	v21 =	vld [tilespmem:s26+$0x0]  }
0x37: {  	s29 =	simm.s32 $0x140;
	v15 =	vld [tilespmem:s31+$0xFFFFFF90];
	v8 =	vmax.f32 v14, v13;
	v9 =	vmax.f32 v37, v12  }
0x38: {  	s28 =	simm.s32 $0x10;
	s9 =	sor.u32 $0x70, s29;
	s25 =	simm.s32 $0x0;
	v36 =	vld [tilespmem:s31+$0xFFFFFF80];
	v18 =	vmax.f32 v35, v25;
	v19 =	vmax.f32 v27, v23;
	v8 =	vmax.f32 v9, v8  }
0x39: {  	v3 =	vld [tilespmem:s9+$0x0];
	v9 =	vmax.f32 v18, v19;
	v18 =	vor.u32 s28, v59;
	[tilespmem:s25+$0xFB20] =	vst v8  }
0x3a: {  	s1 =	simm.s32 $0x0;
	[tilespmem:s25+$0xFB30] =	vst v9;
	v6 =	vld.idx.msk [tilespmem:v6+s15+$0x0], $0xffff  }
0x3b: {  	v22 =	vor.u32 s1, v59;
	s2 =	simm.s32 $0x180;
	v26 =	vmax.f32 v20, v17;
	v28 =	vmax.f32 v21, v16;
	v7 =	vld.idx.msk [tilespmem:v7+s15+$0x0], $0xffff  }
0x3c: {  	v24 =	vor.u32 s18, v49;
	v1 =	vld [tilespmem:s2+$0x30];
	v26 =	vmax.f32 v26, v28  }
0x3d: {  	s30 =	simm.s32 $0x1C0;
	v2 =	vld [tilespmem:s2+$0x20];
	v29 =	vmax.f32 v11, v10;
	v19 =	vor.u32 s24, v49;
	v28 =	vmax.f32 v36, v15;
	[tilespmem:s25+$0xFB10] =	vst v26  }
0x3e: {  	s31 =	sor.u32 $0x60, s30;
	v28 =	vmax.f32 v28, v29;
	v18 =	vld.idx.msk [tilespmem:v18+s15+$0x0], $0xffff  }
0x3f: {  	v32 =	vld [tilespmem:s31+$0x0];
	[tilespmem:s25+$0xFB00] =	vst v28;
	v6 =	vmax.f32 v8, v6  }
0x40: {  	v8 =	vld.idx.msk [tilespmem:v22+s15+$0x0], $0xffff;
	v7 =	vmax.f32 v9, v7;
	v9 =	vor.u32 s28, v49;
	[tilespmem:s25+$0xFB20] =	vst v6  }
0x41: {  	[tilespmem:s25+$0xFB30] =	vst v7;
	v22 =	vld.idx.msk [tilespmem:v24+s15+$0x0], $0xffff  }
0x42: {  	v24 =	vor.u32 s1, v49;
	v19 =	vld.idx.msk [tilespmem:v19+s15+$0x0], $0xffff  }
0x43: {  	v63 =	vld [tilespmem:s2+$0xFFFFFF90];
	v29 =	vor.u32 s18, v61;
	v33 =	vmax.f32 v26, v18;
	v26 =	vor.u32 s18, v60;
	s18 =	sor.u32 $0x50, s29  }
0x44: {  	v30 =	vor.u32 s24, v61;
	[tilespmem:s25+$0xFB10] =	vst v33;
	v31 =	vld [tilespmem:s18+$0x0]  }
0x45: {  	v8 =	vmax.f32 v28, v8;
	v9 =	vld.idx.msk [tilespmem:v9+s15+$0x0], $0xffff  }
0x46: {  	v28 =	vld [tilespmem:s2+$0x10];
	[tilespmem:s25+$0xFB00] =	vst v8;
	v18 =	vmax.f32 v6, v22  }
0x47: {  	v22 =	vld.idx.msk [tilespmem:v24+s15+$0x0], $0xffff;
	v34 =	vmax.f32 v7, v19;
	[tilespmem:s25+$0xFB20] =	vst v18  }
0x48: {  	[tilespmem:s25+$0xFB30] =	vst v34;
	v19 =	vld.idx.msk [tilespmem:v29+s15+$0x0], $0xffff  }
0x49: {  	v24 =	vor.u32 s1, v61;
	v38 =	vld.idx.msk [tilespmem:v30+s15+$0x0], $0xffff  }
0x4a: {  	v29 =	vld [tilespmem:s2+$0xFFFFFFA0]  }
0x4b: {  	s0 =	sor.u32 $0x60, s29;
	v30 =	vld [tilespmem:s2+$0xFFFFFFB0]  }
0x4c: {  	s7 =	sor.u32 $0x70, s30;
	v44 =	vmax.f32 v33, v9;
	v33 =	vld [tilespmem:s0+$0x0];
	v39 =	vmax.f32 v8, v22  }
0x4d: {  	v22 =	vld [tilespmem:s7+$0x0];
	[tilespmem:s25+$0xFB00] =	vst v39  }
0x4e: {  	v41 =	vld.idx.msk [tilespmem:v24+s15+$0x0], $0xffff  }
0x4f: {  	v40 =	vmax.f32 v18, v19;
	v18 =	vld [tilespmem:s2+$0x40]  }
0x50: {  	v43 =	vor.u32 s24, v60;
	s26 =	sor.u32 $0x50, s30;
	v19 =	vld [tilespmem:s2+$0x0]  }
0x51: {  	v8 =	vor.u32 s28, v61;
	v24 =	vld [tilespmem:s26+$0x0]  }
0x52: {  	v0 =	vmov v49;
	v38 =	vmax.f32 v34, v38;
	v34 =	vld [tilespmem:s2+$0xFFFFFF80];
	[tilespmem:s25+$0xFB20] =	vst v40  }
0x53: {  	v56 =	vor.u32 s23, v0;
	s10 =	simm.s32 $0x60;
	v42 =	vld.idx.msk [tilespmem:v26+s15+$0x0], $0xffff  }
0x54: {  	v46 =	vor.u32 s1, v60;
	v45 =	vor.u32 s10, v59;
	v5 =	vmax.f32 v2, v1;
	s29 =	simm.s32 $0x50;
	s18 =	simm.s32 $0x70;
	[tilespmem:s25+$0xFB30] =	vst v38;
	v26 =	vld [tilespmem:s2+$0xFFFFFFC0]  }
0x55: {  	v53 =	vor.u32 s29, v59;
	v47 =	vor.u32 s18, v59;
	[tilespmem:s25+$0xFB10] =	vst v44;
	v43 =	vld.idx.msk [tilespmem:v43+s15+$0x0], $0xffff;
	v50 =	vmax.f32 v19, v28  }
0x56: {  	s24 =	simm.s32 $0x40;
	v48 =	vld.idx.msk [tilespmem:v8+s15+$0x0], $0xffff;
	v52 =	vmax.f32 v32, v22;
	v51 =	vmax.f32 v18, v24;
	v49 =	vmax.f32 v50, v5  }
0x57: {  	v54 =	vmax.f32 v29, v30;
	v7 =	vmax.f32 v33, v3;
	v51 =	vmax.f32 v51, v52;
	[tilespmem:s24+$0xFB20] =	vst v49  }
0x58: {  	v39 =	vmax.f32 v39, v41;
	v4 =	vmax.f32 v34, v63;
	v50 =	vor.u32 s28, v60;
	[tilespmem:s24+$0xFB30] =	vst v51  }
0x59: {  	v52 =	vor.u32 s23, v59;
	v40 =	vmax.f32 v40, v42;
	v6 =	vmax.f32 v26, v31;
	v41 =	vld.idx.msk [tilespmem:v45+s15+$0x0], $0xffff;
	[tilespmem:$0x1FFB0] =	vst v3  }
0x5a: {  	v57 =	vor.u32 s10, v0;
	vm0 =	veq.f32 v37, v40;
	v37 =	vmax.f32 v6, v7;
	v45 =	vld.idx.msk [tilespmem:v47+s15+$0x0], $0xffff;
	[tilespmem:s25+$0xFB00] =	vst v39  }
0x5b: {  	v58 =	vor.u32 s18, v0;
	v38 =	vmax.f32 v38, v43;
	v44 =	vmax.f32 v44, v48;
	[tilespmem:s24+$0xFB10] =	vst v37;
	v46 =	vld.idx.msk [tilespmem:v46+s15+$0x0], $0xffff  }
0x5c: {  	v43 =	vmax.f32 v4, v54;
	v4 =	vor.u32 s23, v61;
	vm1 =	veq.f32 v35, v38;
	[tilespmem:s25+$0xFB10] =	vst v44;
	v5 =	vld.idx.msk [tilespmem:v53+s15+$0x0], $0xffff  }
0x5d: {  	v6 =	vor.u32 s10, v61;
	v7 =	vor.u32 s18, v61;
	vm2 =	veq.f32 v25, v38;
	[tilespmem:s24+$0xFB00] =	vst v43;
	v50 =	vld.idx.msk [tilespmem:v50+s15+$0x0], $0xffff  }
0x5e: {  	vm3 =	veq.f32 v27, v38;
	vm7 =	veq.f32 v23, v38;
	v52 =	vld.idx.msk [tilespmem:v52+s15+$0x0], $0xffff;
	v41 =	vmax.f32 v49, v41  }
0x5f: {  	v23 =	vor.u32 s29, v0;
	v25 =	vmctz.xlane vm1;
	v45 =	vmax.f32 v51, v45;
	[tilespmem:s24+$0xFB20] =	vst v41  }
0x60: {  	v49 =	vor.u32 s29, v60;
	v51 =	vor.u32 s18, v60;
	v27 =	vld.idx.msk [tilespmem:v57+s15+$0x0], $0xffff;
	[tilespmem:s24+$0xFB30] =	vst v45;
	v39 =	vmax.f32 v39, v46  }
0x61: {  	v37 =	vmax.f32 v37, v5;
	v5 =	vmctz.xlane vm2;
	v57 =	vld.idx.msk [tilespmem:v58+s15+$0x0], $0xffff;
	v58 =	vmctz.xlane vm3  }
0x62: {  	vm3 =	veq.s32 v25, $0x10;
	vm6 =	veq.f32 v36, v39;
	v36 =	vor.u32 s29, v61  }
0x63: {  	v44 =	vmax.f32 v44, v50;
	v50 =	vmctz.xlane vm0;
	v43 =	vmax.f32 v43, v52  }
0x64: {  	vm5 =	veq.f32 v11, v39;
	vm8 =	veq.f32 v10, v39;
	vm1 =	veq.f32 v21, v44  }
0x65: {  	[tilespmem:s24+$0xFB10] =	vst v37;
	vm0 =	veq.f32 v20, v44;
	vm10 =	veq.s32 v5, $0x10;
	v52 =	vmctz.xlane vm8  }
0x66: {  	[tilespmem:s24+$0xFB00] =	vst v43;
	v23 =	vld.idx.msk [tilespmem:v23+s15+$0x0], $0xffff;
	v53 =	vmctz.xlane vm6;
	vm8 =	veq.f32 v13, v40;
	v25 =	vsel vm3, $0x40, v25  }
0x67: {  	v20 =	vld.idx.msk [tilespmem:v56+s15+$0x0], $0xffff;
	vm9 =	veq.s32 v50, $0x10;
	v56 =	vadd.s32 $0x20, v58;
	v52 =	vadd.s32 $0x30, v52  }
0x68: {  	s25 =	simm.s32 $0x280;
	v21 =	vmax.f32 v41, v27;
	v41 =	vmctz.xlane vm1;
	vm1 =	veq.f32 v12, v40  }
0x69: {  	v10 =	vld [tilespmem:s25+$0x30];
	v27 =	vmax.f32 v45, v57;
	v45 =	vor.u32 s23, v60;
	v47 =	vmctz.xlane vm1  }
0x6a: {  	v11 =	vld [tilespmem:s25+$0x20];
	[tilespmem:s24+$0xFB20] =	vst v21;
	vm1 =	veq.f32 v17, v44;
	v17 =	vmctz.xlane vm7;
	vm7 =	veq.s32 v58, $0x10  }
0x6b: {  	v35 =	vld.idx.msk [tilespmem:v6+s15+$0x0], $0xffff;
	[tilespmem:s24+$0xFB30] =	vst v27;
	vm4 =	veq.s32 v41, $0x10;
	v48 =	vmax.f32 v37, v23;
	v23 =	vmctz.xlane vm8  }
0x6c: {  	v41 =	vadd.s32 $0x20, v41;
	vm8 =	veq.s32 v53, $0x10;
	v6 =	vld.idx.msk [tilespmem:v7+s15+$0x0], $0xffff;
	v7 =	vor.u32 s10, v60  }
0x6d: {  	vm2 =	veq.s32 v47, $0x10;
	v43 =	vmax.f32 v43, v20;
	v20 =	vsel vm7, $0x40, v56  }
0x6e: {  	v57 =	vadd.s32 $0x30, v17;
	v17 =	vadd.s32 $0x10, v5;
	vm7 =	veq.f32 v14, v40  }
0x6f: {  	v40 =	vsel vm9, $0x40, v50;
	v41 =	vsel vm4, $0x40, v41;
	v56 =	vmax.f32 v11, v10  }
0x70: {  	[tilespmem:s24+$0xFB10] =	vst v48;
	v47 =	vadd.s32 $0x10, v47;
	v38 =	vsel vm10, $0x40, v17;
	vm6 =	vlt.s32 v20, v57  }
0x71: {  	v12 =	vld [tilespmem:s25+$0x10];
	[tilespmem:s24+$0xFB00] =	vst v43;
	v13 =	vmctz.xlane vm7;
	v5 =	vadd.s32 $0x30, v23;
	v47 =	vsel vm2, $0x40, v47  }
0x72: {  	v36 =	vld.idx.msk [tilespmem:v36+s15+$0x0], $0xffff;
	v37 =	vsel vm6, v20, v57;
	vm6 =	vlt.s32 v25, v38;
	vm2 =	vlt.s32 v40, v47  }
0x73: {  	v58 =	vld.idx.msk [tilespmem:v4+s15+$0x0], $0xffff;
	vm3 =	veq.s32 v13, $0x10;
	v38 =	vsel vm6, v25, v38;
	vm6 =	veq.f32 v15, v39  }
0x74: {  	v20 =	vld [tilespmem:s25+$0x0];
	v13 =	vadd.s32 $0x20, v13;
	v21 =	vmax.f32 v21, v35;
	v55 =	vmctz.xlane vm6  }
0x75: {  	s30 =	simm.s32 $0x240;
	v14 =	vld [tilespmem:s25+$0xFFFFFFC0];
	s10 =	simm.s32 $0x90;
	vm12 =	vlt.s32 v38, v37;
	v4 =	vmax.f32 v27, v6;
	v6 =	vsel vm3, $0x40, v13  }
0x76: {  	s0 =	sor.u32 $0x60, s30;
	v17 =	vld [tilespmem:s25+$0x40];
	[tilespmem:s24+$0xFB20] =	vst v21;
	vm3 =	veq.f32 v16, v44;
	v44 =	vor.u32 s10, v59;
	vm7 =	vlt.s32 v6, v5  }
0x77: {  	s7 =	sor.u32 $0x50, s30;
	s26 =	sor.u32 $0x70, s30;
	s30 =	simm.s32 $0xB0;
	v27 =	vld.idx.msk [tilespmem:v7+s15+$0x0], $0xffff;
	v7 =	vmctz.xlane vm5;
	v54 =	vmctz.xlane vm3;
	v36 =	vmax.f32 v48, v36  }
0x78: {  	s31 =	simm.s32 $0x2C0;
	s29 =	simm.s32 $0xA0;
	v15 =	vld [tilespmem:s26+$0x0];
	vm15 =	veq.s32 v55, $0x10;
	v48 =	vor.u32 s30, v0;
	v35 =	vsel vm7, v6, v5  }
0x79: {  	s9 =	sor.u32 $0x50, s31;
	v16 =	vld [tilespmem:s0+$0x0];
	v42 =	vmax.f32 v43, v58;
	v57 =	vmax.f32 v20, v12;
	v5 =	vor.u32 s29, v59  }
0x7a: {  	v23 =	vld [tilespmem:s9+$0x0];
	[tilespmem:s24+$0xFB30] =	vst v4;
	v43 =	vadd.s32 $0x10, v55;
	v6 =	vsel vm8, $0x40, v53;
	v53 =	vmctz.xlane vm1  }
0x7b: {  	s18 =	sor.u32 $0x60, s31;
	v51 =	vld.idx.msk [tilespmem:v51+s15+$0x0], $0xffff;
	v50 =	vadd.s32 $0x30, v54;
	vm8 =	veq.s32 v7, $0x10;
	v39 =	vadd.s32 $0x20, v7  }
0x7c: {  	v25 =	vld [tilespmem:s18+$0x0];
	[tilespmem:s24+$0xFB10] =	vst v36;
	v43 =	vsel vm15, $0x40, v43;
	v54 =	vor.u32 s30, v61;
	vm5 =	vlt.s32 v41, v50  }
0x7d: {  	v13 =	vld [tilespmem:s7+$0x0];
	[tilespmem:s24+$0xFB00] =	vst v42;
	v39 =	vsel vm8, $0x40, v39;
	vm9 =	vlt.s32 v6, v43;
	v50 =	vsel vm5, v41, v50  }
0x7e: {  	v49 =	vld.idx.msk [tilespmem:v49+s15+$0x0], $0xffff;
	v58 =	vmax.f32 v16, v15;
	vm8 =	vlt.s32 v39, v52;
	v43 =	vsel vm9, v6, v43  }
0x7f: {  	s1 =	sor.u32 $0x70, s31;
	v45 =	vld.idx.msk [tilespmem:v45+s15+$0x0], $0xffff;
	v6 =	vmctz.xlane vm0;
	v27 =	vmax.f32 v21, v27;
	v39 =	vsel vm8, v39, v52  }
0x80: {  	v21 =	vld [tilespmem:s1+$0x0];
	v52 =	vor.u32 s29, v61;
	vm3 =	veq.f32 v19, v27;
	v46 =	vmax.f32 v4, v51  }
0x81: {  	vm13 =	veq.f32 v28, v27;
	vm7 =	veq.f32 v18, v46;
	vm6 =	veq.f32 v24, v46  }
0x82: {  	s23 =	simm.s32 $0x80;
	v19 =	vld [tilespmem:s25+$0xFFFFFFA0];
	vm4 =	veq.f32 v32, v46;
	vm5 =	veq.f32 v22, v46;
	v46 =	vmax.f32 v57, v56  }
0x83: {  	v24 =	vmax.f32 v14, v13;
	v18 =	vld [tilespmem:s25+$0xFFFFFFB0];
	v22 =	vmax.f32 v17, v23;
	v36 =	vmax.f32 v36, v49;
	[tilespmem:s23+$0xFB20] =	vst v46  }
0x84: {  	v56 =	vor.u32 s29, v0;
	v41 =	vmax.f32 v24, v58;
	v32 =	vmax.f32 v42, v45;
	v7 =	vld.idx.msk [tilespmem:v5+s15+$0x0], $0xffff  }
0x85: {  	v24 =	vld [tilespmem:s25+$0xFFFFFF90];
	vm1 =	veq.f32 v26, v36;
	v26 =	vor.u32 s30, v60;
	v4 =	vmax.f32 v25, v21  }
0x86: {  	vm8 =	veq.f32 v34, v32;
	v5 =	vsel vm2, v40, v47;
	v51 =	vmax.f32 v22, v4;
	v22 =	vld [tilespmem:s25+$0xFFFFFF80]  }
0x87: {  	[tilespmem:s23+$0xFB10] =	vst v41;
	vm2 =	veq.s32 v53, $0x10;
	vm0 =	vlt.s32 v5, v35;
	v4 =	vor.u32 s30, v59  }
0x88: {  	v44 =	vld.idx.msk [tilespmem:v44+s15+$0x0], $0xffff;
	v34 =	vsel vm0, v5, v35;
	vm0 =	veq.s32 v6, $0x10;
	v57 =	vmax.f32 v19, v18  }
0x89: {  	v40 =	vsel vm0, $0x40, v6;
	vm0 =	veq.f32 v33, v36;
	v46 =	vmax.f32 v46, v7  }
0x8a: {  	s31 =	simm.s32 $0x80;
	v6 =	vmctz.xlane vm4;
	vm4 =	veq.f32 v29, v32;
	v29 =	vor.u32 s10, v61;
	[tilespmem:s23+$0xFB20] =	vst v46  }
0x8b: {  	[tilespmem:s23+$0xFB30] =	vst v51;
	v7 =	vor.u32 s31, v59;
	v58 =	vmax.f32 v22, v24;
	v47 =	vld.idx.msk [tilespmem:v56+s15+$0x0], $0xffff;
	v56 =	vmctz.xlane vm3  }
0x8c: {  	v45 =	vld.idx.msk [tilespmem:v4+s15+$0x0], $0xffff;
	v42 =	vmax.f32 v58, v57;
	v57 =	vadd.s32 $0x10, v53;
	v58 =	vor.u32 s10, v0  }
0x8d: {  	v55 =	vmax.f32 v41, v44;
	v41 =	vor.u32 s31, v61;
	v35 =	vsel vm2, $0x40, v57  }
0x8e: {  	v57 =	vmctz.xlane vm6;
	vm14 =	veq.s32 v56, $0x10;
	vm2 =	vlt.s32 v40, v35  }
0x8f: {  	v4 =	vor.u32 s31, v0;
	[tilespmem:s23+$0xFB00] =	vst v42;
	v33 =	vsel vm14, $0x40, v56;
	v40 =	vsel vm2, v40, v35  }
0x90: {  	[tilespmem:s23+$0xFB10] =	vst v55;
	v44 =	vld.idx.msk [tilespmem:v7+s15+$0x0], $0xffff;
	v35 =	vmctz.xlane vm7;
	vm2 =	vlt.s32 v43, v39;
	vm15 =	veq.s32 v57, $0x10  }
0x91: {  	v45 =	vmax.f32 v51, v45;
	v5 =	vsel vm2, v43, v39;
	vm7 =	vlt.s32 v40, v50;
	v28 =	vld.idx.msk [tilespmem:v58+s15+$0x0], $0xffff  }
0x92: {  	v47 =	vmax.f32 v46, v47;
	v43 =	vmctz.xlane vm13;
	v39 =	vsel vm12, v38, v37;
	[tilespmem:s23+$0xFB30] =	vst v45  }
0x93: {  	v46 =	vmctz.xlane vm8;
	vm2 =	veq.s32 v35, $0x10;
	v7 =	vsel vm7, v40, v50;
	v50 =	vld.idx.msk [tilespmem:v48+s15+$0x0], $0xffff  }
0x94: {  	[tilespmem:v34+s16+$0x0] =	vst.idx.add.f32.msk $0x1, v62;
	vm7 =	veq.f32 v30, v32;
	v40 =	vmctz.xlane vm0;
	v30 =	vor.u32 s31, v60  }
0x95: {  	vm0 =	veq.f32 v31, v36;
	v31 =	vor.u32 s10, v60;
	[tilespmem:s23+$0xFB20] =	vst v47;
	v44 =	vmax.f32 v42, v44  }
0x96: {  	v58 =	vadd.s32 $0x10, v57;
	v51 =	vld.idx.msk [tilespmem:v52+s15+$0x0], $0xffff;
	[tilespmem:s23+$0xFB00] =	vst v44;
	v34 =	vmax.f32 v55, v28;
	v28 =	vmctz.xlane vm5  }
0x97: {  	vm6 =	veq.s32 v43, $0x10;
	[tilespmem:v5+s16+$0x0] =	vst.idx.add.f32.msk $0x1, v62;
	vm5 =	veq.s32 v6, $0x10;
	v55 =	vadd.s32 $0x20, v6  }
0x98: {  	[tilespmem:v7+s16+$0x0] =	vst.idx.add.f32.msk $0x1, v62;
	v49 =	vmax.f32 v45, v50;
	v37 =	vsel vm5, $0x40, v55;
	v28 =	vadd.s32 $0x30, v28  }
0x99: {  	s28 =	simm.s32 $0x380;
	v48 =	vor.u32 s29, v60;
	vm3 =	veq.s32 v40, $0x10;
	v50 =	vld.idx.msk [tilespmem:v4+s15+$0x0], $0xffff;
	[tilespmem:s23+$0xFB30] =	vst v49;
	vm5 =	vlt.s32 v37, v28  }
0x9a: {  	s26 =	simm.s32 $0x300;
	s24 =	simm.s32 $0x8;
	s25 =	simm.s32 $0xC0;
	v42 =	vmctz.xlane vm7;
	v45 =	vsel vm15, $0x40, v58;
	[tilespmem:s23+$0xFB10] =	vst v34;
	v52 =	vld.idx.msk [tilespmem:v54+s15+$0x0], $0xffff;
	v28 =	vsel vm5, v37, v28  }
.LBB2_3:
0x9b: {  	v9 =	vmov v10;
	v10 =	vld [tilespmem:s28+$0x30]  }
0x9c: {  	v4 =	vld [tilespmem:$0x1FFF0]  }
0x9d: {  	[tilespmem:v39+s16+$0x0] =	vst.idx.add.f32.msk $0x1, v62  }
0x9e: {  	vm7 =	veq.f32 v1, v27;
	v0 =	vmov v11;
	s29 =	sadd.s32 $0x20, s25;
	v11 =	vld [tilespmem:s28+$0x20];
	v35 =	vsel vm2, $0x40, v35  }
0x9f: {  	s10 =	sadd.s32 $0x30, s25;
	v40 =	vadd.s32 $0x20, v40;
	v29 =	vld.idx.msk [tilespmem:v29+s15+$0x0], $0xffff;
	v54 =	vmctz.xlane vm7;
	v38 =	vor.u32 s29, v61  }
0xa0: {  	v39 =	vld [tilespmem:s28+$0x10];
	v37 =	vor.u32 s10, v61;
	v55 =	vor.u32 s10, v60;
	v40 =	vsel vm3, $0x40, v40  }
0xa1: {  	s30 =	sadd.s32 $0x10, s25;
	[tilespmem:$0x1FFA0] =	vst v0;
	v0 =	vld [tilespmem:$0x1FFB0];
	v54 =	vadd.s32 $0x30, v54;
	vm5 =	veq.f32 v2, v27;
	v27 =	vadd.s32 $0x10, v43  }
0xa2: {  	v60 =	vld [tilespmem:s28+$0xFFFFFFC0];
	v50 =	vmax.f32 v44, v50;
	v51 =	vmax.f32 v47, v51;
	v56 =	vor.u32 s30, v59  }
0xa3: {  	v44 =	vld [tilespmem:s28+$0xFFFFFFA0];
	v52 =	vmax.f32 v49, v52;
	v53 =	vmctz.xlane vm5;
	[tilespmem:s23+$0xFB00] =	vst v50;
	vm5 =	vlt.s32 v35, v45  }
0xa4: {  	v43 =	vor.u32 s10, v4;
	[tilespmem:s23+$0xFB30] =	vst v52;
	v34 =	vmax.f32 v34, v29;
	v41 =	vld.idx.msk [tilespmem:v41+s15+$0x0], $0xffff;
	v45 =	vsel vm5, v35, v45  }
0xa5: {  	[tilespmem:s23+$0xFB20] =	vst v51;
	v58 =	vld.idx.msk [tilespmem:v26+s15+$0x0], $0xffff;
	v26 =	vmovc v55;
	v55 =	vor.u32 s25, v59;
	vm2 =	veq.s32 v53, $0x10;
	v5 =	vadd.s32 $0x20, v53  }
0xa6: {  	s0 =	sadd.s32 $0x40, s26;
	v57 =	vld.idx.msk [tilespmem:v48+s15+$0x0], $0xffff;
	v53 =	vor.u32 s10, v59;
	vm5 =	vlt.s32 v45, v28;
	v6 =	vsel vm2, $0x40, v5  }
0xa7: {  	s7 =	sor.u32 $0x50, s0;
	v47 =	vld [tilespmem:s28+$0xFFFFFFB0];
	vm2 =	veq.f32 v0, v36;
	v36 =	vsel vm6, $0x40, v27;
	vm6 =	veq.f32 v63, v32  }
0xa8: {  	v8 =	vmovc v13;
	v48 =	vld [tilespmem:s7+$0x0];
	v32 =	vmctz.xlane vm4;
	v63 =	vmax.f32 v11, v10;
	vm7 =	vlt.s32 v6, v54  }
0xa9: {  	v13 =	vmovc v12;
	v12 =	vmovc v24;
	v24 =	vld [tilespmem:s28+$0x0];
	v7 =	vmctz.xlane vm2;
	vm2 =	veq.s32 v46, $0x10;
	v49 =	vsel vm7, v6, v54  }
0xaa: {  	v0 =	vmovc v15;
	v15 =	vld [tilespmem:s28+$0x40];
	v54 =	vmctz.xlane vm1;
	v50 =	vmax.f32 v50, v41;
	v41 =	vmctz.xlane vm6  }
0xab: {  	v27 =	vmax.f32 v51, v57;
	v35 =	vadd.s32 $0x30, v7;
	v52 =	vmax.f32 v52, v58  }
0xac: {  	s9 =	sadd.s32 $0xC0, s26;
	s31 =	sor.u32 $0x60, s0;
	[tilespmem:$0x1FFB0] =	vst v0;
	v0 =	vld [tilespmem:$0x1FFC0];
	v57 =	vor.u32 s29, v4;
	v62 =	vmax.f32 v44, v47;
	vm6 =	veq.s32 v32, $0x10  }
0xad: {  	s2 =	sor.u32 $0x60, s9;
	v5 =	vld [tilespmem:s31+$0x0];
	v1 =	vmax.f32 v60, v48;
	vm1 =	veq.f32 v20, v27;
	vm4 =	veq.f32 v17, v52  }
0xae: {  	s1 =	sor.u32 $0x70, s0;
	v58 =	vld [tilespmem:s2+$0x0];
	v20 =	vmovc v24;
	vm3 =	veq.f32 v23, v52;
	vm7 =	vlt.s32 v40, v35;
	v24 =	vadd.s32 $0x20, v32  }
0xaf: {  	s18 =	sor.u32 $0x50, s9;
	v61 =	vadd.s32 $0x10, v41;
	v17 =	vmovc v15;
	v15 =	vld [tilespmem:s1+$0x0];
	v2 =	vmax.f32 v20, v39;
	v6 =	vsel vm7, v40, v35  }
0xb0: {  	s9 =	sor.u32 $0x70, s9;
	v51 =	vld [tilespmem:s18+$0x0];
	v35 =	vmctz.xlane vm4;
	v40 =	vsel vm6, $0x40, v24;
	vm4 =	veq.s32 v54, $0x10  }
0xb1: {  	v3 =	vld [tilespmem:s9+$0x0];
	vm7 =	veq.f32 v21, v52;
	v59 =	vor.u32 s29, v0;
	v0 =	vsel vm2, $0x40, v46  }
0xb2: {  	[tilespmem:s23+$0xFB00] =	vst v50;
	vm2 =	veq.f32 v25, v52;
	v46 =	vor.u32 s25, v4;
	v4 =	vor.u32 s30, v4  }
0xb3: {  	v24 =	vld [tilespmem:s28+$0xFFFFFF90];
	v54 =	vsel vm4, $0x40, v54;
	vm4 =	veq.s32 v41, $0x10;
	v2 =	vmax.f32 v2, v63;
	v63 =	vmovc v12  }
0xb4: {  	v7 =	vld [tilespmem:s28+$0xFFFFFF80];
	v52 =	vmctz.xlane vm0;
	v12 =	vmovc v39;
	v39 =	vsel vm5, v45, v28;
	v25 =	vmovc v58;
	v58 =	vmax.f32 v5, v15  }
0xb5: {  	s10 =	sshra.s32 s26, $0x2;
	v30 =	vld.idx.msk [tilespmem:v30+s15+$0x0], $0xffff;
	v23 =	vmovc v51;
	v51 =	vmctz.xlane vm2;
	vm2 =	veq.s32 v35, $0x10;
	v1 =	vmax.f32 v1, v58  }
0xb6: {  	v21 =	vmovc v3;
	v32 =	vmax.f32 v17, v23;
	v58 =	vmax.f32 v25, v3;
	v3 =	vmctz.xlane vm1;
	[tilespmem:s10+$0xFB10] =	vst v1  }
0xb7: {  	[tilespmem:s10+$0xFB20] =	vst v2;
	v58 =	vmax.f32 v32, v58;
	v32 =	vadd.s32 $0x30, v42;
	v42 =	vld.idx.msk [tilespmem:v56+s15+$0x0], $0xffff;
	v56 =	vsel vm4, $0x40, v61  }
0xb8: {  	v59 =	vld.idx.msk [tilespmem:v59+s15+$0x0], $0xffff;
	vm1 =	veq.s32 v52, $0x10;
	vm4 =	vlt.s32 v40, v32;
	vm6 =	vlt.s32 v0, v56  }
0xb9: {  	vm10 =	veq.s32 v3, $0x10;
	v0 =	vsel vm6, v0, v56;
	v56 =	vsel vm4, v40, v32  }
0xba: {  	v61 =	vld [tilespmem:$0x1FFD0];
	[tilespmem:s23+$0xFB10] =	vst v34;
	s23 =	smov.u32 s10;
	v40 =	vadd.s32 $0x10, v52;
	vm4 =	vlt.s32 v33, v36;
	v52 =	vmax.f32 v7, v24  }
0xbb: {  	v31 =	vld.idx.msk [tilespmem:v31+s15+$0x0], $0xffff;
	[tilespmem:s23+$0xFB30] =	vst v58;
	v32 =	vmax.f32 v50, v30;
	vm0 =	vlt.s32 v0, v56;
	v40 =	vsel vm1, $0x40, v40  }
0xbc: {  	v53 =	vld.idx.msk [tilespmem:v53+s15+$0x0], $0xffff;
	v50 =	vmax.f32 v52, v62;
	v62 =	vimm.f32 $1.000000000e+00;
	vm8 =	veq.f32 v22, v32  }
0xbd: {  	v30 =	vsel vm4, v33, v36;
	v22 =	vmovc v7;
	v2 =	vmax.f32 v2, v59;
	v52 =	vmctz.xlane vm3  }
0xbe: {  	v59 =	vld [tilespmem:$0x1FFC0];
	vm9 =	veq.f32 v18, v32;
	[tilespmem:s23+$0xFB00] =	vst v50;
	vm1 =	vlt.s32 v30, v49;
	vm3 =	vlt.s32 v54, v40  }
0xbf: {  	[tilespmem:s23+$0xFB20] =	vst v2;
	v0 =	vsel vm0, v0, v56;
	vm0 =	veq.f32 v13, v27;
	v41 =	vor.u32 s25, v61;
	v7 =	vld.idx.msk [tilespmem:v55+s15+$0x0], $0xffff  }
0xc0: {  	v1 =	vmax.f32 v1, v42;
	v33 =	vsel vm1, v30, v49;
	v57 =	vld.idx.msk [tilespmem:v57+s15+$0x0], $0xffff;
	v36 =	vmax.f32 v34, v31  }
0xc1: {  	v29 =	vor.u32 s30, v61;
	[tilespmem:s23+$0xFB10] =	vst v1;
	vm1 =	veq.f32 v14, v36;
	v14 =	vld [tilespmem:$0x1FFE0];
	v55 =	vmax.f32 v58, v53  }
0xc2: {  	vm5 =	veq.s32 v52, $0x10;
	v42 =	vmctz.xlane vm9;
	v31 =	vsel vm3, v54, v40;
	v4 =	vld.idx.msk [tilespmem:v4+s15+$0x0], $0xffff;
	[tilespmem:s23+$0xFB30] =	vst v55  }
0xc3: {  	vm4 =	veq.f32 v16, v36;
	vm6 =	vlt.s32 v31, v6;
	v58 =	vadd.s32 $0x10, v52;
	v56 =	vld.idx.msk [tilespmem:v43+s15+$0x0], $0xffff  }
0xc4: {  	v40 =	vmctz.xlane vm4;
	vm4 =	veq.f32 v19, v32;
	v6 =	vsel vm6, v31, v6;
	[tilespmem:v0+s16+$0x0] =	vst.idx.add.f32.msk $0x1, v62  }
0xc5: {  	s24 =	sadd.s32 $0x4, s24;
	v19 =	vmovc v44;
	v45 =	vsel vm5, $0x40, v58;
	v43 =	vmctz.xlane vm0;
	[tilespmem:v33+s16+$0x0] =	vst.idx.add.f32.msk $0x1, v62;
	v44 =	vmax.f32 v50, v7  }
0xc6: {  	p0 =	slt.u32 s24, $0x1F0;
	v18 =	vmovc v47;
	v47 =	vmax.f32 v2, v57;
	v2 =	vmctz.xlane vm7;
	[tilespmem:s23+$0xFB00] =	vst v44;
	v30 =	vor.u32 s25, v14;
	v14 =	vmovc v60;
	v60 =	vld [tilespmem:$0x1FFE0]  }
.Ltmp0:
0xc7: {  	vm0 =	veq.f32 v8, v36;
	v57 =	vadd.s32 $0x20, v51;
	vm7 =	veq.s32 v51, $0x10;
	[tilespmem:s23+$0xFB20] =	vst v47;
	v50 =	vld.idx.msk [tilespmem:v46+s15+$0x0], $0xffff;
	(pc) =	sbr.rel @p0 .LBB2_3-.Ltmp0, $4  }
0xc8: {  	vm3 =	veq.s32 v40, $0x10;
	v0 =	vsel vm7, $0x40, v57;
	v2 =	vadd.s32 $0x30, v2;
	v51 =	vld.idx.msk [tilespmem:v38+s15+$0x0], $0xffff  }
0xc9: {  	v33 =	vsel vm10, $0x40, v3;
	[tilespmem:v6+s16+$0x0] =	vst.idx.add.f32.msk $0x1, v62;
	vm5 =	vlt.s32 v0, v2;
	v49 =	vmax.f32 v55, v56  }
0xca: {  	v13 =	vmovc v48;
	vm6 =	veq.s32 v43, $0x10;
	v34 =	vmax.f32 v1, v4;
	v28 =	vsel vm5, v0, v2;
	v2 =	vld [tilespmem:$0x1FFA0];
	[tilespmem:s23+$0xFB30] =	vst v49  }
0xcb: {  	s26 =	sadd.s32 $0x100, s26;
	s28 =	sadd.s32 $0x100, s28;
	v16 =	vmovc v5;
	v46 =	vmctz.xlane vm8;
	v1 =	vmovc v9;
	s25 =	sadd.s32 $0x40, s25;
	[tilespmem:s23+$0xFB10] =	vst v34;
	v52 =	vld.idx.msk [tilespmem:v37+s15+$0x0], $0xffff;
	v31 =	vor.u32 s30, v60;
	v48 =	vor.u32 s29, v60  }
0xcc: {  	_ =	sdelay $0x1  }
0xcd: {  	v44 =	vmax.f32 v44, v50  }
0xce: {  	[tilespmem:s23+$0xFB00] =	vst v44;
	v5 =	vmax.f32 v47, v51  }
0xcf: {  	vm7 =	veq.f32 v1, v27;
	v0 =	vadd.s32 $0x10, v43;
	v4 =	vsel vm2, $0x40, v35;
	v6 =	vld.idx.msk [tilespmem:v41+s15+$0x0], $0xffff;
	[tilespmem:s23+$0xFB20] =	vst v5  }
0xd0: {  	v3 =	vmctz.xlane vm7;
	vm5 =	veq.f32 v2, v27;
	v27 =	vld.idx.msk [tilespmem:v48+s15+$0x0], $0xffff;
	v7 =	vmax.f32 v49, v52  }
0xd1: {  	v0 =	vsel vm6, $0x40, v0;
	v43 =	vmctz.xlane vm5;
	vm5 =	vlt.s32 v4, v45;
	[tilespmem:s23+$0xFB30] =	vst v7  }
0xd2: {  	v3 =	vadd.s32 $0x30, v3;
	v4 =	vsel vm5, v4, v45;
	vm5 =	veq.f32 v63, v32;
	v8 =	vld [tilespmem:$0x1FFB0]  }
0xd3: {  	v45 =	vmctz.xlane vm4;
	vm2 =	veq.s32 v43, $0x10;
	v1 =	vadd.s32 $0x20, v43;
	v26 =	vld.idx.msk [tilespmem:v26+s15+$0x0], $0xffff  }
0xd4: {  	v1 =	vsel vm2, $0x40, v1;
	v2 =	vmax.f32 v44, v6;
	v6 =	vmctz.xlane vm5  }
0xd5: {  	vm2 =	vlt.s32 v1, v3;
	v5 =	vmax.f32 v5, v27;
	v27 =	vadd.s32 $0x20, v40  }
0xd6: {  	v1 =	vsel vm2, v1, v3;
	vm2 =	vlt.s32 v4, v28;
	vm5 =	veq.f32 v20, v5  }
0xd7: {  	v3 =	vadd.s32 $0x20, v45;
	v4 =	vsel vm2, v4, v28;
	vm7 =	veq.f32 v8, v36  }
0xd8: {  	v8 =	vmctz.xlane vm1;
	vm1 =	veq.s32 v46, $0x10;
	v7 =	vmax.f32 v7, v26  }
0xd9: {  	v20 =	vld.idx.msk [tilespmem:v29+s15+$0x0], $0xffff;
	v26 =	vsel vm3, $0x40, v27;
	v9 =	vmctz.xlane vm7;
	vm3 =	veq.f32 v17, v7  }
0xda: {  	v17 =	vadd.s32 $0x10, v6;
	v27 =	vsel vm1, $0x40, v46;
	vm4 =	veq.f32 v23, v7  }
0xdb: {  	vm6 =	veq.f32 v25, v7;
	vm7 =	veq.s32 v45, $0x10;
	v23 =	vmctz.xlane vm3  }
0xdc: {  	v25 =	vmctz.xlane vm6;
	v3 =	vsel vm7, $0x40, v3;
	vm3 =	veq.s32 v8, $0x10  }
0xdd: {  	vm6 =	veq.s32 v6, $0x10;
	v47 =	vmctz.xlane vm4;
	v9 =	vadd.s32 $0x30, v9  }
0xde: {  	[tilespmem:s23+$0xFB00] =	vst v2;
	v20 =	vmax.f32 v34, v20;
	v8 =	vsel vm3, $0x40, v8;
	v17 =	vsel vm6, $0x40, v17  }
0xdf: {  	v6 =	vld.idx.msk [tilespmem:v30+s15+$0x0], $0xffff;
	vm6 =	veq.f32 v21, v7;
	v7 =	vmctz.xlane vm0;
	v21 =	vmctz.xlane vm5  }
0xe0: {  	vm1 =	vlt.s32 v26, v9;
	vm7 =	vlt.s32 v27, v17;
	vm2 =	veq.s32 v47, $0x10  }
0xe1: {  	[tilespmem:s23+$0xFB10] =	vst v20;
	v9 =	vsel vm1, v26, v9;
	vm1 =	veq.s32 v23, $0x10;
	v26 =	vadd.s32 $0x30, v42  }
0xe2: {  	v29 =	vld.idx.msk [tilespmem:v31+s15+$0x0], $0xffff;
	v17 =	vsel vm7, v27, v17;
	vm5 =	veq.s32 v7, $0x10;
	vm3 =	vlt.s32 v3, v26  }
0xe3: {  	vm9 =	veq.s32 v21, $0x10;
	v3 =	vsel vm3, v3, v26;
	v26 =	vadd.s32 $0x10, v7  }
0xe4: {  	vm3 =	vlt.s32 v33, v0;
	v2 =	vmax.f32 v2, v6;
	vm0 =	vlt.s32 v17, v3  }
0xe5: {  	v0 =	vsel vm3, v33, v0;
	v6 =	vsel vm5, $0x40, v26;
	vm7 =	veq.f32 v22, v2  }
0xe6: {  	vm3 =	vlt.s32 v0, v1;
	vm4 =	vlt.s32 v8, v6;
	v3 =	vsel vm0, v17, v3  }
0xe7: {  	vm0 =	veq.f32 v12, v5;
	v7 =	vmax.f32 v20, v29;
	v0 =	vsel vm3, v0, v1  }
0xe8: {  	v6 =	vsel vm4, v8, v6;
	v12 =	vmctz.xlane vm0;
	v1 =	vadd.s32 $0x10, v47  }
0xe9: {  	vm3 =	veq.f32 v14, v7;
	vm5 =	veq.f32 v16, v7;
	vm8 =	vlt.s32 v6, v9  }
0xea: {  	vm0 =	veq.f32 v13, v7;
	v13 =	vadd.s32 $0x20, v25;
	v14 =	vmctz.xlane vm7  }
0xeb: {  	v1 =	vsel vm2, $0x40, v1;
	vm2 =	veq.f32 v11, v5;
	vm7 =	veq.f32 v10, v5  }
0xec: {  	v11 =	vsel vm9, $0x40, v21;
	v8 =	vmctz.xlane vm5;
	vm5 =	veq.f32 v19, v2  }
0xed: {  	v6 =	vsel vm8, v6, v9;
	vm8 =	veq.f32 v18, v2;
	vm10 =	veq.s32 v12, $0x10  }
0xee: {  	v9 =	vmctz.xlane vm6;
	vm6 =	veq.s32 v25, $0x10;
	v5 =	vmctz.xlane vm2  }
0xef: {  	v16 =	vmctz.xlane vm7;
	v12 =	vadd.s32 $0x10, v12;
	v13 =	vsel vm6, $0x40, v13  }
0xf0: {  	v10 =	vmctz.xlane vm8;
	v48 =	vmctz.xlane vm5;
	vm4 =	veq.s32 v8, $0x10  }
0xf1: {  	v9 =	vadd.s32 $0x30, v9;
	vm2 =	veq.s32 v5, $0x10;
	v5 =	vadd.s32 $0x20, v5  }
0xf2: {  	v16 =	vadd.s32 $0x30, v16;
	v8 =	vadd.s32 $0x20, v8;
	vm6 =	vlt.s32 v13, v9  }
0xf3: {  	v5 =	vsel vm2, $0x40, v5;
	v8 =	vsel vm4, $0x40, v8;
	v10 =	vadd.s32 $0x30, v10  }
0xf4: {  	v9 =	vsel vm6, v13, v9;
	v13 =	vsel vm1, $0x40, v23;
	vm2 =	vlt.s32 v5, v16  }
0xf5: {  	vm6 =	veq.f32 v15, v7;
	v7 =	vsel vm10, $0x40, v12;
	v15 =	vmctz.xlane vm3  }
0xf6: {  	vm3 =	veq.s32 v48, $0x10;
	vm1 =	vlt.s32 v13, v1;
	v5 =	vsel vm2, v5, v16  }
0xf7: {  	vm2 =	veq.f32 v24, v2;
	v12 =	vmctz.xlane vm6;
	v2 =	vadd.s32 $0x20, v48  }
0xf8: {  	vm4 =	vlt.s32 v11, v7;
	v16 =	vmctz.xlane vm2;
	vm2 =	veq.s32 v14, $0x10  }
0xf9: {  	v2 =	vsel vm3, $0x40, v2;
	v7 =	vsel vm4, v11, v7;
	v1 =	vsel vm1, v13, v1  }
0xfa: {  	v12 =	vadd.s32 $0x30, v12;
	v14 =	vsel vm2, $0x40, v14;
	vm1 =	vlt.s32 v1, v9  }
0xfb: {  	v17 =	vadd.s32 $0x10, v16;
	vm2 =	vlt.s32 v8, v12;
	vm3 =	veq.s32 v16, $0x10  }
0xfc: {  	v16 =	vmctz.xlane vm0;
	v8 =	vsel vm2, v8, v12;
	vm2 =	veq.s32 v15, $0x10  }
0xfd: {  	vm0 =	vlt.s32 v2, v10;
	v12 =	vsel vm3, $0x40, v17;
	v15 =	vsel vm2, $0x40, v15  }
0xfe: {  	[tilespmem:v39+s16+$0x0] =	vst.idx.add.f32.msk $0x1, v62;
	vm2 =	vlt.s32 v14, v12;
	v17 =	vadd.s32 $0x10, v16;
	vm3 =	veq.s32 v16, $0x10  }
0xff: {  	[tilespmem:v4+s16+$0x0] =	vst.idx.add.f32.msk $0x1, v62;
	v1 =	vsel vm1, v1, v9;
	v49 =	vsel vm2, v14, v12;
	v12 =	vsel vm3, $0x40, v17  }
0x100: {  	v2 =	vsel vm0, v2, v10;
	vm0 =	vlt.s32 v7, v5;
	vm2 =	vlt.s32 v15, v12  }
0x101: {  	s0 =	sadd.s32 s22, s8;
	v5 =	vsel vm0, v7, v5;
	vm3 =	vlt.s32 v49, v2;
	v7 =	vsel vm2, v15, v12  }
0x102: {  	s1 =	sshrl.u32 s0, $0x3;
	[tilespmem:v0+s16+$0x0] =	vst.idx.add.f32.msk $0x1, v62;
	v0 =	vsel vm3, v49, v2;
	vm0 =	vlt.s32 v7, v8  }
0x103: {  	s1 =	smul.u32 $0x3E800, s1;
	[tilespmem:v3+s16+$0x0] =	vst.idx.add.f32.msk $0x1, v62;
	v50 =	vsel vm0, v7, v8  }
0x104: {  	s0 =	sshll.u32 s0, $0x7;
	[tilespmem:v6+s16+$0x0] =	vst.idx.add.f32.msk $0x1, v62  }
0x105: {  	s0 =	sand.u32 $0x300, s0;
	s1 =	sadd.s32 s5, s1;
	[tilespmem:v1+s16+$0x0] =	vst.idx.add.f32.msk $0x1, v62  }
0x106: {  	s0 =	sor.u32 s0, s1;
	[tilespmem:v5+s16+$0x0] =	vst.idx.add.f32.msk $0x1, v62  }
0x107: {  	s0 =	sshrl.u32 s0, $0x3;
	[tilespmem:v0+s16+$0x0] =	vst.idx.add.f32.msk $0x1, v62  }
0x108: {  	s0 =	sadd.s32 s4, s0;
	s23 =	simm.s32 $0x0;
	[tilespmem:v50+s16+$0x0] =	vst.idx.add.f32.msk $0x1, v62  }
0x109: {  	[tilespmem:s23], [sflag:$0x1] =	stream.strided.gather [hbm4b:s0+s12], $0x7D00, s13, s12, $0x38;
	[tilespmem:$0x11A80] =	vst v63  }
0x10a: {  	_ =	swait.ge [sflag:s17], $0x7D00  }
0x10b: {  	[sflag:s17] =	ssyncset.done $0x0  }
0x10c: {  	s31 =	simm.s32 $0x7D80;
	[sflag:s17] =	ssyncadd.s32 $0xFFFF8300  }
0x10d: {  	v13 =	vld [tilespmem:s31+$0x30]  }
0x10e: {  	v14 =	vld [tilespmem:s31+$0x20]  }
0x10f: {  	v12 =	vld [tilespmem:s31+$0x10]  }
0x110: {  	v11 =	vld [tilespmem:s31+$0xFFFFFFA0]  }
0x111: {  	v10 =	vld [tilespmem:s31+$0xFFFFFFB0]  }
0x112: {  	v35 =	vld [tilespmem:s31+$0x40]  }
0x113: {  	s9 =	simm.s32 $0xC0;
	v37 =	vld [tilespmem:s31+$0x0]  }
0x114: {  	s2 =	sor.u32 $0x50, s9;
	v20 =	vld [tilespmem:s31+$0xFFFFFFC0]  }
0x115: {  	s7 =	sor.u32 $0x60, s9;
	v25 =	vld [tilespmem:s2+$0x7D00]  }
0x116: {  	s22 =	simm.s32 $0x40;
	s1 =	sor.u32 $0x70, s9;
	v27 =	vld [tilespmem:s7+$0x7D00]  }
0x117: {  	s10 =	sor.u32 $0x50, s22;
	v23 =	vld [tilespmem:s1+$0x7D00]  }
0x118: {  	s28 =	sor.u32 $0x70, s22;
	v17 =	vld [tilespmem:s10+$0x7D00]  }
0x119: {  	s29 =	sor.u32 $0x60, s22;
	v16 =	vld [tilespmem:s28+$0x7D00]  }
0x11a: {  	v21 =	vld [tilespmem:s29+$0x7D00]  }
0x11b: {  	v15 =	vld [tilespmem:s31+$0xFFFFFF90]  }
0x11c: {  	s0 =	simm.s32 $0x7E80;
	v36 =	vld [tilespmem:s31+$0xFFFFFF80];
	v53 =	vmax.f32 v14, v13;
	v54 =	vmax.f32 v37, v12  }
0x11d: {  	s18 =	simm.s32 $0x20;
	s24 =	simm.s32 $0x0;
	v28 =	vld [tilespmem:s0+$0x10];
	v4 =	vmax.f32 v35, v25;
	v5 =	vmax.f32 v27, v23;
	v2 =	vmax.f32 v54, v53  }
0x11e: {  	v51 =	vor.u32 s18, v59;
	v29 =	vld [tilespmem:s0+$0xFFFFFFA0];
	v55 =	vmax.f32 v4, v5;
	[tilespmem:s24+$0xFB20] =	vst v2  }
0x11f: {  	s25 =	simm.s32 $0x30;
	v30 =	vld [tilespmem:s0+$0xFFFFFFB0];
	[tilespmem:s24+$0xFB30] =	vst v55  }
0x120: {  	v52 =	vor.u32 s25, v59;
	v49 =	vld [tilespmem:$0x1FFF0]  }
0x121: {  	s26 =	simm.s32 $0x10;
	v26 =	vld [tilespmem:s0+$0xFFFFFFC0]  }
0x122: {  	s30 =	simm.s32 $0x140;
	v34 =	vld [tilespmem:s0+$0xFFFFFF80];
	v4 =	vor.u32 s26, v59  }
0x123: {  	v6 =	vor.u32 s23, v59;
	s10 =	sor.u32 $0x50, s30;
	v0 =	vld.idx.msk [tilespmem:v51+s15+$0x0], $0xffff  }
0x124: {  	v31 =	vld [tilespmem:s10+$0x7D00];
	v8 =	vmax.f32 v20, v17;
	v9 =	vmax.f32 v21, v16;
	v18 =	vmax.f32 v11, v10  }
0x125: {  	s1 =	sor.u32 $0x60, s30;
	v8 =	vmax.f32 v8, v9;
	v9 =	vmax.f32 v36, v15;
	v1 =	vld.idx.msk [tilespmem:v52+s15+$0x0], $0xffff;
	v7 =	vor.u32 s18, v49  }
0x126: {  	v33 =	vld [tilespmem:s1+$0x7D00];
	v9 =	vmax.f32 v9, v18;
	[tilespmem:s24+$0xFB10] =	vst v8  }
0x127: {  	s31 =	simm.s32 $0x1C0;
	[tilespmem:s24+$0xFB00] =	vst v9;
	v4 =	vld.idx.msk [tilespmem:v4+s15+$0x0], $0xffff;
	v5 =	vor.u32 s25, v49  }
0x128: {  	s9 =	sor.u32 $0x50, s31;
	v56 =	vld.idx.msk [tilespmem:v6+s15+$0x0], $0xffff;
	v0 =	vmax.f32 v2, v0  }
0x129: {  	v24 =	vld [tilespmem:s9+$0x7D00];
	v57 =	vor.u32 s26, v49;
	[tilespmem:s24+$0xFB20] =	vst v0  }
0x12a: {  	s2 =	sor.u32 $0x70, s31;
	v1 =	vmax.f32 v55, v1;
	v6 =	vld.idx.msk [tilespmem:v7+s15+$0x0], $0xffff;
	v7 =	vor.u32 s23, v49  }
0x12b: {  	v22 =	vld [tilespmem:s2+$0x7D00];
	[tilespmem:s24+$0xFB30] =	vst v1  }
0x12c: {  	v18 =	vor.u32 s18, v61;
	v4 =	vmax.f32 v8, v4;
	v5 =	vld.idx.msk [tilespmem:v5+s15+$0x0], $0xffff  }
0x12d: {  	v54 =	vld [tilespmem:s0+$0xFFFFFF90];
	v2 =	vmax.f32 v9, v56;
	[tilespmem:s24+$0xFB10] =	vst v4  }
0x12e: {  	v19 =	vor.u32 s25, v61;
	[tilespmem:s24+$0xFB00] =	vst v2;
	v3 =	vld.idx.msk [tilespmem:v57+s15+$0x0], $0xffff  }
0x12f: {  	v0 =	vmax.f32 v0, v6;
	v8 =	vld.idx.msk [tilespmem:v7+s15+$0x0], $0xffff  }
0x130: {  	v6 =	vld [tilespmem:s0+$0x30];
	[tilespmem:s24+$0xFB20] =	vst v0  }
0x131: {  	v1 =	vmax.f32 v1, v5;
	v5 =	vld.idx.msk [tilespmem:v18+s15+$0x0], $0xffff  }
0x132: {  	v9 =	vor.u32 s23, v61;
	v7 =	vld [tilespmem:s0+$0x20];
	[tilespmem:s24+$0xFB30] =	vst v1  }
0x133: {  	v58 =	vld.idx.msk [tilespmem:v19+s15+$0x0], $0xffff;
	v18 =	vor.u32 s18, v60  }
0x134: {  	s28 =	sor.u32 $0x70, s30;
	v19 =	vld [tilespmem:s0+$0x0]  }
0x135: {  	v63 =	vor.u32 s25, v60;
	v55 =	vld [tilespmem:s28+$0x7D00];
	s18 =	sor.u32 $0x60, s31;
	v2 =	vmax.f32 v2, v8  }
0x136: {  	s29 =	simm.s32 $0x60;
	v32 =	vld [tilespmem:s18+$0x7D00];
	v8 =	vor.u32 s26, v61;
	[tilespmem:s24+$0xFB00] =	vst v2;
	v0 =	vmax.f32 v0, v5  }
0x137: {  	v3 =	vmax.f32 v4, v3;
	v4 =	vor.u32 s29, v59;
	v5 =	vld.idx.msk [tilespmem:v9+s15+$0x0], $0xffff;
	[tilespmem:s24+$0xFB20] =	vst v0  }
0x138: {  	v1 =	vmax.f32 v1, v58;
	v38 =	vld.idx.msk [tilespmem:v18+s15+$0x0], $0xffff  }
0x139: {  	v44 =	vor.u32 s26, v60;
	v50 =	vmax.f32 v7, v6;
	v51 =	vmax.f32 v19, v28;
	[tilespmem:s24+$0xFB30] =	vst v1;
	v18 =	vld [tilespmem:s0+$0x40]  }
0x13a: {  	v46 =	vor.u32 s22, v59;
	v40 =	vor.u32 s23, v60;
	s30 =	simm.s32 $0x70;
	s23 =	simm.s32 $0x40;
	[tilespmem:s24+$0xFB10] =	vst v3;
	v43 =	vmax.f32 v51, v50;
	v39 =	vld.idx.msk [tilespmem:v63+s15+$0x0], $0xffff  }
0x13b: {  	v48 =	vor.u32 s30, v59;
	v52 =	vmax.f32 v34, v54;
	s28 =	simm.s32 $0x50;
	v41 =	vor.u32 s29, v49;
	[tilespmem:s23+$0xFB20] =	vst v43;
	v42 =	vld.idx.msk [tilespmem:v8+s15+$0x0], $0xffff  }
0x13c: {  	v57 =	vor.u32 s28, v59;
	v58 =	vmax.f32 v33, v55;
	v56 =	vmax.f32 v32, v22;
	v4 =	vld.idx.msk [tilespmem:v4+s15+$0x0], $0xffff  }
0x13d: {  	v51 =	vor.u32 s30, v49;
	v2 =	vmax.f32 v2, v5;
	v5 =	vmax.f32 v26, v31  }
0x13e: {  	v63 =	vmax.f32 v29, v30;
	[tilespmem:s24+$0xFB00] =	vst v2;
	v5 =	vmax.f32 v5, v58;
	v53 =	vmax.f32 v18, v24  }
0x13f: {  	v0 =	vmax.f32 v0, v38;
	[tilespmem:s23+$0xFB10] =	vst v5;
	v1 =	vmax.f32 v1, v39;
	v45 =	vmax.f32 v53, v56  }
0x140: {  	v40 =	vld.idx.msk [tilespmem:v40+s15+$0x0], $0xffff;
	vm0 =	veq.f32 v37, v0;
	v3 =	vmax.f32 v3, v42;
	v53 =	vmax.f32 v52, v63  }
0x141: {  	v58 =	vor.u32 s30, v61;
	v56 =	vld.idx.msk [tilespmem:v57+s15+$0x0], $0xffff;
	vm1 =	veq.f32 v35, v1;
	v4 =	vmax.f32 v43, v4;
	[tilespmem:s23+$0xFB30] =	vst v45  }
0x142: {  	v57 =	vor.u32 s29, v61;
	vm2 =	veq.f32 v25, v1;
	vm3 =	veq.f32 v27, v1;
	[tilespmem:s24+$0xFB10] =	vst v3;
	v38 =	vld.idx.msk [tilespmem:v48+s15+$0x0], $0xffff  }
0x143: {  	v63 =	vor.u32 s22, v49;
	vm7 =	veq.f32 v23, v1;
	[tilespmem:s23+$0xFB00] =	vst v53;
	v25 =	vmctz.xlane vm1;
	v44 =	vld.idx.msk [tilespmem:v44+s15+$0x0], $0xffff  }
0x144: {  	v43 =	vor.u32 s28, v60;
	[tilespmem:s23+$0xFB20] =	vst v4;
	v50 =	vmctz.xlane vm3;
	v52 =	vmctz.xlane vm0;
	v46 =	vld.idx.msk [tilespmem:v46+s15+$0x0], $0xffff  }
0x145: {  	v27 =	vld.idx.msk [tilespmem:v41+s15+$0x0], $0xffff;
	v48 =	vor.u32 s28, v49;
	v41 =	vor.u32 s22, v60;
	vm3 =	veq.s32 v25, $0x10  }
0x146: {  	vm13 =	veq.s32 v52, $0x10;
	v2 =	vmax.f32 v2, v40;
	v25 =	vsel vm3, $0x40, v25  }
0x147: {  	vm6 =	veq.f32 v36, v2;
	v36 =	vor.u32 s28, v61;
	v5 =	vmax.f32 v5, v56  }
0x148: {  	vm5 =	veq.f32 v11, v2;
	vm8 =	veq.f32 v10, v2;
	v56 =	vor.u32 s29, v60  }
0x149: {  	v38 =	vmax.f32 v45, v38;
	v45 =	vor.u32 s30, v60;
	v3 =	vmax.f32 v3, v44  }
0x14a: {  	[tilespmem:s23+$0xFB10] =	vst v5;
	v39 =	vmax.f32 v53, v46;
	v4 =	vmax.f32 v4, v27;
	v27 =	vmctz.xlane vm2  }
0x14b: {  	v1 =	vld.idx.msk [tilespmem:v48+s15+$0x0], $0xffff;
	v48 =	vmctz.xlane vm6;
	v46 =	vmctz.xlane vm8;
	vm8 =	veq.f32 v13, v0;
	[tilespmem:s23+$0xFB30] =	vst v38  }
0x14c: {  	v44 =	vsel vm13, $0x40, v52;
	vm1 =	veq.f32 v21, v3;
	[tilespmem:s23+$0xFB00] =	vst v39;
	vm0 =	veq.f32 v20, v3;
	v23 =	vld.idx.msk [tilespmem:v51+s15+$0x0], $0xffff  }
0x14d: {  	[tilespmem:s23+$0xFB20] =	vst v4;
	v13 =	vmctz.xlane vm8;
	v51 =	vor.u32 s22, v61;
	v21 =	vmctz.xlane vm1;
	v20 =	vld.idx.msk [tilespmem:v63+s15+$0x0], $0xffff  }
0x14e: {  	vm1 =	veq.f32 v12, v0;
	v35 =	vld.idx.msk [tilespmem:v57+s15+$0x0], $0xffff;
	v57 =	vadd.s32 $0x20, v50;
	vm14 =	veq.s32 v27, $0x10  }
0x14f: {  	vm8 =	veq.s32 v48, $0x10;
	v46 =	vadd.s32 $0x30, v46;
	v42 =	vmctz.xlane vm1  }
0x150: {  	s31 =	simm.s32 $0x7F80;
	vm1 =	veq.f32 v17, v3;
	v17 =	vmctz.xlane vm7;
	vm7 =	veq.s32 v50, $0x10  }
0x151: {  	v10 =	vld [tilespmem:s31+$0x30];
	vm4 =	veq.s32 v21, $0x10;
	v1 =	vmax.f32 v5, v1;
	v5 =	vadd.s32 $0x10, v27  }
0x152: {  	v11 =	vld [tilespmem:s31+$0x20];
	vm2 =	veq.s32 v42, $0x10;
	v42 =	vadd.s32 $0x10, v42;
	v5 =	vsel vm14, $0x40, v5  }
0x153: {  	v12 =	vld [tilespmem:s31+$0x10];
	[tilespmem:s23+$0xFB10] =	vst v1;
	v42 =	vsel vm2, $0x40, v42;
	v23 =	vmax.f32 v38, v23;
	v39 =	vmax.f32 v39, v20  }
0x154: {  	v4 =	vmax.f32 v4, v35;
	v20 =	vsel vm7, $0x40, v57;
	vm7 =	veq.f32 v14, v0;
	v36 =	vld.idx.msk [tilespmem:v36+s15+$0x0], $0xffff;
	[tilespmem:s23+$0xFB30] =	vst v23  }
0x155: {  	v57 =	vsel vm8, $0x40, v48;
	[tilespmem:s23+$0xFB00] =	vst v39;
	v50 =	vmctz.xlane vm7;
	v53 =	vld.idx.msk [tilespmem:v58+s15+$0x0], $0xffff;
	v58 =	vadd.s32 $0x30, v17  }
0x156: {  	s29 =	simm.s32 $0xA0;
	vm2 =	vlt.s32 v44, v42;
	[tilespmem:s23+$0xFB20] =	vst v4;
	v40 =	vld.idx.msk [tilespmem:v51+s15+$0x0], $0xffff;
	v51 =	vadd.s32 $0x30, v13;
	vm6 =	vlt.s32 v20, v58  }
0x157: {  	s9 =	simm.s32 $0x240;
	v27 =	vld.idx.msk [tilespmem:v56+s15+$0x0], $0xffff;
	vm3 =	veq.s32 v50, $0x10;
	v0 =	vadd.s32 $0x20, v50;
	v50 =	vor.u32 s29, v59  }
0x158: {  	s25 =	simm.s32 $0x90;
	s18 =	sor.u32 $0x50, s9;
	v17 =	vld [tilespmem:s31+$0x40];
	v8 =	vsel vm6, v20, v58;
	vm6 =	vlt.s32 v25, v5;
	v0 =	vsel vm3, $0x40, v0  }
0x159: {  	s0 =	sor.u32 $0x60, s9;
	v13 =	vld [tilespmem:s18+$0x7D00];
	vm3 =	veq.f32 v16, v3;
	v3 =	vor.u32 s25, v59;
	vm7 =	vlt.s32 v0, v51  }
0x15a: {  	s10 =	simm.s32 $0x2C0;
	v56 =	vld [tilespmem:s0+$0x7D00];
	v38 =	vsel vm6, v25, v5;
	vm6 =	veq.f32 v15, v2;
	v2 =	vmctz.xlane vm5  }
0x15b: {  	s26 =	sor.u32 $0x60, s10;
	v20 =	vld [tilespmem:s31+$0x0];
	v5 =	vmctz.xlane vm3;
	v1 =	vmax.f32 v1, v36;
	v0 =	vsel vm7, v0, v51  }
0x15c: {  	s28 =	sor.u32 $0x70, s9;
	v25 =	vld [tilespmem:s26+$0x7D00];
	v52 =	vmctz.xlane vm6;
	vm12 =	vlt.s32 v38, v8;
	v63 =	vmax.f32 v23, v53  }
0x15d: {  	v15 =	vld [tilespmem:s28+$0x7D00];
	v35 =	vmax.f32 v39, v40;
	v27 =	vmax.f32 v4, v27;
	v4 =	vadd.s32 $0x20, v21  }
0x15e: {  	v53 =	vld [tilespmem:s31+$0xFFFFFFC0];
	v5 =	vadd.s32 $0x30, v5;
	vm8 =	veq.s32 v2, $0x10;
	v2 =	vadd.s32 $0x20, v2;
	[tilespmem:s23+$0xFB30] =	vst v63  }
0x15f: {  	s24 =	sor.u32 $0x50, s10;
	vm3 =	veq.f32 v19, v27;
	v4 =	vsel vm4, $0x40, v4;
	vm15 =	veq.s32 v52, $0x10;
	v45 =	vld.idx.msk [tilespmem:v45+s15+$0x0], $0xffff  }
0x160: {  	s1 =	sor.u32 $0x70, s10;
	v23 =	vld [tilespmem:s24+$0x7D00];
	v51 =	vadd.s32 $0x10, v52;
	v2 =	vsel vm8, $0x40, v2;
	vm13 =	veq.f32 v28, v27  }
0x161: {  	s30 =	simm.s32 $0xB0;
	[tilespmem:s23+$0xFB10] =	vst v1;
	v21 =	vld [tilespmem:s1+$0x7D00];
	vm5 =	vlt.s32 v4, v5;
	v47 =	vmax.f32 v20, v12;
	v36 =	vsel vm15, $0x40, v51  }
0x162: {  	v43 =	vld.idx.msk [tilespmem:v43+s15+$0x0], $0xffff;
	vm8 =	vlt.s32 v2, v46;
	v51 =	vsel vm2, v44, v42;
	v42 =	vor.u32 s30, v61  }
0x163: {  	v37 =	vld [tilespmem:s31+$0xFFFFFFA0];
	[tilespmem:s23+$0xFB00] =	vst v35;
	v4 =	vsel vm5, v4, v5;
	vm9 =	vlt.s32 v57, v36;
	v2 =	vsel vm8, v2, v46  }
0x164: {  	v52 =	vld.idx.msk [tilespmem:v41+s15+$0x0], $0xffff;
	v46 =	vor.u32 s29, v61;
	v41 =	vsel vm9, v57, v36;
	v58 =	vmax.f32 v63, v45  }
0x165: {  	v19 =	vld [tilespmem:s31+$0xFFFFFFB0];
	v5 =	vmax.f32 v17, v23;
	v63 =	vmax.f32 v11, v10;
	vm6 =	veq.f32 v24, v58  }
0x166: {  	v24 =	vmax.f32 v53, v13;
	vm5 =	veq.f32 v22, v58;
	v22 =	vmax.f32 v56, v15  }
0x167: {  	s22 =	simm.s32 $0x80;
	v45 =	vmax.f32 v47, v63;
	v40 =	vmax.f32 v24, v22;
	v24 =	vld [tilespmem:s31+$0xFFFFFF90];
	v22 =	vmax.f32 v25, v21  }
0x168: {  	v36 =	vmax.f32 v1, v43;
	v43 =	vmctz.xlane vm13;
	[tilespmem:s22+$0xFB20] =	vst v45;
	v5 =	vmax.f32 v5, v22;
	v22 =	vld [tilespmem:s31+$0xFFFFFF80]  }
0x169: {  	vm7 =	veq.f32 v18, v58;
	vm4 =	veq.f32 v32, v58;
	v47 =	vor.u32 s30, v49;
	v58 =	vld.idx.msk [tilespmem:v50+s15+$0x0], $0xffff  }
0x16a: {  	v63 =	vmax.f32 v37, v19;
	v32 =	vmax.f32 v35, v52;
	v52 =	vmctz.xlane vm0;
	[tilespmem:s22+$0xFB10] =	vst v40  }
0x16b: {  	vm0 =	vlt.s32 v51, v0;
	vm8 =	veq.f32 v34, v32;
	v50 =	vor.u32 s30, v59;
	v3 =	vld.idx.msk [tilespmem:v3+s15+$0x0], $0xffff  }
0x16c: {  	v0 =	vsel vm0, v51, v0;
	v35 =	vmctz.xlane vm7;
	s31 =	simm.s32 $0x80;
	vm0 =	veq.s32 v52, $0x10  }
0x16d: {  	v57 =	vor.u32 s31, v59;
	v51 =	vsel vm0, $0x40, v52;
	vm0 =	veq.f32 v33, v36  }
0x16e: {  	v52 =	vor.u32 s25, v49;
	v48 =	vmax.f32 v22, v24;
	v45 =	vmax.f32 v45, v58  }
0x16f: {  	[tilespmem:s22+$0xFB30] =	vst v5;
	v58 =	vmctz.xlane vm1;
	vm1 =	veq.f32 v26, v36;
	v26 =	vor.u32 s30, v60  }
0x170: {  	v50 =	vld.idx.msk [tilespmem:v50+s15+$0x0], $0xffff;
	v39 =	vmax.f32 v48, v63;
	v3 =	vmax.f32 v40, v3;
	v63 =	vor.u32 s29, v49  }
0x171: {  	v40 =	vmctz.xlane vm0;
	vm2 =	veq.s32 v58, $0x10;
	v1 =	vadd.s32 $0x10, v58  }
0x172: {  	vm0 =	veq.f32 v31, v36;
	v31 =	vor.u32 s25, v60;
	v1 =	vsel vm2, $0x40, v1  }
0x173: {  	v48 =	vor.u32 s29, v60;
	[tilespmem:s22+$0xFB00] =	vst v39;
	v58 =	vmctz.xlane vm4;
	vm2 =	vlt.s32 v51, v1  }
0x174: {  	vm4 =	veq.f32 v29, v32;
	v29 =	vor.u32 s25, v61;
	v57 =	vld.idx.msk [tilespmem:v57+s15+$0x0], $0xffff;
	v1 =	vsel vm2, v51, v1  }
0x175: {  	[tilespmem:s22+$0xFB20] =	vst v45;
	v5 =	vmax.f32 v5, v50;
	v50 =	vor.u32 s31, v49;
	vm2 =	vlt.s32 v41, v2  }
0x176: {  	[tilespmem:s22+$0xFB10] =	vst v3;
	v34 =	vld.idx.msk [tilespmem:v63+s15+$0x0], $0xffff;
	v2 =	vsel vm2, v41, v2;
	vm2 =	veq.s32 v35, $0x10;
	v41 =	vor.u32 s31, v61  }
0x177: {  	v28 =	vld.idx.msk [tilespmem:v52+s15+$0x0], $0xffff;
	vm7 =	vlt.s32 v1, v4;
	v63 =	vmctz.xlane vm6;
	[tilespmem:s22+$0xFB30] =	vst v5;
	vm6 =	veq.s32 v43, $0x10  }
0x178: {  	v1 =	vsel vm7, v1, v4;
	v4 =	vmctz.xlane vm3;
	vm7 =	veq.f32 v30, v32;
	v52 =	vld.idx.msk [tilespmem:v47+s15+$0x0], $0xffff  }
0x179: {  	[tilespmem:v0+s16+$0x0] =	vst.idx.add.f32.msk $0x1, v62;
	v30 =	vor.u32 s31, v60;
	vm3 =	veq.s32 v40, $0x10;
	v44 =	vmax.f32 v39, v57  }
0x17a: {  	v39 =	vsel vm12, v38, v8;
	v57 =	vmctz.xlane vm5;
	vm5 =	veq.s32 v58, $0x10;
	[tilespmem:s22+$0xFB00] =	vst v44  }
0x17b: {  	v58 =	vadd.s32 $0x20, v58;
	vm15 =	veq.s32 v63, $0x10;
	v47 =	vmax.f32 v45, v34;
	[tilespmem:v2+s16+$0x0] =	vst.idx.add.f32.msk $0x1, v62  }
0x17c: {  	v63 =	vadd.s32 $0x10, v63;
	vm14 =	veq.s32 v4, $0x10;
	v50 =	vld.idx.msk [tilespmem:v50+s15+$0x0], $0xffff;
	v0 =	vadd.s32 $0x30, v57;
	[tilespmem:s22+$0xFB20] =	vst v47  }
0x17d: {  	v33 =	vsel vm14, $0x40, v4;
	v2 =	vsel vm5, $0x40, v58;
	v49 =	vmax.f32 v5, v52;
	[tilespmem:v1+s16+$0x0] =	vst.idx.add.f32.msk $0x1, v62  }
0x17e: {  	s26 =	simm.s32 $0x8080;
	v34 =	vmax.f32 v3, v28;
	v45 =	vsel vm15, $0x40, v63;
	vm5 =	vlt.s32 v2, v0;
	v51 =	vld.idx.msk [tilespmem:v46+s15+$0x0], $0xffff;
	[tilespmem:s22+$0xFB30] =	vst v49  }
0x17f: {  	s24 =	simm.s32 $0xC0;
	s23 =	simm.s32 $0x8;
	s25 =	simm.s32 $0x300;
	[tilespmem:s22+$0xFB10] =	vst v34;
	v46 =	vmctz.xlane vm8;
	v28 =	vsel vm5, v2, v0;
	v52 =	vld.idx.msk [tilespmem:v42+s15+$0x0], $0xffff;
	v42 =	vmctz.xlane vm7  }
.LBB2_5:
0x180: {  	v8 =	vmov v10;
	v10 =	vld [tilespmem:s26+$0x30]  }
0x181: {  	vm7 =	veq.f32 v6, v27;
	v6 =	vld [tilespmem:$0x1FFF0]  }
0x182: {  	s10 =	sadd.s32 $0x30, s24;
	v0 =	vadd.s32 $0x10, v43;
	s28 =	sadd.s32 $0x20, s24;
	[tilespmem:v39+s16+$0x0] =	vst.idx.add.f32.msk $0x1, v62;
	v62 =	vsel vm2, $0x40, v35  }
0x183: {  	v1 =	vmovc v11;
	v11 =	vld [tilespmem:s26+$0x20];
	v2 =	vmctz.xlane vm7;
	v38 =	vor.u32 s28, v61;
	v3 =	vor.u32 s10, v61  }
0x184: {  	v29 =	vld.idx.msk [tilespmem:v29+s15+$0x0], $0xffff;
	v4 =	vor.u32 s10, v60;
	v0 =	vsel vm6, $0x40, v0;
	vm6 =	veq.f32 v54, v32  }
0x185: {  	v39 =	vld [tilespmem:s26+$0x10];
	v42 =	vadd.s32 $0x30, v42;
	[tilespmem:$0x1FF90] =	vst v3;
	v3 =	vmctz.xlane vm1;
	v2 =	vadd.s32 $0x30, v2  }
0x186: {  	s29 =	sadd.s32 $0x10, s24;
	v54 =	vld [tilespmem:s26+$0xFFFFFFC0];
	vm5 =	veq.f32 v7, v27;
	v5 =	vmax.f32 v44, v50;
	v27 =	vmax.f32 v47, v51  }
0x187: {  	v44 =	vld [tilespmem:s26+$0xFFFFFFA0];
	v50 =	vor.u32 s29, v59;
	v57 =	vmax.f32 v49, v52;
	v51 =	vor.u32 s10, v59;
	[tilespmem:s22+$0xFB00] =	vst v5  }
0x188: {  	v32 =	vor.u32 s28, v59;
	v43 =	vor.u32 s10, v6;
	v58 =	vmctz.xlane vm5;
	[tilespmem:s22+$0xFB30] =	vst v57;
	v63 =	vld.idx.msk [tilespmem:v41+s15+$0x0], $0xffff  }
0x189: {  	v18 =	vmovc v53;
	vm5 =	vlt.s32 v62, v45;
	v53 =	vor.u32 s28, v6;
	v34 =	vmax.f32 v34, v29;
	v60 =	vld.idx.msk [tilespmem:v26+s15+$0x0], $0xffff  }
0x18a: {  	[tilespmem:$0x1FF80] =	vst v1;
	v45 =	vsel vm5, v62, v45;
	v47 =	vld [tilespmem:s26+$0xFFFFFFB0];
	v26 =	vmovc v4;
	v4 =	vor.u32 s24, v59;
	v62 =	vadd.s32 $0x20, v40  }
0x18b: {  	[tilespmem:s22+$0xFB20] =	vst v27;
	v61 =	vld [tilespmem:s26+$0x40];
	vm2 =	veq.s32 v58, $0x10;
	v1 =	vadd.s32 $0x20, v58;
	v35 =	vsel vm3, $0x40, v62  }
0x18c: {  	s0 =	sadd.s32 $0x40, s25;
	v16 =	vmovc v13;
	v13 =	vmovc v15;
	v58 =	vld.idx.msk [tilespmem:v48+s15+$0x0], $0xffff;
	v1 =	vsel vm2, $0x40, v1;
	vm2 =	veq.f32 v55, v36;
	v36 =	vmctz.xlane vm6  }
0x18d: {  	s9 =	sadd.s32 $0xC0, s25;
	v14 =	vmovc v12;
	v12 =	vmovc v24;
	s7 =	sor.u32 $0x50, s0;
	v24 =	vld [tilespmem:s26+$0x0];
	vm7 =	vlt.s32 v1, v2;
	v15 =	vmctz.xlane vm2;
	vm2 =	veq.s32 v46, $0x10  }
0x18e: {  	v9 =	vmovc v56;
	s18 =	sor.u32 $0x50, s9;
	v48 =	vld [tilespmem:s7+$0x7D00];
	v49 =	vsel vm7, v1, v2;
	v2 =	vmctz.xlane vm4;
	v56 =	vadd.s32 $0x10, v36  }
0x18f: {  	s30 =	sor.u32 $0x60, s0;
	v52 =	vld [tilespmem:s18+$0x7D00];
	v5 =	vmax.f32 v5, v63;
	v40 =	vadd.s32 $0x30, v15;
	v41 =	vmax.f32 v57, v60  }
0x190: {  	s2 =	sor.u32 $0x60, s9;
	v59 =	vld [tilespmem:s30+$0x7D00];
	v1 =	vmax.f32 v44, v47;
	v57 =	vmax.f32 v11, v10;
	v63 =	vor.u32 s29, v6  }
0x191: {  	s1 =	sor.u32 $0x70, s0;
	v55 =	vld [tilespmem:s2+$0x7D00];
	v27 =	vmax.f32 v27, v58;
	vm4 =	veq.f32 v17, v41;
	v58 =	vsel vm2, $0x40, v46  }
0x192: {  	v15 =	vld [tilespmem:s1+$0x7D00];
	vm3 =	veq.f32 v23, v41;
	vm2 =	veq.f32 v25, v41;
	vm6 =	veq.s32 v2, $0x10  }
0x193: {  	s9 =	sor.u32 $0x70, s9;
	v60 =	vmax.f32 v54, v48;
	vm7 =	vlt.s32 v35, v40;
	v46 =	vor.u32 s24, v6  }
0x194: {  	v62 =	vld [tilespmem:s9+$0x7D00];
	v17 =	vmovc v61;
	v23 =	vmovc v52;
	v2 =	vadd.s32 $0x20, v2;
	vm1 =	veq.f32 v20, v27;
	v6 =	vsel vm7, v35, v40  }
0x195: {  	[tilespmem:s22+$0xFB00] =	vst v5;
	v20 =	vmovc v24;
	v35 =	vmctz.xlane vm4;
	v40 =	vmax.f32 v17, v23;
	vm4 =	veq.s32 v3, $0x10  }
0x196: {  	v2 =	vsel vm6, $0x40, v2;
	v24 =	vld [tilespmem:s26+$0xFFFFFF90];
	v61 =	vmax.f32 v20, v39;
	v3 =	vsel vm4, $0x40, v3  }
0x197: {  	s31 =	sshra.s32 s25, $0x2;
	v25 =	vmovc v55;
	v7 =	vld [tilespmem:s26+$0xFFFFFF80];
	vm4 =	veq.s32 v36, $0x10;
	v36 =	vmax.f32 v61, v57;
	v55 =	vmax.f32 v59, v15  }
0x198: {  	v30 =	vld.idx.msk [tilespmem:v30+s15+$0x0], $0xffff;
	v56 =	vsel vm4, $0x40, v56;
	vm4 =	vlt.s32 v2, v42;
	[tilespmem:s31+$0xFB20] =	vst v36;
	v55 =	vmax.f32 v60, v55  }
0x199: {  	vm6 =	vlt.s32 v58, v56;
	v60 =	vmax.f32 v25, v62;
	v57 =	vld.idx.msk [tilespmem:v32+s15+$0x0], $0xffff;
	[tilespmem:s31+$0xFB10] =	vst v55  }
0x19a: {  	v2 =	vsel vm4, v2, v42;
	v32 =	vmctz.xlane vm0;
	v40 =	vmax.f32 v40, v60;
	v50 =	vld.idx.msk [tilespmem:v50+s15+$0x0], $0xffff;
	[tilespmem:s22+$0xFB10] =	vst v34;
	s22 =	smov.u32 s31  }
0x19b: {  	vm4 =	vlt.s32 v33, v0;
	v56 =	vsel vm6, v58, v56;
	v58 =	vmctz.xlane vm1;
	v31 =	vld.idx.msk [tilespmem:v31+s15+$0x0], $0xffff;
	[tilespmem:s22+$0xFB30] =	vst v40  }
0x19c: {  	v0 =	vsel vm4, v33, v0;
	v60 =	vmax.f32 v7, v24;
	v42 =	vadd.s32 $0x10, v32;
	v51 =	vld.idx.msk [tilespmem:v51+s15+$0x0], $0xffff  }
0x19d: {  	vm1 =	veq.s32 v32, $0x10;
	v32 =	vmax.f32 v5, v30;
	v1 =	vmax.f32 v60, v1  }
0x19e: {  	v5 =	vsel vm1, $0x40, v42;
	vm8 =	veq.f32 v22, v32;
	vm1 =	vlt.s32 v0, v49  }
0x19f: {  	[tilespmem:s22+$0xFB00] =	vst v1;
	v42 =	vmctz.xlane vm3;
	vm3 =	vlt.s32 v3, v5;
	v33 =	vmax.f32 v36, v57  }
0x1a0: {  	v22 =	vmov v7;
	v4 =	vld.idx.msk [tilespmem:v4+s15+$0x0], $0xffff;
	v3 =	vsel vm3, v3, v5;
	[tilespmem:s22+$0xFB20] =	vst v33;
	v7 =	vmax.f32 v55, v50  }
0x1a1: {  	v36 =	vmax.f32 v34, v31;
	[tilespmem:s22+$0xFB10] =	vst v7;
	v34 =	vld.idx.msk [tilespmem:v53+s15+$0x0], $0xffff;
	v5 =	vmax.f32 v40, v51  }
0x1a2: {  	vm5 =	vlt.s32 v45, v28;
	v52 =	vmctz.xlane vm2;
	v0 =	vsel vm1, v0, v49;
	v49 =	vld.idx.msk [tilespmem:v63+s15+$0x0], $0xffff;
	[tilespmem:s22+$0xFB30] =	vst v5  }
0x1a3: {  	vm7 =	veq.f32 v21, v41;
	v21 =	vmovc v62;
	v62 =	vimm.f32 $1.000000000e+00;
	vm0 =	vlt.s32 v56, v2;
	v63 =	vld.idx.msk [tilespmem:v43+s15+$0x0], $0xffff  }
0x1a4: {  	v2 =	vsel vm0, v56, v2;
	vm6 =	vlt.s32 v3, v6;
	vm4 =	veq.f32 v9, v36  }
0x1a5: {  	v61 =	vld [tilespmem:$0x1FFD0];
	vm9 =	veq.f32 v19, v32;
	v19 =	vmovc v47;
	v3 =	vsel vm6, v3, v6;
	v40 =	vmctz.xlane vm4  }
0x1a6: {  	v60 =	vld [tilespmem:$0x1FFE0];
	vm4 =	veq.f32 v37, v32;
	v37 =	vmovc v44;
	v44 =	vmax.f32 v1, v4;
	v47 =	vmax.f32 v33, v34  }
0x1a7: {  	v33 =	vmctz.xlane vm7;
	v34 =	vadd.s32 $0x20, v52;
	vm7 =	veq.s32 v52, $0x10  }
0x1a8: {  	v1 =	vsel vm7, $0x40, v34;
	v34 =	vmax.f32 v7, v49;
	v49 =	vmax.f32 v5, v63;
	v63 =	vld [tilespmem:$0x1FF90]  }
0x1a9: {  	vm2 =	veq.s32 v35, $0x10;
	vm0 =	veq.f32 v14, v27;
	vm10 =	veq.s32 v58, $0x10;
	[tilespmem:v2+s16+$0x0] =	vst.idx.add.f32.msk $0x1, v62  }
0x1aa: {  	s23 =	sadd.s32 $0x4, s23;
	v41 =	vor.u32 s24, v61;
	v29 =	vor.u32 s29, v61;
	v56 =	vmovc v59;
	v57 =	vadd.s32 $0x10, v42;
	[tilespmem:v0+s16+$0x0] =	vst.idx.add.f32.msk $0x1, v62  }
0x1ab: {  	p0 =	slt.u32 s23, $0x1F0;
	v59 =	vld [tilespmem:$0x1FFC0];
	v55 =	vmovc v13;
	v30 =	vor.u32 s24, v60;
	v13 =	vmovc v48;
	v48 =	vor.u32 s28, v60;
	v53 =	vmov v54;
	[tilespmem:s22+$0xFB00] =	vst v44  }
.Ltmp1:
0x1ac: {  	v54 =	vmovc v12;
	v12 =	vmovc v39;
	v31 =	vor.u32 s29, v60;
	v39 =	vsel vm5, v45, v28;
	vm5 =	veq.s32 v42, $0x10;
	v50 =	vld.idx.msk [tilespmem:v46+s15+$0x0], $0xffff;
	(pc) =	sbr.rel @p0 .LBB2_5-.Ltmp1, $4  }
0x1ad: {  	v42 =	vmctz.xlane vm9;
	vm1 =	veq.f32 v18, v36;
	v45 =	vsel vm5, $0x40, v57;
	[tilespmem:v3+s16+$0x0] =	vst.idx.add.f32.msk $0x1, v62  }
0x1ae: {  	v43 =	vmctz.xlane vm0;
	vm0 =	veq.f32 v16, v36;
	[tilespmem:s22+$0xFB20] =	vst v47;
	v7 =	vld [tilespmem:$0x1FF80];
	v0 =	vadd.s32 $0x30, v33  }
0x1af: {  	vm3 =	veq.s32 v40, $0x10;
	v46 =	vmctz.xlane vm8;
	v51 =	vld.idx.msk [tilespmem:v38+s15+$0x0], $0xffff;
	vm5 =	vlt.s32 v1, v0;
	[tilespmem:s22+$0xFB30] =	vst v49  }
0x1b0: {  	s25 =	sadd.s32 $0x100, s25;
	s26 =	sadd.s32 $0x100, s26;
	v6 =	vmovc v8;
	s24 =	sadd.s32 $0x40, s24;
	vm6 =	veq.s32 v43, $0x10;
	[tilespmem:s22+$0xFB10] =	vst v34;
	v33 =	vsel vm10, $0x40, v58;
	v28 =	vsel vm5, v1, v0;
	v52 =	vld.idx.msk [tilespmem:v63+s15+$0x0], $0xffff  }
0x1b1: {  	vm7 =	veq.f32 v6, v27;
	v0 =	vadd.s32 $0x10, v43  }
0x1b2: {  	v2 =	vmax.f32 v44, v50;
	v4 =	vsel vm2, $0x40, v35;
	vm14 =	veq.f32 v55, v36  }
0x1b3: {  	vm15 =	veq.f32 v54, v32;
	v8 =	vmctz.xlane vm1;
	vm8 =	veq.s32 v46, $0x10  }
0x1b4: {  	v50 =	vadd.s32 $0x20, v40;
	v63 =	vadd.s32 $0x30, v42;
	v3 =	vmctz.xlane vm7  }
0x1b5: {  	vm13 =	vlt.s32 v4, v45;
	v0 =	vsel vm6, $0x40, v0;
	v14 =	vmctz.xlane vm14  }
0x1b6: {  	v55 =	vsel vm8, $0x40, v46;
	vm5 =	veq.f32 v7, v27;
	v4 =	vsel vm13, v4, v45  }
0x1b7: {  	[tilespmem:s22+$0xFB00] =	vst v2;
	vm13 =	veq.s32 v8, $0x10;
	v1 =	vmctz.xlane vm5;
	v5 =	vmax.f32 v47, v51  }
0x1b8: {  	v43 =	vld.idx.msk [tilespmem:v41+s15+$0x0], $0xffff;
	v3 =	vadd.s32 $0x30, v3;
	v14 =	vadd.s32 $0x30, v14;
	v8 =	vsel vm13, $0x40, v8  }
0x1b9: {  	v51 =	vld.idx.msk [tilespmem:v29+s15+$0x0], $0xffff;
	[tilespmem:s22+$0xFB20] =	vst v5;
	v44 =	vmax.f32 v49, v52;
	v49 =	vmctz.xlane vm15;
	v52 =	vsel vm3, $0x40, v50  }
0x1ba: {  	vm12 =	veq.s32 v1, $0x10;
	v1 =	vadd.s32 $0x20, v1;
	v47 =	vld.idx.msk [tilespmem:v48+s15+$0x0], $0xffff;
	[tilespmem:s22+$0xFB30] =	vst v44;
	v48 =	vmctz.xlane vm4  }
0x1bb: {  	vm10 =	vlt.s32 v52, v14;
	v1 =	vsel vm12, $0x40, v1;
	v26 =	vld.idx.msk [tilespmem:v26+s15+$0x0], $0xffff;
	v54 =	vadd.s32 $0x10, v49  }
0x1bc: {  	v14 =	vsel vm10, v52, v14;
	vm14 =	veq.s32 v49, $0x10;
	vm2 =	vlt.s32 v1, v3  }
0x1bd: {  	vm12 =	veq.s32 v48, $0x10;
	v1 =	vsel vm2, v1, v3;
	v3 =	vadd.s32 $0x20, v48  }
0x1be: {  	v2 =	vmax.f32 v2, v43;
	vm2 =	vlt.s32 v4, v28;
	v3 =	vsel vm12, $0x40, v3  }
0x1bf: {  	v4 =	vsel vm2, v4, v28;
	v5 =	vmax.f32 v5, v47;
	vm15 =	vlt.s32 v3, v63  }
0x1c0: {  	vm5 =	veq.f32 v20, v5;
	v7 =	vmax.f32 v44, v26;
	v20 =	vmax.f32 v34, v51  }
0x1c1: {  	[tilespmem:s22+$0xFB00] =	vst v2;
	v3 =	vsel vm15, v3, v63;
	vm15 =	veq.f32 v12, v5;
	vm9 =	veq.f32 v17, v7  }
0x1c2: {  	v58 =	vld.idx.msk [tilespmem:v30+s15+$0x0], $0xffff;
	vm4 =	veq.f32 v23, v7;
	vm11 =	veq.f32 v25, v7;
	v17 =	vsel vm14, $0x40, v54  }
0x1c3: {  	vm6 =	veq.f32 v21, v7;
	v32 =	vmctz.xlane vm5;
	v12 =	vmctz.xlane vm15  }
0x1c4: {  	[tilespmem:s22+$0xFB10] =	vst v20;
	vm15 =	veq.f32 v10, v5;
	v57 =	vmctz.xlane vm9;
	v25 =	vmctz.xlane vm11  }
0x1c5: {  	v9 =	vld.idx.msk [tilespmem:v31+s15+$0x0], $0xffff;
	vm9 =	vlt.s32 v55, v17;
	v31 =	vmctz.xlane vm0;
	vm11 =	vlt.s32 v33, v0  }
0x1c6: {  	v38 =	vmctz.xlane vm4;
	v16 =	vmctz.xlane vm15;
	v17 =	vsel vm9, v55, v17  }
0x1c7: {  	v2 =	vmax.f32 v2, v58;
	v0 =	vsel vm11, v33, v0;
	vm9 =	veq.s32 v32, $0x10  }
0x1c8: {  	vm1 =	veq.s32 v57, $0x10;
	v34 =	vadd.s32 $0x10, v31;
	vm10 =	vlt.s32 v17, v3  }
0x1c9: {  	vm12 =	veq.s32 v31, $0x10;
	vm3 =	vlt.s32 v0, v1;
	vm7 =	veq.f32 v22, v2  }
0x1ca: {  	vm5 =	veq.f32 v37, v2;
	v41 =	vadd.s32 $0x20, v25;
	v45 =	vsel vm9, $0x40, v32  }
0x1cb: {  	v16 =	vadd.s32 $0x30, v16;
	v35 =	vsel vm12, $0x40, v34;
	v0 =	vsel vm3, v0, v1  }
0x1cc: {  	v3 =	vsel vm10, v17, v3;
	vm10 =	veq.s32 v12, $0x10;
	vm12 =	veq.s32 v25, $0x10  }
0x1cd: {  	v1 =	vadd.s32 $0x10, v38;
	v42 =	vmctz.xlane vm7;
	v46 =	vsel vm1, $0x40, v57  }
0x1ce: {  	v12 =	vadd.s32 $0x10, v12;
	v48 =	vmctz.xlane vm5;
	vm13 =	vlt.s32 v8, v35  }
0x1cf: {  	v47 =	vsel vm10, $0x40, v12;
	v36 =	vmax.f32 v20, v9;
	v6 =	vsel vm13, v8, v35  }
0x1d0: {  	v9 =	vmctz.xlane vm6;
	vm13 =	veq.s32 v38, $0x10;
	vm15 =	veq.s32 v48, $0x10  }
0x1d1: {  	vm3 =	veq.f32 v53, v36;
	vm14 =	veq.f32 v56, v36;
	vm8 =	vlt.s32 v6, v14  }
0x1d2: {  	vm0 =	veq.f32 v13, v36;
	v13 =	vsel vm12, $0x40, v41;
	v1 =	vsel vm13, $0x40, v1  }
0x1d3: {  	vm11 =	veq.f32 v15, v36;
	vm12 =	veq.f32 v24, v2;
	vm13 =	veq.s32 v42, $0x10  }
0x1d4: {  	v40 =	vmctz.xlane vm14;
	v6 =	vsel vm8, v6, v14;
	vm8 =	veq.f32 v19, v2  }
0x1d5: {  	v9 =	vadd.s32 $0x30, v9;
	vm14 =	veq.f32 v11, v5;
	v49 =	vmctz.xlane vm11  }
0x1d6: {  	vm1 =	vlt.s32 v46, v1;
	v50 =	vmctz.xlane vm3;
	v51 =	vmctz.xlane vm12  }
0x1d7: {  	v14 =	vsel vm13, $0x40, v42;
	v2 =	vadd.s32 $0x20, v48;
	v54 =	vmctz.xlane vm0  }
0x1d8: {  	vm11 =	vlt.s32 v45, v47;
	vm6 =	vlt.s32 v13, v9;
	v43 =	vmctz.xlane vm14  }
0x1d9: {  	v44 =	vmctz.xlane vm8;
	v2 =	vsel vm15, $0x40, v2;
	v7 =	vsel vm11, v45, v47  }
0x1da: {  	v1 =	vsel vm1, v46, v1;
	vm4 =	veq.s32 v40, $0x10;
	v9 =	vsel vm6, v13, v9  }
0x1db: {  	v8 =	vadd.s32 $0x20, v40;
	v12 =	vadd.s32 $0x30, v49;
	v52 =	vadd.s32 $0x10, v51  }
0x1dc: {  	vm6 =	veq.s32 v50, $0x10;
	vm7 =	veq.s32 v51, $0x10;
	v55 =	vadd.s32 $0x10, v54  }
0x1dd: {  	vm10 =	veq.s32 v54, $0x10;
	vm2 =	veq.s32 v43, $0x10;
	v5 =	vadd.s32 $0x20, v43  }
0x1de: {  	v8 =	vsel vm4, $0x40, v8;
	v10 =	vadd.s32 $0x30, v44;
	v53 =	vsel vm7, $0x40, v52  }
0x1df: {  	[tilespmem:v39+s16+$0x0] =	vst.idx.add.f32.msk $0x1, v62;
	v15 =	vsel vm6, $0x40, v50;
	v57 =	vsel vm10, $0x40, v55;
	vm1 =	vlt.s32 v1, v9  }
0x1e0: {  	[tilespmem:v0+s16+$0x0] =	vst.idx.add.f32.msk $0x1, v62;
	v5 =	vsel vm2, $0x40, v5;
	vm14 =	vlt.s32 v8, v12;
	vm8 =	vlt.s32 v2, v10  }
0x1e1: {  	vm9 =	vlt.s32 v14, v53;
	vm13 =	vlt.s32 v15, v57;
	v1 =	vsel vm1, v1, v9  }
0x1e2: {  	vm2 =	vlt.s32 v5, v16;
	v56 =	vsel vm9, v14, v53;
	v2 =	vsel vm8, v2, v10  }
0x1e3: {  	v8 =	vsel vm14, v8, v12;
	v58 =	vsel vm13, v15, v57;
	vm14 =	vlt.s32 v56, v2  }
0x1e4: {  	v5 =	vsel vm2, v5, v16;
	vm15 =	vlt.s32 v58, v8;
	v0 =	vsel vm14, v56, v2  }
0x1e5: {  	[tilespmem:v4+s16+$0x0] =	vst.idx.add.f32.msk $0x1, v62;
	vm12 =	vlt.s32 v7, v5;
	v63 =	vsel vm15, v58, v8  }
0x1e6: {  	s21 =	sadd.s32 $0x1, s21;
	[tilespmem:v3+s16+$0x0] =	vst.idx.add.f32.msk $0x1, v62;
	v5 =	vsel vm12, v7, v5  }
0x1e7: {  	p0 =	sne.s32 s21, $0x18;
	[tilespmem:v6+s16+$0x0] =	vst.idx.add.f32.msk $0x1, v62  }
.Ltmp2:
0x1e8: {  	[tilespmem:v1+s16+$0x0] =	vst.idx.add.f32.msk $0x1, v62;
	(pc) =	sbr.rel @p0 .LBB2_2-.Ltmp2, $4  }
0x1e9: {  	[tilespmem:v0+s16+$0x0] =	vst.idx.add.f32.msk $0x1, v62  }
0x1ea: {  	[tilespmem:v63+s16+$0x0] =	vst.idx.add.f32.msk $0x1, v62  }
0x1eb: {  	[tilespmem:v5+s16+$0x0] =	vst.idx.add.f32.msk $0x1, v62  }
0x1ec: {  	v49 =	vld [tilespmem:$0x1FFF0]  }
0x1ed: {  	s0 =	simm.s32 $0x80;
	s1 =	rddreg [dreg:$0x4]  }
0x1ee: {  	[tilespmem:s14], [sflag:$0x2] =	stream.strided.gather [hbm4b:s1+s0], $0x7D00, s13, s0, $0x38;
	[tilespmem:$0x11A80] =	vst v63  }
0x1ef: {  	_ =	swait.ge [sflag:s6], $0x7D00  }
0x1f0: {  	[sflag:s6] =	ssyncset.done $0x0  }
0x1f1: {  	[sflag:s6] =	ssyncadd.s32 $0xFFFF8300  }
0x1f2: {  	v13 =	vld [tilespmem:s0+$0x30]  }
0x1f3: {  	v14 =	vld [tilespmem:s0+$0x20]  }
0x1f4: {  	v12 =	vld [tilespmem:s0+$0x10]  }
0x1f5: {  	v11 =	vld [tilespmem:s0+$0xFFFFFFA0]  }
0x1f6: {  	v10 =	vld [tilespmem:s0+$0xFFFFFFB0]  }
0x1f7: {  	v35 =	vld [tilespmem:s0+$0x40]  }
0x1f8: {  	s25 =	simm.s32 $0xC0;
	v37 =	vld [tilespmem:s0+$0x0]  }
0x1f9: {  	s2 =	sor.u32 $0x50, s25;
	v20 =	vld [tilespmem:s0+$0xFFFFFFC0]  }
0x1fa: {  	s7 =	sor.u32 $0x60, s25;
	v25 =	vld [tilespmem:s2+$0x0]  }
0x1fb: {  	s21 =	simm.s32 $0x40;
	s1 =	sor.u32 $0x70, s25;
	v27 =	vld [tilespmem:s7+$0x0]  }
0x1fc: {  	s26 =	sor.u32 $0x50, s21;
	v23 =	vld [tilespmem:s1+$0x0]  }
0x1fd: {  	s29 =	sor.u32 $0x70, s21;
	v17 =	vld [tilespmem:s26+$0x0]  }
0x1fe: {  	s30 =	sor.u32 $0x60, s21;
	v16 =	vld [tilespmem:s29+$0x0]  }
0x1ff: {  	v21 =	vld [tilespmem:s30+$0x0]  }
0x200: {  	s18 =	simm.s32 $0x140;
	v15 =	vld [tilespmem:s0+$0xFFFFFF90]  }
0x201: {  	s28 =	simm.s32 $0x20;
	s9 =	sor.u32 $0x50, s18;
	v36 =	vld [tilespmem:s0+$0xFFFFFF80]  }
0x202: {  	s22 =	simm.s32 $0x30;
	v0 =	vor.u32 s28, v59;
	s0 =	simm.s32 $0x180;
	v31 =	vld [tilespmem:s9+$0x0]  }
0x203: {  	v1 =	vor.u32 s22, v59;
	v28 =	vld [tilespmem:s0+$0x10]  }
0x204: {  	v29 =	vld [tilespmem:s0+$0xFFFFFFA0];
	v2 =	vmax.f32 v14, v13;
	v3 =	vmax.f32 v37, v12  }
0x205: {  	s23 =	simm.s32 $0x0;
	s25 =	simm.s32 $0x10;
	v30 =	vld [tilespmem:s0+$0xFFFFFFB0];
	v4 =	vmax.f32 v35, v25;
	v5 =	vmax.f32 v27, v23;
	v2 =	vmax.f32 v3, v2  }
0x206: {  	s31 =	simm.s32 $0x0;
	v26 =	vld [tilespmem:s0+$0xFFFFFFC0];
	v55 =	vmax.f32 v4, v5;
	v4 =	vor.u32 s25, v59;
	[tilespmem:s23+$0xFB20] =	vst v2  }
0x207: {  	v6 =	vor.u32 s31, v59;
	[tilespmem:s23+$0xFB30] =	vst v55;
	v0 =	vld.idx.msk [tilespmem:v0+s15+$0x0], $0xffff  }
0x208: {  	v7 =	vor.u32 s28, v49;
	s2 =	sor.u32 $0x60, s18;
	v8 =	vmax.f32 v20, v17;
	v9 =	vmax.f32 v21, v16;
	v1 =	vld.idx.msk [tilespmem:v1+s15+$0x0], $0xffff  }
0x209: {  	v33 =	vld [tilespmem:s2+$0x0];
	v18 =	vmax.f32 v11, v10;
	v8 =	vmax.f32 v8, v9;
	v9 =	vmax.f32 v36, v15  }
0x20a: {  	v54 =	vld [tilespmem:s0+$0xFFFFFF90];
	v5 =	vor.u32 s22, v49;
	[tilespmem:s23+$0xFB10] =	vst v8;
	v9 =	vmax.f32 v9, v18  }
0x20b: {  	s26 =	simm.s32 $0x1C0;
	[tilespmem:s23+$0xFB00] =	vst v9;
	v4 =	vld.idx.msk [tilespmem:v4+s15+$0x0], $0xffff  }
0x20c: {  	s10 =	sor.u32 $0x50, s26;
	v56 =	vld.idx.msk [tilespmem:v6+s15+$0x0], $0xffff;
	v0 =	vmax.f32 v2, v0  }
0x20d: {  	v57 =	vor.u32 s25, v49;
	v24 =	vld [tilespmem:s10+$0x0];
	v1 =	vmax.f32 v55, v1;
	[tilespmem:s23+$0xFB20] =	vst v0  }
0x20e: {  	[tilespmem:s23+$0xFB30] =	vst v1;
	v6 =	vld.idx.msk [tilespmem:v7+s15+$0x0], $0xffff;
	v7 =	vor.u32 s31, v49  }
0x20f: {  	s7 =	sor.u32 $0x70, s26;
	v5 =	vld.idx.msk [tilespmem:v5+s15+$0x0], $0xffff  }
0x210: {  	s29 =	sor.u32 $0x70, s18;
	v22 =	vld [tilespmem:s7+$0x0];
	v18 =	vor.u32 s28, v61;
	v4 =	vmax.f32 v8, v4  }
0x211: {  	v19 =	vor.u32 s22, v61;
	v55 =	vld [tilespmem:s29+$0x0];
	v2 =	vmax.f32 v9, v56;
	[tilespmem:s23+$0xFB10] =	vst v4  }
0x212: {  	[tilespmem:s23+$0xFB00] =	vst v2;
	v3 =	vld.idx.msk [tilespmem:v57+s15+$0x0], $0xffff  }
0x213: {  	v0 =	vmax.f32 v0, v6;
	v8 =	vld.idx.msk [tilespmem:v7+s15+$0x0], $0xffff  }
0x214: {  	v1 =	vmax.f32 v1, v5;
	v6 =	vld [tilespmem:s0+$0x30];
	[tilespmem:s23+$0xFB20] =	vst v0  }
0x215: {  	v9 =	vor.u32 s31, v61;
	[tilespmem:s23+$0xFB30] =	vst v1;
	v5 =	vld.idx.msk [tilespmem:v18+s15+$0x0], $0xffff  }
0x216: {  	v34 =	vld.idx.msk [tilespmem:v19+s15+$0x0], $0xffff  }
0x217: {  	v7 =	vld [tilespmem:s0+$0x20];
	v18 =	vor.u32 s28, v60  }
0x218: {  	v19 =	vld [tilespmem:s0+$0x0];
	s28 =	sor.u32 $0x60, s26;
	v2 =	vmax.f32 v2, v8  }
0x219: {  	v39 =	vor.u32 s22, v60;
	v32 =	vld [tilespmem:s28+$0x0];
	[tilespmem:s23+$0xFB00] =	vst v2  }
0x21a: {  	s24 =	simm.s32 $0x60;
	v8 =	vor.u32 s25, v61;
	v0 =	vmax.f32 v0, v5;
	v5 =	vld.idx.msk [tilespmem:v9+s15+$0x0], $0xffff  }
0x21b: {  	s30 =	simm.s32 $0x70;
	v3 =	vmax.f32 v4, v3;
	v4 =	vor.u32 s24, v59;
	v1 =	vmax.f32 v1, v34;
	v34 =	vld [tilespmem:s0+$0xFFFFFF80];
	[tilespmem:s23+$0xFB20] =	vst v0  }
0x21c: {  	v40 =	vor.u32 s31, v60;
	v63 =	vor.u32 s24, v49;
	v41 =	vor.u32 s30, v59;
	v38 =	vld.idx.msk [tilespmem:v18+s15+$0x0], $0xffff  }
0x21d: {  	v48 =	vmax.f32 v29, v30;
	v43 =	vmax.f32 v7, v6;
	v44 =	vmax.f32 v19, v28;
	[tilespmem:s23+$0xFB30] =	vst v1;
	v18 =	vld [tilespmem:s0+$0x40]  }
0x21e: {  	v51 =	vor.u32 s30, v49;
	s31 =	simm.s32 $0x40;
	v58 =	vmax.f32 v33, v55;
	s26 =	simm.s32 $0x50;
	[tilespmem:s23+$0xFB10] =	vst v3;
	v43 =	vmax.f32 v44, v43;
	v39 =	vld.idx.msk [tilespmem:v39+s15+$0x0], $0xffff  }
0x21f: {  	v57 =	vor.u32 s24, v61;
	v47 =	vor.u32 s26, v59;
	v46 =	vmax.f32 v32, v22;
	[tilespmem:s31+$0xFB20] =	vst v43;
	v42 =	vld.idx.msk [tilespmem:v8+s15+$0x0], $0xffff  }
0x220: {  	v4 =	vld.idx.msk [tilespmem:v4+s15+$0x0], $0xffff;
	v2 =	vmax.f32 v2, v5;
	v5 =	vmax.f32 v26, v31;
	v52 =	vmax.f32 v34, v54  }
0x221: {  	v44 =	vor.u32 s25, v60;
	v5 =	vmax.f32 v5, v58;
	v53 =	vmax.f32 v52, v48  }
0x222: {  	[tilespmem:s23+$0xFB00] =	vst v2;
	v58 =	vor.u32 s30, v61;
	v45 =	vmax.f32 v18, v24;
	v0 =	vmax.f32 v0, v38  }
0x223: {  	v48 =	vor.u32 s26, v49;
	[tilespmem:s31+$0xFB10] =	vst v5;
	v40 =	vld.idx.msk [tilespmem:v40+s15+$0x0], $0xffff;
	v1 =	vmax.f32 v1, v39;
	v45 =	vmax.f32 v45, v46  }
0x224: {  	v46 =	vor.u32 s21, v59;
	vm0 =	veq.f32 v37, v0;
	v3 =	vmax.f32 v3, v42;
	v56 =	vld.idx.msk [tilespmem:v47+s15+$0x0], $0xffff  }
0x225: {  	vm1 =	veq.f32 v35, v1;
	v4 =	vmax.f32 v43, v4;
	vm2 =	veq.f32 v25, v1;
	[tilespmem:s31+$0xFB30] =	vst v45  }
0x226: {  	vm3 =	veq.f32 v27, v1;
	vm7 =	veq.f32 v23, v1;
	[tilespmem:s23+$0xFB10] =	vst v3;
	v25 =	vmctz.xlane vm1;
	v38 =	vld.idx.msk [tilespmem:v41+s15+$0x0], $0xffff  }
0x227: {  	v43 =	vor.u32 s26, v60;
	[tilespmem:s31+$0xFB20] =	vst v4;
	v50 =	vmctz.xlane vm3;
	v52 =	vmctz.xlane vm0;
	v44 =	vld.idx.msk [tilespmem:v44+s15+$0x0], $0xffff  }
0x228: {  	v27 =	vld.idx.msk [tilespmem:v63+s15+$0x0], $0xffff;
	v63 =	vor.u32 s21, v49;
	v41 =	vor.u32 s21, v60;
	vm3 =	veq.s32 v25, $0x10  }
0x229: {  	vm9 =	veq.s32 v52, $0x10;
	v2 =	vmax.f32 v2, v40;
	v25 =	vsel vm3, $0x40, v25  }
0x22a: {  	[tilespmem:s31+$0xFB00] =	vst v53;
	vm6 =	veq.f32 v36, v2;
	v36 =	vor.u32 s26, v61;
	v5 =	vmax.f32 v5, v56  }
0x22b: {  	v46 =	vld.idx.msk [tilespmem:v46+s15+$0x0], $0xffff;
	vm5 =	veq.f32 v11, v2;
	vm8 =	veq.f32 v10, v2;
	v56 =	vor.u32 s24, v60  }
0x22c: {  	[tilespmem:s31+$0xFB10] =	vst v5;
	v38 =	vmax.f32 v45, v38;
	v45 =	vor.u32 s30, v60;
	v3 =	vmax.f32 v3, v44  }
0x22d: {  	v4 =	vmax.f32 v4, v27;
	v27 =	vmctz.xlane vm2;
	v1 =	vld.idx.msk [tilespmem:v48+s15+$0x0], $0xffff;
	v48 =	vmctz.xlane vm6  }
0x22e: {  	v44 =	vsel vm9, $0x40, v52;
	[tilespmem:s31+$0xFB30] =	vst v38;
	vm1 =	veq.f32 v21, v3;
	vm0 =	veq.f32 v20, v3  }
0x22f: {  	[tilespmem:s31+$0xFB20] =	vst v4;
	v23 =	vld.idx.msk [tilespmem:v51+s15+$0x0], $0xffff;
	v51 =	vor.u32 s21, v61;
	v21 =	vmctz.xlane vm1;
	vm1 =	veq.f32 v12, v0  }
0x230: {  	v35 =	vld.idx.msk [tilespmem:v57+s15+$0x0], $0xffff;
	v57 =	vadd.s32 $0x20, v50;
	vm10 =	veq.s32 v27, $0x10;
	v39 =	vmax.f32 v53, v46  }
0x231: {  	v42 =	vmctz.xlane vm1;
	vm1 =	veq.f32 v17, v3;
	v17 =	vmctz.xlane vm7;
	[tilespmem:s31+$0xFB00] =	vst v39  }
0x232: {  	vm7 =	veq.s32 v50, $0x10;
	v46 =	vmctz.xlane vm8;
	vm8 =	veq.f32 v13, v0;
	v20 =	vld.idx.msk [tilespmem:v63+s15+$0x0], $0xffff  }
0x233: {  	vm4 =	veq.s32 v21, $0x10;
	v13 =	vmctz.xlane vm8;
	v1 =	vmax.f32 v5, v1  }
0x234: {  	vm8 =	veq.s32 v48, $0x10;
	vm2 =	veq.s32 v42, $0x10;
	v5 =	vadd.s32 $0x10, v27;
	[tilespmem:s31+$0xFB10] =	vst v1  }
0x235: {  	s9 =	simm.s32 $0x280;
	v46 =	vadd.s32 $0x30, v46;
	v42 =	vadd.s32 $0x10, v42;
	v23 =	vmax.f32 v38, v23;
	v36 =	vld.idx.msk [tilespmem:v36+s15+$0x0], $0xffff  }
0x236: {  	v10 =	vld [tilespmem:s9+$0x30];
	v5 =	vsel vm10, $0x40, v5;
	v42 =	vsel vm2, $0x40, v42;
	v4 =	vmax.f32 v4, v35;
	[tilespmem:s31+$0xFB30] =	vst v23  }
0x237: {  	v53 =	vld.idx.msk [tilespmem:v58+s15+$0x0], $0xffff;
	v58 =	vadd.s32 $0x30, v17;
	v39 =	vmax.f32 v39, v20;
	v20 =	vsel vm7, $0x40, v57  }
0x238: {  	v11 =	vld [tilespmem:s9+$0x20];
	vm2 =	vlt.s32 v44, v42;
	[tilespmem:s31+$0xFB20] =	vst v4;
	vm7 =	veq.f32 v14, v0;
	vm6 =	vlt.s32 v20, v58  }
0x239: {  	v27 =	vld.idx.msk [tilespmem:v56+s15+$0x0], $0xffff;
	v57 =	vsel vm8, $0x40, v48;
	[tilespmem:s31+$0xFB00] =	vst v39;
	v50 =	vmctz.xlane vm7;
	v8 =	vsel vm6, v20, v58  }
0x23a: {  	v40 =	vld.idx.msk [tilespmem:v51+s15+$0x0], $0xffff;
	v51 =	vadd.s32 $0x30, v13;
	vm6 =	vlt.s32 v25, v5;
	v1 =	vmax.f32 v1, v36  }
0x23b: {  	s10 =	simm.s32 $0x240;
	s29 =	simm.s32 $0xA0;
	v12 =	vld [tilespmem:s9+$0x10];
	vm3 =	veq.s32 v50, $0x10;
	v0 =	vadd.s32 $0x20, v50;
	v38 =	vsel vm6, v25, v5  }
0x23c: {  	s0 =	sor.u32 $0x60, s10;
	v17 =	vld [tilespmem:s9+$0x40];
	vm6 =	veq.f32 v15, v2;
	v2 =	vmctz.xlane vm5;
	v50 =	vor.u32 s29, v59  }
0x23d: {  	s25 =	simm.s32 $0x90;
	v56 =	vld [tilespmem:s0+$0x0];
	v63 =	vmax.f32 v23, v53;
	v0 =	vsel vm3, $0x40, v0;
	vm3 =	veq.f32 v16, v3  }
0x23e: {  	s18 =	simm.s32 $0x2C0;
	s23 =	sor.u32 $0x50, s10;
	v20 =	vld [tilespmem:s9+$0x0];
	v3 =	vor.u32 s25, v59;
	v52 =	vmctz.xlane vm6;
	v27 =	vmax.f32 v4, v27  }
0x23f: {  	s26 =	sor.u32 $0x60, s18;
	v13 =	vld [tilespmem:s23+$0x0];
	v4 =	vadd.s32 $0x20, v21;
	vm12 =	vlt.s32 v38, v8;
	vm7 =	vlt.s32 v0, v51  }
0x240: {  	s24 =	sor.u32 $0x50, s18;
	v25 =	vld [tilespmem:s26+$0x0];
	v5 =	vmctz.xlane vm3;
	vm3 =	veq.f32 v19, v27;
	v4 =	vsel vm4, $0x40, v4  }
0x241: {  	v23 =	vld [tilespmem:s24+$0x0];
	[tilespmem:s31+$0xFB30] =	vst v63;
	vm8 =	veq.s32 v2, $0x10;
	v2 =	vadd.s32 $0x20, v2;
	vm13 =	veq.f32 v28, v27  }
0x242: {  	s28 =	sor.u32 $0x70, s10;
	v45 =	vld.idx.msk [tilespmem:v45+s15+$0x0], $0xffff;
	v0 =	vsel vm7, v0, v51;
	vm15 =	veq.s32 v52, $0x10;
	v51 =	vadd.s32 $0x10, v52  }
0x243: {  	v15 =	vld [tilespmem:s28+$0x0];
	v2 =	vsel vm8, $0x40, v2;
	v35 =	vmax.f32 v39, v40;
	v5 =	vadd.s32 $0x30, v5  }
0x244: {  	s1 =	sor.u32 $0x70, s18;
	s30 =	simm.s32 $0xB0;
	v53 =	vld [tilespmem:s9+$0xFFFFFFC0];
	v47 =	vmax.f32 v20, v12;
	v36 =	vsel vm15, $0x40, v51;
	vm8 =	vlt.s32 v2, v46  }
0x245: {  	[tilespmem:s31+$0xFB10] =	vst v1;
	v21 =	vld [tilespmem:s1+$0x0];
	v51 =	vsel vm2, v44, v42;
	v42 =	vor.u32 s30, v61;
	vm5 =	vlt.s32 v4, v5  }
0x246: {  	v43 =	vld.idx.msk [tilespmem:v43+s15+$0x0], $0xffff;
	vm9 =	vlt.s32 v57, v36;
	v2 =	vsel vm8, v2, v46;
	v46 =	vor.u32 s29, v61  }
0x247: {  	v37 =	vld [tilespmem:s9+$0xFFFFFFA0];
	[tilespmem:s31+$0xFB00] =	vst v35;
	v4 =	vsel vm5, v4, v5;
	v5 =	vmax.f32 v17, v23;
	v58 =	vmax.f32 v63, v45  }
0x248: {  	v52 =	vld.idx.msk [tilespmem:v41+s15+$0x0], $0xffff;
	v41 =	vsel vm9, v57, v36;
	v63 =	vmax.f32 v11, v10;
	vm6 =	veq.f32 v24, v58  }
0x249: {  	v19 =	vld [tilespmem:s9+$0xFFFFFFB0];
	v24 =	vmax.f32 v53, v13;
	vm5 =	veq.f32 v22, v58;
	v22 =	vmax.f32 v56, v15  }
0x24a: {  	s21 =	simm.s32 $0x80;
	s31 =	simm.s32 $0x80;
	v45 =	vmax.f32 v47, v63;
	v40 =	vmax.f32 v24, v22;
	v24 =	vld [tilespmem:s9+$0xFFFFFF90];
	v22 =	vmax.f32 v25, v21  }
0x24b: {  	v57 =	vor.u32 s31, v59;
	v36 =	vmax.f32 v1, v43;
	[tilespmem:s21+$0xFB20] =	vst v45;
	v5 =	vmax.f32 v5, v22;
	v22 =	vld [tilespmem:s9+$0xFFFFFF80]  }
0x24c: {  	v43 =	vmctz.xlane vm13;
	vm7 =	veq.f32 v18, v58;
	vm4 =	veq.f32 v32, v58;
	v58 =	vld.idx.msk [tilespmem:v50+s15+$0x0], $0xffff  }
0x24d: {  	v47 =	vor.u32 s30, v49;
	[tilespmem:s21+$0xFB10] =	vst v40;
	v32 =	vmax.f32 v35, v52;
	v52 =	vmctz.xlane vm0  }
0x24e: {  	v63 =	vmax.f32 v37, v19;
	v50 =	vor.u32 s30, v59;
	vm0 =	vlt.s32 v51, v0;
	v3 =	vld.idx.msk [tilespmem:v3+s15+$0x0], $0xffff  }
0x24f: {  	v35 =	vmctz.xlane vm7;
	v0 =	vsel vm0, v51, v0;
	vm0 =	veq.s32 v52, $0x10  }
0x250: {  	vm8 =	veq.f32 v34, v32;
	v51 =	vsel vm0, $0x40, v52;
	vm0 =	veq.f32 v33, v36  }
0x251: {  	v52 =	vor.u32 s25, v49;
	v48 =	vmax.f32 v22, v24;
	v45 =	vmax.f32 v45, v58  }
0x252: {  	[tilespmem:s21+$0xFB30] =	vst v5;
	v58 =	vmctz.xlane vm1;
	vm1 =	veq.f32 v26, v36;
	v26 =	vor.u32 s30, v60  }
0x253: {  	v50 =	vld.idx.msk [tilespmem:v50+s15+$0x0], $0xffff;
	v39 =	vmax.f32 v48, v63;
	v3 =	vmax.f32 v40, v3;
	v63 =	vor.u32 s29, v49  }
0x254: {  	v40 =	vmctz.xlane vm0;
	vm2 =	veq.s32 v58, $0x10;
	v1 =	vadd.s32 $0x10, v58  }
0x255: {  	vm0 =	veq.f32 v31, v36;
	v31 =	vor.u32 s25, v60;
	v1 =	vsel vm2, $0x40, v1  }
0x256: {  	v48 =	vor.u32 s29, v60;
	[tilespmem:s21+$0xFB00] =	vst v39;
	v58 =	vmctz.xlane vm4;
	vm2 =	vlt.s32 v51, v1  }
0x257: {  	vm4 =	veq.f32 v29, v32;
	v29 =	vor.u32 s25, v61;
	v57 =	vld.idx.msk [tilespmem:v57+s15+$0x0], $0xffff;
	v1 =	vsel vm2, v51, v1  }
0x258: {  	[tilespmem:s21+$0xFB20] =	vst v45;
	v5 =	vmax.f32 v5, v50;
	v50 =	vor.u32 s31, v49;
	vm2 =	vlt.s32 v41, v2  }
0x259: {  	[tilespmem:s21+$0xFB10] =	vst v3;
	v34 =	vld.idx.msk [tilespmem:v63+s15+$0x0], $0xffff;
	v2 =	vsel vm2, v41, v2;
	vm2 =	veq.s32 v35, $0x10;
	v41 =	vor.u32 s31, v61  }
0x25a: {  	v28 =	vld.idx.msk [tilespmem:v52+s15+$0x0], $0xffff;
	vm7 =	vlt.s32 v1, v4;
	v63 =	vmctz.xlane vm6;
	[tilespmem:s21+$0xFB30] =	vst v5;
	vm6 =	veq.s32 v43, $0x10  }
0x25b: {  	v1 =	vsel vm7, v1, v4;
	v4 =	vmctz.xlane vm3;
	vm7 =	veq.f32 v30, v32;
	v52 =	vld.idx.msk [tilespmem:v47+s15+$0x0], $0xffff  }
0x25c: {  	[tilespmem:v0+s16+$0x0] =	vst.idx.add.f32.msk $0x1, v62;
	v30 =	vor.u32 s31, v60;
	vm3 =	veq.s32 v40, $0x10;
	v44 =	vmax.f32 v39, v57  }
0x25d: {  	v39 =	vsel vm12, v38, v8;
	v57 =	vmctz.xlane vm5;
	vm5 =	veq.s32 v58, $0x10;
	[tilespmem:s21+$0xFB00] =	vst v44  }
0x25e: {  	v58 =	vadd.s32 $0x20, v58;
	vm15 =	veq.s32 v63, $0x10;
	v47 =	vmax.f32 v45, v34;
	[tilespmem:v2+s16+$0x0] =	vst.idx.add.f32.msk $0x1, v62  }
0x25f: {  	v63 =	vadd.s32 $0x10, v63;
	vm14 =	veq.s32 v4, $0x10;
	v50 =	vld.idx.msk [tilespmem:v50+s15+$0x0], $0xffff;
	v0 =	vadd.s32 $0x30, v57;
	[tilespmem:s21+$0xFB20] =	vst v47  }
0x260: {  	v33 =	vsel vm14, $0x40, v4;
	v2 =	vsel vm5, $0x40, v58;
	v49 =	vmax.f32 v5, v52;
	[tilespmem:v1+s16+$0x0] =	vst.idx.add.f32.msk $0x1, v62  }
0x261: {  	s22 =	simm.s32 $0x8;
	v34 =	vmax.f32 v3, v28;
	v45 =	vsel vm15, $0x40, v63;
	vm5 =	vlt.s32 v2, v0;
	v51 =	vld.idx.msk [tilespmem:v46+s15+$0x0], $0xffff;
	[tilespmem:s21+$0xFB30] =	vst v49  }
0x262: {  	s23 =	simm.s32 $0xC0;
	s24 =	simm.s32 $0x300;
	s25 =	simm.s32 $0x380;
	[tilespmem:s21+$0xFB10] =	vst v34;
	v46 =	vmctz.xlane vm8;
	v28 =	vsel vm5, v2, v0;
	v52 =	vld.idx.msk [tilespmem:v42+s15+$0x0], $0xffff;
	v42 =	vmctz.xlane vm7  }
.LBB2_8:
0x263: {  	v8 =	vmov v10;
	v10 =	vld [tilespmem:s25+$0x30]  }
0x264: {  	vm7 =	veq.f32 v6, v27;
	v6 =	vld [tilespmem:$0x1FFF0]  }
0x265: {  	s10 =	sadd.s32 $0x30, s23;
	v0 =	vadd.s32 $0x10, v43;
	s26 =	sadd.s32 $0x20, s23;
	[tilespmem:v39+s16+$0x0] =	vst.idx.add.f32.msk $0x1, v62;
	v62 =	vsel vm2, $0x40, v35  }
0x266: {  	v1 =	vmovc v11;
	v11 =	vld [tilespmem:s25+$0x20];
	v2 =	vmctz.xlane vm7;
	v38 =	vor.u32 s26, v61;
	v3 =	vor.u32 s10, v61  }
0x267: {  	v29 =	vld.idx.msk [tilespmem:v29+s15+$0x0], $0xffff;
	v4 =	vor.u32 s10, v60;
	v0 =	vsel vm6, $0x40, v0;
	vm6 =	veq.f32 v54, v32  }
0x268: {  	v39 =	vld [tilespmem:s25+$0x10];
	v42 =	vadd.s32 $0x30, v42;
	[tilespmem:$0x1FF70] =	vst v3;
	v3 =	vmctz.xlane vm1;
	v2 =	vadd.s32 $0x30, v2  }
0x269: {  	s28 =	sadd.s32 $0x10, s23;
	v54 =	vld [tilespmem:s25+$0xFFFFFFC0];
	vm5 =	veq.f32 v7, v27;
	v5 =	vmax.f32 v44, v50;
	v27 =	vmax.f32 v47, v51  }
0x26a: {  	v44 =	vld [tilespmem:s25+$0xFFFFFFA0];
	v50 =	vor.u32 s28, v59;
	v57 =	vmax.f32 v49, v52;
	v51 =	vor.u32 s10, v59;
	[tilespmem:s21+$0xFB00] =	vst v5  }
0x26b: {  	v32 =	vor.u32 s26, v59;
	v43 =	vor.u32 s10, v6;
	v58 =	vmctz.xlane vm5;
	[tilespmem:s21+$0xFB30] =	vst v57;
	v63 =	vld.idx.msk [tilespmem:v41+s15+$0x0], $0xffff  }
0x26c: {  	v18 =	vmovc v53;
	vm5 =	vlt.s32 v62, v45;
	v53 =	vor.u32 s26, v6;
	v34 =	vmax.f32 v34, v29;
	v60 =	vld.idx.msk [tilespmem:v26+s15+$0x0], $0xffff  }
0x26d: {  	[tilespmem:$0x1FF60] =	vst v1;
	v45 =	vsel vm5, v62, v45;
	v47 =	vld [tilespmem:s25+$0xFFFFFFB0];
	v26 =	vmovc v4;
	v4 =	vor.u32 s23, v59;
	v62 =	vadd.s32 $0x20, v40  }
0x26e: {  	[tilespmem:s21+$0xFB20] =	vst v27;
	v61 =	vld [tilespmem:s25+$0x40];
	vm2 =	veq.s32 v58, $0x10;
	v1 =	vadd.s32 $0x20, v58;
	v35 =	vsel vm3, $0x40, v62  }
0x26f: {  	s0 =	sadd.s32 $0x40, s24;
	v16 =	vmovc v13;
	v13 =	vmovc v15;
	v58 =	vld.idx.msk [tilespmem:v48+s15+$0x0], $0xffff;
	v1 =	vsel vm2, $0x40, v1;
	vm2 =	veq.f32 v55, v36;
	v36 =	vmctz.xlane vm6  }
0x270: {  	s9 =	sadd.s32 $0xC0, s24;
	v14 =	vmovc v12;
	v12 =	vmovc v24;
	s7 =	sor.u32 $0x50, s0;
	v24 =	vld [tilespmem:s25+$0x0];
	vm7 =	vlt.s32 v1, v2;
	v15 =	vmctz.xlane vm2;
	vm2 =	veq.s32 v46, $0x10  }
0x271: {  	v9 =	vmovc v56;
	s18 =	sor.u32 $0x50, s9;
	v48 =	vld [tilespmem:s7+$0x0];
	v49 =	vsel vm7, v1, v2;
	v2 =	vmctz.xlane vm4;
	v56 =	vadd.s32 $0x10, v36  }
0x272: {  	s29 =	sor.u32 $0x60, s0;
	v52 =	vld [tilespmem:s18+$0x0];
	v5 =	vmax.f32 v5, v63;
	v40 =	vadd.s32 $0x30, v15;
	v41 =	vmax.f32 v57, v60  }
0x273: {  	s2 =	sor.u32 $0x60, s9;
	v59 =	vld [tilespmem:s29+$0x0];
	v1 =	vmax.f32 v44, v47;
	v57 =	vmax.f32 v11, v10;
	v63 =	vor.u32 s28, v6  }
0x274: {  	s1 =	sor.u32 $0x70, s0;
	v55 =	vld [tilespmem:s2+$0x0];
	v27 =	vmax.f32 v27, v58;
	vm4 =	veq.f32 v17, v41;
	v58 =	vsel vm2, $0x40, v46  }
0x275: {  	v15 =	vld [tilespmem:s1+$0x0];
	vm3 =	veq.f32 v23, v41;
	vm2 =	veq.f32 v25, v41;
	vm6 =	veq.s32 v2, $0x10  }
0x276: {  	s30 =	sor.u32 $0x70, s9;
	v60 =	vmax.f32 v54, v48;
	vm7 =	vlt.s32 v35, v40;
	v46 =	vor.u32 s23, v6  }
0x277: {  	v62 =	vld [tilespmem:s30+$0x0];
	v17 =	vmovc v61;
	v23 =	vmovc v52;
	v2 =	vadd.s32 $0x20, v2;
	vm1 =	veq.f32 v20, v27;
	v6 =	vsel vm7, v35, v40  }
0x278: {  	[tilespmem:s21+$0xFB00] =	vst v5;
	v20 =	vmovc v24;
	v35 =	vmctz.xlane vm4;
	v40 =	vmax.f32 v17, v23;
	vm4 =	veq.s32 v3, $0x10  }
0x279: {  	v2 =	vsel vm6, $0x40, v2;
	v24 =	vld [tilespmem:s25+$0xFFFFFF90];
	v61 =	vmax.f32 v20, v39;
	v3 =	vsel vm4, $0x40, v3  }
0x27a: {  	s31 =	sshra.s32 s24, $0x2;
	v25 =	vmovc v55;
	v7 =	vld [tilespmem:s25+$0xFFFFFF80];
	vm4 =	veq.s32 v36, $0x10;
	v36 =	vmax.f32 v61, v57;
	v55 =	vmax.f32 v59, v15  }
0x27b: {  	v30 =	vld.idx.msk [tilespmem:v30+s15+$0x0], $0xffff;
	v56 =	vsel vm4, $0x40, v56;
	vm4 =	vlt.s32 v2, v42;
	[tilespmem:s31+$0xFB20] =	vst v36;
	v55 =	vmax.f32 v60, v55  }
0x27c: {  	vm6 =	vlt.s32 v58, v56;
	v60 =	vmax.f32 v25, v62;
	v57 =	vld.idx.msk [tilespmem:v32+s15+$0x0], $0xffff;
	[tilespmem:s31+$0xFB10] =	vst v55  }
0x27d: {  	v2 =	vsel vm4, v2, v42;
	v32 =	vmctz.xlane vm0;
	v40 =	vmax.f32 v40, v60;
	v50 =	vld.idx.msk [tilespmem:v50+s15+$0x0], $0xffff;
	[tilespmem:s21+$0xFB10] =	vst v34;
	s21 =	smov.u32 s31  }
0x27e: {  	vm4 =	vlt.s32 v33, v0;
	v56 =	vsel vm6, v58, v56;
	v58 =	vmctz.xlane vm1;
	v31 =	vld.idx.msk [tilespmem:v31+s15+$0x0], $0xffff;
	[tilespmem:s21+$0xFB30] =	vst v40  }
0x27f: {  	v0 =	vsel vm4, v33, v0;
	v60 =	vmax.f32 v7, v24;
	v42 =	vadd.s32 $0x10, v32;
	v51 =	vld.idx.msk [tilespmem:v51+s15+$0x0], $0xffff  }
0x280: {  	vm1 =	veq.s32 v32, $0x10;
	v32 =	vmax.f32 v5, v30;
	v1 =	vmax.f32 v60, v1  }
0x281: {  	v5 =	vsel vm1, $0x40, v42;
	vm8 =	veq.f32 v22, v32;
	vm1 =	vlt.s32 v0, v49  }
0x282: {  	[tilespmem:s21+$0xFB00] =	vst v1;
	v42 =	vmctz.xlane vm3;
	vm3 =	vlt.s32 v3, v5;
	v33 =	vmax.f32 v36, v57  }
0x283: {  	v22 =	vmov v7;
	v4 =	vld.idx.msk [tilespmem:v4+s15+$0x0], $0xffff;
	v3 =	vsel vm3, v3, v5;
	[tilespmem:s21+$0xFB20] =	vst v33;
	v7 =	vmax.f32 v55, v50  }
0x284: {  	v36 =	vmax.f32 v34, v31;
	[tilespmem:s21+$0xFB10] =	vst v7;
	v34 =	vld.idx.msk [tilespmem:v53+s15+$0x0], $0xffff;
	v5 =	vmax.f32 v40, v51  }
0x285: {  	vm5 =	vlt.s32 v45, v28;
	v52 =	vmctz.xlane vm2;
	v0 =	vsel vm1, v0, v49;
	v49 =	vld.idx.msk [tilespmem:v63+s15+$0x0], $0xffff;
	[tilespmem:s21+$0xFB30] =	vst v5  }
0x286: {  	vm7 =	veq.f32 v21, v41;
	v21 =	vmovc v62;
	v62 =	vimm.f32 $1.000000000e+00;
	vm0 =	vlt.s32 v56, v2;
	v63 =	vld.idx.msk [tilespmem:v43+s15+$0x0], $0xffff  }
0x287: {  	v2 =	vsel vm0, v56, v2;
	vm6 =	vlt.s32 v3, v6;
	vm4 =	veq.f32 v9, v36  }
0x288: {  	v61 =	vld [tilespmem:$0x1FFD0];
	vm9 =	veq.f32 v19, v32;
	v19 =	vmovc v47;
	v3 =	vsel vm6, v3, v6;
	v40 =	vmctz.xlane vm4  }
0x289: {  	v60 =	vld [tilespmem:$0x1FFE0];
	vm4 =	veq.f32 v37, v32;
	v37 =	vmovc v44;
	v44 =	vmax.f32 v1, v4;
	v47 =	vmax.f32 v33, v34  }
0x28a: {  	v33 =	vmctz.xlane vm7;
	v34 =	vadd.s32 $0x20, v52;
	vm7 =	veq.s32 v52, $0x10  }
0x28b: {  	v1 =	vsel vm7, $0x40, v34;
	v34 =	vmax.f32 v7, v49;
	v49 =	vmax.f32 v5, v63;
	v63 =	vld [tilespmem:$0x1FF70]  }
0x28c: {  	vm2 =	veq.s32 v35, $0x10;
	vm0 =	veq.f32 v14, v27;
	vm10 =	veq.s32 v58, $0x10;
	[tilespmem:v2+s16+$0x0] =	vst.idx.add.f32.msk $0x1, v62  }
0x28d: {  	s22 =	sadd.s32 $0x4, s22;
	v41 =	vor.u32 s23, v61;
	v29 =	vor.u32 s28, v61;
	v56 =	vmovc v59;
	v57 =	vadd.s32 $0x10, v42;
	[tilespmem:v0+s16+$0x0] =	vst.idx.add.f32.msk $0x1, v62  }
0x28e: {  	p0 =	slt.u32 s22, $0x1F0;
	v59 =	vld [tilespmem:$0x1FFC0];
	v55 =	vmovc v13;
	v30 =	vor.u32 s23, v60;
	v13 =	vmovc v48;
	v48 =	vor.u32 s26, v60;
	v53 =	vmov v54;
	[tilespmem:s21+$0xFB00] =	vst v44  }
.Ltmp3:
0x28f: {  	v54 =	vmovc v12;
	v12 =	vmovc v39;
	v31 =	vor.u32 s28, v60;
	v39 =	vsel vm5, v45, v28;
	vm5 =	veq.s32 v42, $0x10;
	v50 =	vld.idx.msk [tilespmem:v46+s15+$0x0], $0xffff;
	(pc) =	sbr.rel @p0 .LBB2_8-.Ltmp3, $4  }
0x290: {  	v42 =	vmctz.xlane vm9;
	vm1 =	veq.f32 v18, v36;
	v45 =	vsel vm5, $0x40, v57;
	[tilespmem:v3+s16+$0x0] =	vst.idx.add.f32.msk $0x1, v62  }
0x291: {  	v43 =	vmctz.xlane vm0;
	vm0 =	veq.f32 v16, v36;
	[tilespmem:s21+$0xFB20] =	vst v47;
	v7 =	vld [tilespmem:$0x1FF60];
	v0 =	vadd.s32 $0x30, v33  }
0x292: {  	vm3 =	veq.s32 v40, $0x10;
	v46 =	vmctz.xlane vm8;
	v51 =	vld.idx.msk [tilespmem:v38+s15+$0x0], $0xffff;
	vm5 =	vlt.s32 v1, v0;
	[tilespmem:s21+$0xFB30] =	vst v49  }
0x293: {  	s24 =	sadd.s32 $0x100, s24;
	s25 =	sadd.s32 $0x100, s25;
	v6 =	vmovc v8;
	s23 =	sadd.s32 $0x40, s23;
	vm6 =	veq.s32 v43, $0x10;
	[tilespmem:s21+$0xFB10] =	vst v34;
	v33 =	vsel vm10, $0x40, v58;
	v28 =	vsel vm5, v1, v0;
	v52 =	vld.idx.msk [tilespmem:v63+s15+$0x0], $0xffff  }
0x294: {  	_ = 	snop  }
0x295: {  	vm7 =	veq.f32 v6, v27;
	v0 =	vadd.s32 $0x10, v43  }
0x296: {  	v2 =	vmax.f32 v44, v50;
	v4 =	vsel vm2, $0x40, v35;
	v8 =	vmctz.xlane vm1  }
0x297: {  	vm1 =	veq.s32 v46, $0x10;
	v3 =	vmctz.xlane vm7;
	[tilespmem:s21+$0xFB00] =	vst v2;
	vm7 =	veq.f32 v55, v36  }
0x298: {  	v0 =	vsel vm6, $0x40, v0;
	vm5 =	veq.f32 v7, v27;
	v6 =	vld.idx.msk [tilespmem:v41+s15+$0x0], $0xffff;
	v5 =	vmax.f32 v47, v51  }
0x299: {  	v14 =	vmctz.xlane vm7;
	v1 =	vmctz.xlane vm5;
	vm5 =	vlt.s32 v4, v45;
	[tilespmem:s21+$0xFB20] =	vst v5  }
0x29a: {  	v3 =	vadd.s32 $0x30, v3;
	v7 =	vmax.f32 v49, v52;
	v4 =	vsel vm5, v4, v45;
	v27 =	vld.idx.msk [tilespmem:v48+s15+$0x0], $0xffff  }
0x29b: {  	v45 =	vmctz.xlane vm4;
	vm2 =	veq.s32 v1, $0x10;
	v1 =	vadd.s32 $0x20, v1;
	[tilespmem:s21+$0xFB30] =	vst v7  }
0x29c: {  	vm5 =	veq.f32 v54, v32;
	v14 =	vadd.s32 $0x30, v14;
	v1 =	vsel vm2, $0x40, v1;
	v26 =	vld.idx.msk [tilespmem:v26+s15+$0x0], $0xffff  }
0x29d: {  	vm7 =	veq.s32 v45, $0x10;
	vm2 =	vlt.s32 v1, v3;
	v2 =	vmax.f32 v2, v6  }
0x29e: {  	v6 =	vmctz.xlane vm5;
	v1 =	vsel vm2, v1, v3;
	v3 =	vadd.s32 $0x20, v45  }
0x29f: {  	vm2 =	vlt.s32 v4, v28;
	v3 =	vsel vm7, $0x40, v3;
	v5 =	vmax.f32 v5, v27  }
0x2a0: {  	v4 =	vsel vm2, v4, v28;
	v27 =	vadd.s32 $0x20, v40;
	vm5 =	veq.f32 v20, v5  }
0x2a1: {  	v7 =	vmax.f32 v7, v26;
	v26 =	vsel vm3, $0x40, v27;
	v27 =	vsel vm1, $0x40, v46  }
0x2a2: {  	vm3 =	veq.f32 v17, v7;
	v17 =	vadd.s32 $0x10, v6;
	vm1 =	vlt.s32 v26, v14  }
0x2a3: {  	vm4 =	veq.f32 v23, v7;
	vm6 =	veq.f32 v25, v7;
	v14 =	vsel vm1, v26, v14  }
0x2a4: {  	v23 =	vmctz.xlane vm3;
	v25 =	vmctz.xlane vm6;
	vm3 =	veq.s32 v8, $0x10  }
0x2a5: {  	v20 =	vld.idx.msk [tilespmem:v29+s15+$0x0], $0xffff;
	vm6 =	veq.s32 v6, $0x10;
	v26 =	vadd.s32 $0x30, v42;
	v47 =	vmctz.xlane vm4  }
0x2a6: {  	v8 =	vsel vm3, $0x40, v8;
	v17 =	vsel vm6, $0x40, v17;
	vm3 =	vlt.s32 v3, v26  }
0x2a7: {  	[tilespmem:s21+$0xFB00] =	vst v2;
	vm6 =	veq.f32 v21, v7;
	v7 =	vmctz.xlane vm0;
	v21 =	vmctz.xlane vm5  }
0x2a8: {  	v6 =	vld.idx.msk [tilespmem:v30+s15+$0x0], $0xffff;
	vm1 =	veq.s32 v23, $0x10;
	vm7 =	vlt.s32 v27, v17;
	v3 =	vsel vm3, v3, v26  }
0x2a9: {  	vm3 =	vlt.s32 v33, v0;
	v9 =	vmctz.xlane vm6;
	vm6 =	veq.s32 v25, $0x10  }
0x2aa: {  	vm2 =	veq.s32 v47, $0x10;
	v20 =	vmax.f32 v34, v20;
	v17 =	vsel vm7, v27, v17  }
0x2ab: {  	v26 =	vadd.s32 $0x10, v7;
	vm5 =	veq.s32 v7, $0x10;
	v0 =	vsel vm3, v33, v0  }
0x2ac: {  	vm9 =	veq.s32 v21, $0x10;
	vm0 =	vlt.s32 v17, v3;
	vm3 =	vlt.s32 v0, v1  }
0x2ad: {  	v9 =	vadd.s32 $0x30, v9;
	v2 =	vmax.f32 v2, v6;
	v6 =	vsel vm5, $0x40, v26  }
0x2ae: {  	[tilespmem:s21+$0xFB10] =	vst v20;
	v0 =	vsel vm3, v0, v1;
	v3 =	vsel vm0, v17, v3;
	vm0 =	veq.f32 v12, v5  }
0x2af: {  	v29 =	vld.idx.msk [tilespmem:v31+s15+$0x0], $0xffff;
	v1 =	vadd.s32 $0x10, v47;
	vm7 =	veq.f32 v22, v2;
	vm4 =	vlt.s32 v8, v6  }
0x2b0: {  	v12 =	vmctz.xlane vm0;
	v1 =	vsel vm2, $0x40, v1;
	v6 =	vsel vm4, v8, v6  }
0x2b1: {  	vm2 =	veq.f32 v11, v5;
	v11 =	vsel vm9, $0x40, v21;
	vm8 =	vlt.s32 v6, v14  }
0x2b2: {  	vm10 =	veq.s32 v12, $0x10;
	v12 =	vadd.s32 $0x10, v12;
	v6 =	vsel vm8, v6, v14  }
0x2b3: {  	vm8 =	veq.f32 v19, v2;
	v14 =	vmctz.xlane vm7;
	vm7 =	veq.f32 v10, v5  }
0x2b4: {  	v5 =	vmctz.xlane vm2;
	v7 =	vmax.f32 v20, v29;
	v10 =	vmctz.xlane vm8  }
0x2b5: {  	v16 =	vmctz.xlane vm7;
	vm3 =	veq.f32 v53, v7;
	vm5 =	veq.f32 v56, v7  }
0x2b6: {  	vm0 =	veq.f32 v13, v7;
	v13 =	vadd.s32 $0x20, v25;
	vm2 =	veq.s32 v5, $0x10  }
0x2b7: {  	v5 =	vadd.s32 $0x20, v5;
	v8 =	vmctz.xlane vm5;
	vm5 =	veq.f32 v37, v2  }
0x2b8: {  	v13 =	vsel vm6, $0x40, v13;
	v16 =	vadd.s32 $0x30, v16;
	v5 =	vsel vm2, $0x40, v5  }
0x2b9: {  	v10 =	vadd.s32 $0x30, v10;
	vm6 =	vlt.s32 v13, v9;
	vm2 =	vlt.s32 v5, v16  }
0x2ba: {  	v48 =	vmctz.xlane vm5;
	vm4 =	veq.s32 v8, $0x10;
	v9 =	vsel vm6, v13, v9  }
0x2bb: {  	v13 =	vsel vm1, $0x40, v23;
	vm6 =	veq.f32 v15, v7;
	v7 =	vsel vm10, $0x40, v12  }
0x2bc: {  	v5 =	vsel vm2, v5, v16;
	vm2 =	veq.f32 v24, v2;
	v15 =	vmctz.xlane vm3  }
0x2bd: {  	v8 =	vadd.s32 $0x20, v8;
	vm1 =	vlt.s32 v13, v1;
	v12 =	vmctz.xlane vm6  }
0x2be: {  	v16 =	vmctz.xlane vm2;
	vm2 =	veq.s32 v14, $0x10;
	v8 =	vsel vm4, $0x40, v8  }
0x2bf: {  	vm3 =	veq.s32 v48, $0x10;
	v2 =	vadd.s32 $0x20, v48;
	vm4 =	vlt.s32 v11, v7  }
0x2c0: {  	v14 =	vsel vm2, $0x40, v14;
	v2 =	vsel vm3, $0x40, v2;
	v7 =	vsel vm4, v11, v7  }
0x2c1: {  	v1 =	vsel vm1, v13, v1;
	v12 =	vadd.s32 $0x30, v12;
	v17 =	vadd.s32 $0x10, v16  }
0x2c2: {  	vm3 =	veq.s32 v16, $0x10;
	v16 =	vmctz.xlane vm0;
	vm2 =	vlt.s32 v8, v12  }
0x2c3: {  	vm0 =	vlt.s32 v2, v10;
	vm1 =	vlt.s32 v1, v9;
	v8 =	vsel vm2, v8, v12  }
0x2c4: {  	vm2 =	veq.s32 v15, $0x10;
	v12 =	vsel vm3, $0x40, v17;
	v17 =	vadd.s32 $0x10, v16  }
0x2c5: {  	[tilespmem:v39+s16+$0x0] =	vst.idx.add.f32.msk $0x1, v62;
	vm3 =	veq.s32 v16, $0x10;
	v15 =	vsel vm2, $0x40, v15;
	vm2 =	vlt.s32 v14, v12  }
0x2c6: {  	[tilespmem:v4+s16+$0x0] =	vst.idx.add.f32.msk $0x1, v62;
	v2 =	vsel vm0, v2, v10;
	v49 =	vsel vm2, v14, v12;
	v12 =	vsel vm3, $0x40, v17  }
0x2c7: {  	vm0 =	vlt.s32 v7, v5;
	v1 =	vsel vm1, v1, v9;
	vm2 =	vlt.s32 v15, v12  }
0x2c8: {  	v5 =	vsel vm0, v7, v5;
	vm3 =	vlt.s32 v49, v2;
	v7 =	vsel vm2, v15, v12  }
0x2c9: {  	[tilespmem:v0+s16+$0x0] =	vst.idx.add.f32.msk $0x1, v62;
	v0 =	vsel vm3, v49, v2;
	vm0 =	vlt.s32 v7, v8  }
0x2ca: {  	[tilespmem:v3+s16+$0x0] =	vst.idx.add.f32.msk $0x1, v62;
	v50 =	vsel vm0, v7, v8  }
0x2cb: {  	[tilespmem:v6+s16+$0x0] =	vst.idx.add.f32.msk $0x1, v62  }
0x2cc: {  	[tilespmem:v1+s16+$0x0] =	vst.idx.add.f32.msk $0x1, v62  }
0x2cd: {  	[tilespmem:v5+s16+$0x0] =	vst.idx.add.f32.msk $0x1, v62  }
0x2ce: {  	[tilespmem:v0+s16+$0x0] =	vst.idx.add.f32.msk $0x1, v62  }
0x2cf: {  	[tilespmem:v50+s16+$0x0] =	vst.idx.add.f32.msk $0x1, v62  }
0x2d0: {  	_ =	swait.ge [sflag:s17], $0x7D00  }
0x2d1: {  	[sflag:s17] =	ssyncset.done $0x0  }
0x2d2: {  	s0 =	simm.s32 $0x7D80;
	[sflag:s17] =	ssyncadd.s32 $0xFFFF8300  }
0x2d3: {  	v13 =	vld [tilespmem:s0+$0x30]  }
0x2d4: {  	v14 =	vld [tilespmem:s0+$0x20]  }
0x2d5: {  	v12 =	vld [tilespmem:s0+$0x10]  }
0x2d6: {  	v11 =	vld [tilespmem:s0+$0xFFFFFFA0]  }
0x2d7: {  	v10 =	vld [tilespmem:s0+$0xFFFFFFB0]  }
0x2d8: {  	v35 =	vld [tilespmem:s0+$0x40]  }
0x2d9: {  	s1 =	simm.s32 $0xC0;
	v37 =	vld [tilespmem:s0+$0x0]  }
0x2da: {  	s2 =	sor.u32 $0x50, s1;
	v20 =	vld [tilespmem:s0+$0xFFFFFFC0]  }
0x2db: {  	s7 =	sor.u32 $0x60, s1;
	v25 =	vld [tilespmem:s2+$0x7D00]  }
0x2dc: {  	s1 =	sor.u32 $0x70, s1;
	s21 =	simm.s32 $0x40;
	v27 =	vld [tilespmem:s7+$0x7D00]  }
0x2dd: {  	s26 =	sor.u32 $0x50, s21;
	v23 =	vld [tilespmem:s1+$0x7D00]  }
0x2de: {  	s29 =	sor.u32 $0x70, s21;
	v17 =	vld [tilespmem:s26+$0x7D00]  }
0x2df: {  	s30 =	sor.u32 $0x60, s21;
	v16 =	vld [tilespmem:s29+$0x7D00]  }
0x2e0: {  	v21 =	vld [tilespmem:s30+$0x7D00]  }
0x2e1: {  	s18 =	simm.s32 $0x140;
	v15 =	vld [tilespmem:s0+$0xFFFFFF90]  }
0x2e2: {  	s9 =	sor.u32 $0x50, s18;
	v36 =	vld [tilespmem:s0+$0xFFFFFF80];
	v53 =	vmax.f32 v14, v13;
	v54 =	vmax.f32 v37, v12  }
0x2e3: {  	s28 =	simm.s32 $0x20;
	s23 =	simm.s32 $0x0;
	s0 =	simm.s32 $0x7E80;
	v31 =	vld [tilespmem:s9+$0x7D00];
	v4 =	vmax.f32 v35, v25;
	v5 =	vmax.f32 v27, v23;
	v2 =	vmax.f32 v54, v53  }
0x2e4: {  	v51 =	vor.u32 s28, v59;
	v28 =	vld [tilespmem:s0+$0x10];
	v55 =	vmax.f32 v4, v5;
	[tilespmem:s23+$0xFB20] =	vst v2  }
0x2e5: {  	s22 =	simm.s32 $0x30;
	v29 =	vld [tilespmem:s0+$0xFFFFFFA0];
	[tilespmem:s23+$0xFB30] =	vst v55  }
0x2e6: {  	v52 =	vor.u32 s22, v59;
	v49 =	vld [tilespmem:$0x1FFF0]  }
0x2e7: {  	s25 =	simm.s32 $0x10;
	v30 =	vld [tilespmem:s0+$0xFFFFFFB0]  }
0x2e8: {  	s31 =	simm.s32 $0x0;
	v26 =	vld [tilespmem:s0+$0xFFFFFFC0];
	v4 =	vor.u32 s25, v59  }
0x2e9: {  	v6 =	vor.u32 s31, v59;
	s2 =	sor.u32 $0x60, s18;
	v0 =	vld.idx.msk [tilespmem:v51+s15+$0x0], $0xffff  }
0x2ea: {  	v33 =	vld [tilespmem:s2+$0x7D00];
	v8 =	vmax.f32 v20, v17;
	v9 =	vmax.f32 v21, v16;
	v18 =	vmax.f32 v11, v10  }
0x2eb: {  	v8 =	vmax.f32 v8, v9;
	v9 =	vmax.f32 v36, v15;
	v1 =	vld.idx.msk [tilespmem:v52+s15+$0x0], $0xffff;
	v7 =	vor.u32 s28, v49  }
0x2ec: {  	v34 =	vld [tilespmem:s0+$0xFFFFFF80];
	v9 =	vmax.f32 v9, v18;
	[tilespmem:s23+$0xFB10] =	vst v8  }
0x2ed: {  	s26 =	simm.s32 $0x1C0;
	[tilespmem:s23+$0xFB00] =	vst v9;
	v4 =	vld.idx.msk [tilespmem:v4+s15+$0x0], $0xffff;
	v5 =	vor.u32 s22, v49  }
0x2ee: {  	s10 =	sor.u32 $0x50, s26;
	v56 =	vld.idx.msk [tilespmem:v6+s15+$0x0], $0xffff;
	v0 =	vmax.f32 v2, v0  }
0x2ef: {  	v24 =	vld [tilespmem:s10+$0x7D00];
	v57 =	vor.u32 s25, v49;
	[tilespmem:s23+$0xFB20] =	vst v0  }
0x2f0: {  	s7 =	sor.u32 $0x70, s26;
	v1 =	vmax.f32 v55, v1;
	v6 =	vld.idx.msk [tilespmem:v7+s15+$0x0], $0xffff;
	v7 =	vor.u32 s31, v49  }
0x2f1: {  	v22 =	vld [tilespmem:s7+$0x7D00];
	[tilespmem:s23+$0xFB30] =	vst v1  }
0x2f2: {  	v18 =	vor.u32 s28, v61;
	v4 =	vmax.f32 v8, v4;
	v5 =	vld.idx.msk [tilespmem:v5+s15+$0x0], $0xffff  }
0x2f3: {  	v54 =	vld [tilespmem:s0+$0xFFFFFF90];
	v2 =	vmax.f32 v9, v56;
	[tilespmem:s23+$0xFB10] =	vst v4  }
0x2f4: {  	v19 =	vor.u32 s22, v61;
	[tilespmem:s23+$0xFB00] =	vst v2;
	v3 =	vld.idx.msk [tilespmem:v57+s15+$0x0], $0xffff  }
0x2f5: {  	v0 =	vmax.f32 v0, v6;
	v8 =	vld.idx.msk [tilespmem:v7+s15+$0x0], $0xffff  }
0x2f6: {  	v6 =	vld [tilespmem:s0+$0x30];
	[tilespmem:s23+$0xFB20] =	vst v0  }
0x2f7: {  	v1 =	vmax.f32 v1, v5;
	v5 =	vld.idx.msk [tilespmem:v18+s15+$0x0], $0xffff  }
0x2f8: {  	v9 =	vor.u32 s31, v61;
	v7 =	vld [tilespmem:s0+$0x20];
	[tilespmem:s23+$0xFB30] =	vst v1  }
0x2f9: {  	v58 =	vld.idx.msk [tilespmem:v19+s15+$0x0], $0xffff;
	v18 =	vor.u32 s28, v60  }
0x2fa: {  	s29 =	sor.u32 $0x70, s18;
	v19 =	vld [tilespmem:s0+$0x0]  }
0x2fb: {  	v63 =	vor.u32 s22, v60;
	v55 =	vld [tilespmem:s29+$0x7D00];
	s28 =	sor.u32 $0x60, s26;
	v2 =	vmax.f32 v2, v8  }
0x2fc: {  	s24 =	simm.s32 $0x60;
	v32 =	vld [tilespmem:s28+$0x7D00];
	v8 =	vor.u32 s25, v61;
	[tilespmem:s23+$0xFB00] =	vst v2;
	v0 =	vmax.f32 v0, v5  }
0x2fd: {  	v3 =	vmax.f32 v4, v3;
	v4 =	vor.u32 s24, v59;
	v5 =	vld.idx.msk [tilespmem:v9+s15+$0x0], $0xffff;
	[tilespmem:s23+$0xFB20] =	vst v0  }
0x2fe: {  	v1 =	vmax.f32 v1, v58;
	v38 =	vld.idx.msk [tilespmem:v18+s15+$0x0], $0xffff  }
0x2ff: {  	v44 =	vor.u32 s25, v60;
	v50 =	vmax.f32 v7, v6;
	v51 =	vmax.f32 v19, v28;
	[tilespmem:s23+$0xFB30] =	vst v1;
	v18 =	vld [tilespmem:s0+$0x40]  }
0x300: {  	v40 =	vor.u32 s31, v60;
	v46 =	vor.u32 s21, v59;
	s30 =	simm.s32 $0x70;
	s31 =	simm.s32 $0x40;
	[tilespmem:s23+$0xFB10] =	vst v3;
	v43 =	vmax.f32 v51, v50;
	v39 =	vld.idx.msk [tilespmem:v63+s15+$0x0], $0xffff  }
0x301: {  	v48 =	vor.u32 s30, v59;
	v52 =	vmax.f32 v34, v54;
	v41 =	vor.u32 s24, v49;
	s26 =	simm.s32 $0x50;
	[tilespmem:s31+$0xFB20] =	vst v43;
	v42 =	vld.idx.msk [tilespmem:v8+s15+$0x0], $0xffff  }
0x302: {  	v57 =	vor.u32 s26, v59;
	v58 =	vmax.f32 v33, v55;
	v56 =	vmax.f32 v32, v22;
	v4 =	vld.idx.msk [tilespmem:v4+s15+$0x0], $0xffff  }
0x303: {  	v51 =	vor.u32 s30, v49;
	v2 =	vmax.f32 v2, v5;
	v5 =	vmax.f32 v26, v31  }
0x304: {  	v63 =	vmax.f32 v29, v30;
	[tilespmem:s23+$0xFB00] =	vst v2;
	v5 =	vmax.f32 v5, v58;
	v53 =	vmax.f32 v18, v24  }
0x305: {  	v0 =	vmax.f32 v0, v38;
	[tilespmem:s31+$0xFB10] =	vst v5;
	v1 =	vmax.f32 v1, v39;
	v45 =	vmax.f32 v53, v56  }
0x306: {  	v40 =	vld.idx.msk [tilespmem:v40+s15+$0x0], $0xffff;
	vm0 =	veq.f32 v37, v0;
	v3 =	vmax.f32 v3, v42;
	v53 =	vmax.f32 v52, v63  }
0x307: {  	v58 =	vor.u32 s30, v61;
	v56 =	vld.idx.msk [tilespmem:v57+s15+$0x0], $0xffff;
	vm1 =	veq.f32 v35, v1;
	v4 =	vmax.f32 v43, v4;
	[tilespmem:s31+$0xFB30] =	vst v45  }
0x308: {  	v57 =	vor.u32 s24, v61;
	vm2 =	veq.f32 v25, v1;
	vm3 =	veq.f32 v27, v1;
	[tilespmem:s23+$0xFB10] =	vst v3;
	v38 =	vld.idx.msk [tilespmem:v48+s15+$0x0], $0xffff  }
0x309: {  	v63 =	vor.u32 s21, v49;
	vm7 =	veq.f32 v23, v1;
	[tilespmem:s31+$0xFB00] =	vst v53;
	v25 =	vmctz.xlane vm1;
	v44 =	vld.idx.msk [tilespmem:v44+s15+$0x0], $0xffff  }
0x30a: {  	v43 =	vor.u32 s26, v60;
	[tilespmem:s31+$0xFB20] =	vst v4;
	v50 =	vmctz.xlane vm3;
	v52 =	vmctz.xlane vm0;
	v46 =	vld.idx.msk [tilespmem:v46+s15+$0x0], $0xffff  }
0x30b: {  	v27 =	vld.idx.msk [tilespmem:v41+s15+$0x0], $0xffff;
	v48 =	vor.u32 s26, v49;
	v41 =	vor.u32 s21, v60;
	vm3 =	veq.s32 v25, $0x10  }
0x30c: {  	vm13 =	veq.s32 v52, $0x10;
	v2 =	vmax.f32 v2, v40;
	v25 =	vsel vm3, $0x40, v25  }
0x30d: {  	vm6 =	veq.f32 v36, v2;
	v36 =	vor.u32 s26, v61;
	v5 =	vmax.f32 v5, v56  }
0x30e: {  	vm5 =	veq.f32 v11, v2;
	vm8 =	veq.f32 v10, v2;
	v56 =	vor.u32 s24, v60  }
0x30f: {  	v38 =	vmax.f32 v45, v38;
	v45 =	vor.u32 s30, v60;
	v3 =	vmax.f32 v3, v44  }
0x310: {  	[tilespmem:s31+$0xFB10] =	vst v5;
	v39 =	vmax.f32 v53, v46;
	v4 =	vmax.f32 v4, v27;
	v27 =	vmctz.xlane vm2  }
0x311: {  	v1 =	vld.idx.msk [tilespmem:v48+s15+$0x0], $0xffff;
	v48 =	vmctz.xlane vm6;
	v46 =	vmctz.xlane vm8;
	vm8 =	veq.f32 v13, v0;
	[tilespmem:s31+$0xFB30] =	vst v38  }
0x312: {  	v44 =	vsel vm13, $0x40, v52;
	vm1 =	veq.f32 v21, v3;
	[tilespmem:s31+$0xFB00] =	vst v39;
	vm0 =	veq.f32 v20, v3;
	v23 =	vld.idx.msk [tilespmem:v51+s15+$0x0], $0xffff  }
0x313: {  	[tilespmem:s31+$0xFB20] =	vst v4;
	v13 =	vmctz.xlane vm8;
	v51 =	vor.u32 s21, v61;
	v21 =	vmctz.xlane vm1;
	v20 =	vld.idx.msk [tilespmem:v63+s15+$0x0], $0xffff  }
0x314: {  	vm1 =	veq.f32 v12, v0;
	v35 =	vld.idx.msk [tilespmem:v57+s15+$0x0], $0xffff;
	v57 =	vadd.s32 $0x20, v50;
	vm14 =	veq.s32 v27, $0x10  }
0x315: {  	vm8 =	veq.s32 v48, $0x10;
	v46 =	vadd.s32 $0x30, v46;
	v42 =	vmctz.xlane vm1  }
0x316: {  	s9 =	simm.s32 $0x7F80;
	vm1 =	veq.f32 v17, v3;
	v17 =	vmctz.xlane vm7;
	vm7 =	veq.s32 v50, $0x10  }
0x317: {  	v10 =	vld [tilespmem:s9+$0x30];
	vm4 =	veq.s32 v21, $0x10;
	v1 =	vmax.f32 v5, v1;
	v5 =	vadd.s32 $0x10, v27  }
0x318: {  	v11 =	vld [tilespmem:s9+$0x20];
	vm2 =	veq.s32 v42, $0x10;
	v42 =	vadd.s32 $0x10, v42;
	v5 =	vsel vm14, $0x40, v5  }
0x319: {  	v12 =	vld [tilespmem:s9+$0x10];
	[tilespmem:s31+$0xFB10] =	vst v1;
	v42 =	vsel vm2, $0x40, v42;
	v23 =	vmax.f32 v38, v23;
	v39 =	vmax.f32 v39, v20  }
0x31a: {  	v4 =	vmax.f32 v4, v35;
	v20 =	vsel vm7, $0x40, v57;
	vm7 =	veq.f32 v14, v0;
	v36 =	vld.idx.msk [tilespmem:v36+s15+$0x0], $0xffff;
	[tilespmem:s31+$0xFB30] =	vst v23  }
0x31b: {  	v57 =	vsel vm8, $0x40, v48;
	[tilespmem:s31+$0xFB00] =	vst v39;
	v50 =	vmctz.xlane vm7;
	v53 =	vld.idx.msk [tilespmem:v58+s15+$0x0], $0xffff;
	v58 =	vadd.s32 $0x30, v17  }
0x31c: {  	s29 =	simm.s32 $0xA0;
	vm2 =	vlt.s32 v44, v42;
	[tilespmem:s31+$0xFB20] =	vst v4;
	v40 =	vld.idx.msk [tilespmem:v51+s15+$0x0], $0xffff;
	v51 =	vadd.s32 $0x30, v13;
	vm6 =	vlt.s32 v20, v58  }
0x31d: {  	s10 =	simm.s32 $0x240;
	v27 =	vld.idx.msk [tilespmem:v56+s15+$0x0], $0xffff;
	vm3 =	veq.s32 v50, $0x10;
	v0 =	vadd.s32 $0x20, v50;
	v50 =	vor.u32 s29, v59  }
0x31e: {  	s25 =	simm.s32 $0x90;
	s23 =	sor.u32 $0x50, s10;
	v17 =	vld [tilespmem:s9+$0x40];
	v8 =	vsel vm6, v20, v58;
	vm6 =	vlt.s32 v25, v5;
	v0 =	vsel vm3, $0x40, v0  }
0x31f: {  	s0 =	sor.u32 $0x60, s10;
	v13 =	vld [tilespmem:s23+$0x7D00];
	vm3 =	veq.f32 v16, v3;
	v3 =	vor.u32 s25, v59;
	vm7 =	vlt.s32 v0, v51  }
0x320: {  	s18 =	simm.s32 $0x2C0;
	v56 =	vld [tilespmem:s0+$0x7D00];
	v38 =	vsel vm6, v25, v5;
	vm6 =	veq.f32 v15, v2;
	v2 =	vmctz.xlane vm5  }
0x321: {  	s26 =	sor.u32 $0x60, s18;
	v20 =	vld [tilespmem:s9+$0x0];
	v5 =	vmctz.xlane vm3;
	v1 =	vmax.f32 v1, v36;
	v0 =	vsel vm7, v0, v51  }
0x322: {  	s28 =	sor.u32 $0x70, s10;
	v25 =	vld [tilespmem:s26+$0x7D00];
	v52 =	vmctz.xlane vm6;
	vm12 =	vlt.s32 v38, v8;
	v63 =	vmax.f32 v23, v53  }
0x323: {  	v15 =	vld [tilespmem:s28+$0x7D00];
	v35 =	vmax.f32 v39, v40;
	v27 =	vmax.f32 v4, v27;
	v4 =	vadd.s32 $0x20, v21  }
0x324: {  	v53 =	vld [tilespmem:s9+$0xFFFFFFC0];
	v5 =	vadd.s32 $0x30, v5;
	vm8 =	veq.s32 v2, $0x10;
	v2 =	vadd.s32 $0x20, v2;
	[tilespmem:s31+$0xFB30] =	vst v63  }
0x325: {  	s24 =	sor.u32 $0x50, s18;
	vm3 =	veq.f32 v19, v27;
	v4 =	vsel vm4, $0x40, v4;
	vm15 =	veq.s32 v52, $0x10;
	v45 =	vld.idx.msk [tilespmem:v45+s15+$0x0], $0xffff  }
0x326: {  	s1 =	sor.u32 $0x70, s18;
	v23 =	vld [tilespmem:s24+$0x7D00];
	v51 =	vadd.s32 $0x10, v52;
	v2 =	vsel vm8, $0x40, v2;
	vm13 =	veq.f32 v28, v27  }
0x327: {  	s30 =	simm.s32 $0xB0;
	[tilespmem:s31+$0xFB10] =	vst v1;
	v21 =	vld [tilespmem:s1+$0x7D00];
	vm5 =	vlt.s32 v4, v5;
	v47 =	vmax.f32 v20, v12;
	v36 =	vsel vm15, $0x40, v51  }
0x328: {  	v43 =	vld.idx.msk [tilespmem:v43+s15+$0x0], $0xffff;
	vm8 =	vlt.s32 v2, v46;
	v51 =	vsel vm2, v44, v42;
	v42 =	vor.u32 s30, v61  }
0x329: {  	[tilespmem:s31+$0xFB00] =	vst v35;
	v4 =	vsel vm5, v4, v5;
	vm9 =	vlt.s32 v57, v36;
	v2 =	vsel vm8, v2, v46  }
0x32a: {  	v52 =	vld.idx.msk [tilespmem:v41+s15+$0x0], $0xffff;
	v46 =	vor.u32 s29, v61;
	v41 =	vsel vm9, v57, v36;
	v58 =	vmax.f32 v63, v45  }
0x32b: {  	v37 =	vld [tilespmem:s9+$0xFFFFFFA0];
	v5 =	vmax.f32 v17, v23;
	v63 =	vmax.f32 v11, v10;
	vm6 =	veq.f32 v24, v58  }
0x32c: {  	v19 =	vld [tilespmem:s9+$0xFFFFFFB0];
	v24 =	vmax.f32 v53, v13;
	vm5 =	veq.f32 v22, v58;
	v22 =	vmax.f32 v56, v15  }
0x32d: {  	s21 =	simm.s32 $0x80;
	s31 =	simm.s32 $0x80;
	v45 =	vmax.f32 v47, v63;
	v40 =	vmax.f32 v24, v22;
	v24 =	vld [tilespmem:s9+$0xFFFFFF90];
	v22 =	vmax.f32 v25, v21  }
0x32e: {  	v57 =	vor.u32 s31, v59;
	v36 =	vmax.f32 v1, v43;
	[tilespmem:s21+$0xFB20] =	vst v45;
	v5 =	vmax.f32 v5, v22;
	v22 =	vld [tilespmem:s9+$0xFFFFFF80]  }
0x32f: {  	v43 =	vmctz.xlane vm13;
	vm7 =	veq.f32 v18, v58;
	vm4 =	veq.f32 v32, v58;
	v58 =	vld.idx.msk [tilespmem:v50+s15+$0x0], $0xffff  }
0x330: {  	v47 =	vor.u32 s30, v49;
	v32 =	vmax.f32 v35, v52;
	v52 =	vmctz.xlane vm0;
	[tilespmem:s21+$0xFB10] =	vst v40  }
0x331: {  	v63 =	vmax.f32 v37, v19;
	vm0 =	vlt.s32 v51, v0;
	v50 =	vor.u32 s30, v59;
	v3 =	vld.idx.msk [tilespmem:v3+s15+$0x0], $0xffff  }
0x332: {  	vm8 =	veq.f32 v34, v32;
	v0 =	vsel vm0, v51, v0;
	vm0 =	veq.s32 v52, $0x10  }
0x333: {  	v35 =	vmctz.xlane vm7;
	v51 =	vsel vm0, $0x40, v52;
	vm0 =	veq.f32 v33, v36  }
0x334: {  	v52 =	vor.u32 s25, v49;
	v48 =	vmax.f32 v22, v24;
	v45 =	vmax.f32 v45, v58  }
0x335: {  	[tilespmem:s21+$0xFB30] =	vst v5;
	v58 =	vmctz.xlane vm1;
	vm1 =	veq.f32 v26, v36;
	v26 =	vor.u32 s30, v60  }
0x336: {  	v50 =	vld.idx.msk [tilespmem:v50+s15+$0x0], $0xffff;
	v39 =	vmax.f32 v48, v63;
	v3 =	vmax.f32 v40, v3;
	v63 =	vor.u32 s29, v49  }
0x337: {  	v40 =	vmctz.xlane vm0;
	vm2 =	veq.s32 v58, $0x10;
	v1 =	vadd.s32 $0x10, v58  }
0x338: {  	vm0 =	veq.f32 v31, v36;
	v31 =	vor.u32 s25, v60;
	v1 =	vsel vm2, $0x40, v1  }
0x339: {  	v48 =	vor.u32 s29, v60;
	[tilespmem:s21+$0xFB00] =	vst v39;
	v58 =	vmctz.xlane vm4;
	vm2 =	vlt.s32 v51, v1  }
0x33a: {  	vm4 =	veq.f32 v29, v32;
	v29 =	vor.u32 s25, v61;
	v57 =	vld.idx.msk [tilespmem:v57+s15+$0x0], $0xffff;
	v1 =	vsel vm2, v51, v1  }
0x33b: {  	[tilespmem:s21+$0xFB20] =	vst v45;
	v5 =	vmax.f32 v5, v50;
	v50 =	vor.u32 s31, v49;
	vm2 =	vlt.s32 v41, v2  }
0x33c: {  	[tilespmem:s21+$0xFB10] =	vst v3;
	v34 =	vld.idx.msk [tilespmem:v63+s15+$0x0], $0xffff;
	v2 =	vsel vm2, v41, v2;
	vm2 =	veq.s32 v35, $0x10;
	v41 =	vor.u32 s31, v61  }
0x33d: {  	v28 =	vld.idx.msk [tilespmem:v52+s15+$0x0], $0xffff;
	vm7 =	vlt.s32 v1, v4;
	v63 =	vmctz.xlane vm6;
	[tilespmem:s21+$0xFB30] =	vst v5;
	vm6 =	veq.s32 v43, $0x10  }
0x33e: {  	v1 =	vsel vm7, v1, v4;
	v4 =	vmctz.xlane vm3;
	vm7 =	veq.f32 v30, v32;
	v52 =	vld.idx.msk [tilespmem:v47+s15+$0x0], $0xffff  }
0x33f: {  	[tilespmem:v0+s16+$0x0] =	vst.idx.add.f32.msk $0x1, v62;
	v30 =	vor.u32 s31, v60;
	vm3 =	veq.s32 v40, $0x10;
	v44 =	vmax.f32 v39, v57  }
0x340: {  	v39 =	vsel vm12, v38, v8;
	v57 =	vmctz.xlane vm5;
	vm5 =	veq.s32 v58, $0x10;
	[tilespmem:s21+$0xFB00] =	vst v44  }
0x341: {  	v58 =	vadd.s32 $0x20, v58;
	vm15 =	veq.s32 v63, $0x10;
	v47 =	vmax.f32 v45, v34;
	[tilespmem:v2+s16+$0x0] =	vst.idx.add.f32.msk $0x1, v62  }
0x342: {  	v63 =	vadd.s32 $0x10, v63;
	vm14 =	veq.s32 v4, $0x10;
	v50 =	vld.idx.msk [tilespmem:v50+s15+$0x0], $0xffff;
	v0 =	vadd.s32 $0x30, v57;
	[tilespmem:s21+$0xFB20] =	vst v47  }
0x343: {  	v33 =	vsel vm14, $0x40, v4;
	v2 =	vsel vm5, $0x40, v58;
	v49 =	vmax.f32 v5, v52;
	[tilespmem:v1+s16+$0x0] =	vst.idx.add.f32.msk $0x1, v62  }
0x344: {  	s22 =	simm.s32 $0x8;
	v34 =	vmax.f32 v3, v28;
	v45 =	vsel vm15, $0x40, v63;
	vm5 =	vlt.s32 v2, v0;
	v51 =	vld.idx.msk [tilespmem:v46+s15+$0x0], $0xffff;
	[tilespmem:s21+$0xFB30] =	vst v49  }
0x345: {  	s23 =	simm.s32 $0xC0;
	s24 =	simm.s32 $0x300;
	s25 =	simm.s32 $0x8080;
	[tilespmem:s21+$0xFB10] =	vst v34;
	v46 =	vmctz.xlane vm8;
	v28 =	vsel vm5, v2, v0;
	v52 =	vld.idx.msk [tilespmem:v42+s15+$0x0], $0xffff;
	v42 =	vmctz.xlane vm7  }
.LBB2_10:
0x346: {  	v8 =	vmov v10;
	v10 =	vld [tilespmem:s25+$0x30]  }
0x347: {  	vm7 =	veq.f32 v6, v27;
	v6 =	vld [tilespmem:$0x1FFF0]  }
0x348: {  	s10 =	sadd.s32 $0x30, s23;
	v0 =	vadd.s32 $0x10, v43;
	s26 =	sadd.s32 $0x20, s23;
	[tilespmem:v39+s16+$0x0] =	vst.idx.add.f32.msk $0x1, v62;
	v62 =	vsel vm2, $0x40, v35  }
0x349: {  	v1 =	vmovc v11;
	v11 =	vld [tilespmem:s25+$0x20];
	v2 =	vmctz.xlane vm7;
	v38 =	vor.u32 s26, v61;
	v3 =	vor.u32 s10, v61  }
0x34a: {  	v29 =	vld.idx.msk [tilespmem:v29+s15+$0x0], $0xffff;
	v4 =	vor.u32 s10, v60;
	v0 =	vsel vm6, $0x40, v0;
	vm6 =	veq.f32 v54, v32  }
0x34b: {  	v39 =	vld [tilespmem:s25+$0x10];
	v42 =	vadd.s32 $0x30, v42;
	[tilespmem:$0x1FF50] =	vst v3;
	v3 =	vmctz.xlane vm1;
	v2 =	vadd.s32 $0x30, v2  }
0x34c: {  	s28 =	sadd.s32 $0x10, s23;
	v54 =	vld [tilespmem:s25+$0xFFFFFFC0];
	vm5 =	veq.f32 v7, v27;
	v5 =	vmax.f32 v44, v50;
	v27 =	vmax.f32 v47, v51  }
0x34d: {  	v44 =	vld [tilespmem:s25+$0xFFFFFFA0];
	v50 =	vor.u32 s28, v59;
	v57 =	vmax.f32 v49, v52;
	v51 =	vor.u32 s10, v59;
	[tilespmem:s21+$0xFB00] =	vst v5  }
0x34e: {  	v32 =	vor.u32 s26, v59;
	v43 =	vor.u32 s10, v6;
	v58 =	vmctz.xlane vm5;
	[tilespmem:s21+$0xFB30] =	vst v57;
	v63 =	vld.idx.msk [tilespmem:v41+s15+$0x0], $0xffff  }
0x34f: {  	v18 =	vmovc v53;
	vm5 =	vlt.s32 v62, v45;
	v53 =	vor.u32 s26, v6;
	v34 =	vmax.f32 v34, v29;
	v60 =	vld.idx.msk [tilespmem:v26+s15+$0x0], $0xffff  }
0x350: {  	[tilespmem:$0x1FF40] =	vst v1;
	v45 =	vsel vm5, v62, v45;
	v47 =	vld [tilespmem:s25+$0xFFFFFFB0];
	v26 =	vmovc v4;
	v4 =	vor.u32 s23, v59;
	v62 =	vadd.s32 $0x20, v40  }
0x351: {  	[tilespmem:s21+$0xFB20] =	vst v27;
	v61 =	vld [tilespmem:s25+$0x40];
	vm2 =	veq.s32 v58, $0x10;
	v1 =	vadd.s32 $0x20, v58;
	v35 =	vsel vm3, $0x40, v62  }
0x352: {  	s0 =	sadd.s32 $0x40, s24;
	v16 =	vmovc v13;
	v13 =	vmovc v15;
	v58 =	vld.idx.msk [tilespmem:v48+s15+$0x0], $0xffff;
	v1 =	vsel vm2, $0x40, v1;
	vm2 =	veq.f32 v55, v36;
	v36 =	vmctz.xlane vm6  }
0x353: {  	s9 =	sadd.s32 $0xC0, s24;
	v14 =	vmovc v12;
	v12 =	vmovc v24;
	s7 =	sor.u32 $0x50, s0;
	v24 =	vld [tilespmem:s25+$0x0];
	vm7 =	vlt.s32 v1, v2;
	v15 =	vmctz.xlane vm2;
	vm2 =	veq.s32 v46, $0x10  }
0x354: {  	v9 =	vmovc v56;
	s18 =	sor.u32 $0x50, s9;
	v48 =	vld [tilespmem:s7+$0x7D00];
	v49 =	vsel vm7, v1, v2;
	v2 =	vmctz.xlane vm4;
	v56 =	vadd.s32 $0x10, v36  }
0x355: {  	s29 =	sor.u32 $0x60, s0;
	v52 =	vld [tilespmem:s18+$0x7D00];
	v5 =	vmax.f32 v5, v63;
	v40 =	vadd.s32 $0x30, v15;
	v41 =	vmax.f32 v57, v60  }
0x356: {  	s2 =	sor.u32 $0x60, s9;
	v59 =	vld [tilespmem:s29+$0x7D00];
	v1 =	vmax.f32 v44, v47;
	v57 =	vmax.f32 v11, v10;
	v63 =	vor.u32 s28, v6  }
0x357: {  	s1 =	sor.u32 $0x70, s0;
	v55 =	vld [tilespmem:s2+$0x7D00];
	v27 =	vmax.f32 v27, v58;
	vm4 =	veq.f32 v17, v41;
	v58 =	vsel vm2, $0x40, v46  }
0x358: {  	v15 =	vld [tilespmem:s1+$0x7D00];
	vm3 =	veq.f32 v23, v41;
	vm2 =	veq.f32 v25, v41;
	vm6 =	veq.s32 v2, $0x10  }
0x359: {  	s30 =	sor.u32 $0x70, s9;
	v60 =	vmax.f32 v54, v48;
	vm7 =	vlt.s32 v35, v40;
	v46 =	vor.u32 s23, v6  }
0x35a: {  	v62 =	vld [tilespmem:s30+$0x7D00];
	v17 =	vmovc v61;
	v23 =	vmovc v52;
	v2 =	vadd.s32 $0x20, v2;
	vm1 =	veq.f32 v20, v27;
	v6 =	vsel vm7, v35, v40  }
0x35b: {  	[tilespmem:s21+$0xFB00] =	vst v5;
	v20 =	vmovc v24;
	v35 =	vmctz.xlane vm4;
	v40 =	vmax.f32 v17, v23;
	vm4 =	veq.s32 v3, $0x10  }
0x35c: {  	v2 =	vsel vm6, $0x40, v2;
	v24 =	vld [tilespmem:s25+$0xFFFFFF90];
	v61 =	vmax.f32 v20, v39;
	v3 =	vsel vm4, $0x40, v3  }
0x35d: {  	s31 =	sshra.s32 s24, $0x2;
	v25 =	vmovc v55;
	v7 =	vld [tilespmem:s25+$0xFFFFFF80];
	vm4 =	veq.s32 v36, $0x10;
	v36 =	vmax.f32 v61, v57;
	v55 =	vmax.f32 v59, v15  }
0x35e: {  	v30 =	vld.idx.msk [tilespmem:v30+s15+$0x0], $0xffff;
	v56 =	vsel vm4, $0x40, v56;
	vm4 =	vlt.s32 v2, v42;
	[tilespmem:s31+$0xFB20] =	vst v36;
	v55 =	vmax.f32 v60, v55  }
0x35f: {  	vm6 =	vlt.s32 v58, v56;
	v60 =	vmax.f32 v25, v62;
	v57 =	vld.idx.msk [tilespmem:v32+s15+$0x0], $0xffff;
	[tilespmem:s31+$0xFB10] =	vst v55  }
0x360: {  	v2 =	vsel vm4, v2, v42;
	v32 =	vmctz.xlane vm0;
	v40 =	vmax.f32 v40, v60;
	v50 =	vld.idx.msk [tilespmem:v50+s15+$0x0], $0xffff;
	[tilespmem:s21+$0xFB10] =	vst v34;
	s21 =	smov.u32 s31  }
0x361: {  	vm4 =	vlt.s32 v33, v0;
	v56 =	vsel vm6, v58, v56;
	v58 =	vmctz.xlane vm1;
	v31 =	vld.idx.msk [tilespmem:v31+s15+$0x0], $0xffff;
	[tilespmem:s21+$0xFB30] =	vst v40  }
0x362: {  	v0 =	vsel vm4, v33, v0;
	v60 =	vmax.f32 v7, v24;
	v42 =	vadd.s32 $0x10, v32;
	v51 =	vld.idx.msk [tilespmem:v51+s15+$0x0], $0xffff  }
0x363: {  	vm1 =	veq.s32 v32, $0x10;
	v32 =	vmax.f32 v5, v30;
	v1 =	vmax.f32 v60, v1  }
0x364: {  	v5 =	vsel vm1, $0x40, v42;
	vm8 =	veq.f32 v22, v32;
	vm1 =	vlt.s32 v0, v49  }
0x365: {  	[tilespmem:s21+$0xFB00] =	vst v1;
	v42 =	vmctz.xlane vm3;
	vm3 =	vlt.s32 v3, v5;
	v33 =	vmax.f32 v36, v57  }
0x366: {  	v22 =	vmov v7;
	v4 =	vld.idx.msk [tilespmem:v4+s15+$0x0], $0xffff;
	v3 =	vsel vm3, v3, v5;
	[tilespmem:s21+$0xFB20] =	vst v33;
	v7 =	vmax.f32 v55, v50  }
0x367: {  	v36 =	vmax.f32 v34, v31;
	[tilespmem:s21+$0xFB10] =	vst v7;
	v34 =	vld.idx.msk [tilespmem:v53+s15+$0x0], $0xffff;
	v5 =	vmax.f32 v40, v51  }
0x368: {  	vm5 =	vlt.s32 v45, v28;
	v52 =	vmctz.xlane vm2;
	v0 =	vsel vm1, v0, v49;
	v49 =	vld.idx.msk [tilespmem:v63+s15+$0x0], $0xffff;
	[tilespmem:s21+$0xFB30] =	vst v5  }
0x369: {  	vm7 =	veq.f32 v21, v41;
	v21 =	vmovc v62;
	v62 =	vimm.f32 $1.000000000e+00;
	vm0 =	vlt.s32 v56, v2;
	v63 =	vld.idx.msk [tilespmem:v43+s15+$0x0], $0xffff  }
0x36a: {  	v2 =	vsel vm0, v56, v2;
	vm6 =	vlt.s32 v3, v6;
	vm4 =	veq.f32 v9, v36  }
0x36b: {  	v61 =	vld [tilespmem:$0x1FFD0];
	vm9 =	veq.f32 v19, v32;
	v19 =	vmovc v47;
	v3 =	vsel vm6, v3, v6;
	v40 =	vmctz.xlane vm4  }
0x36c: {  	v60 =	vld [tilespmem:$0x1FFE0];
	vm4 =	veq.f32 v37, v32;
	v37 =	vmovc v44;
	v44 =	vmax.f32 v1, v4;
	v47 =	vmax.f32 v33, v34  }
0x36d: {  	v33 =	vmctz.xlane vm7;
	v34 =	vadd.s32 $0x20, v52;
	vm7 =	veq.s32 v52, $0x10  }
0x36e: {  	v1 =	vsel vm7, $0x40, v34;
	v34 =	vmax.f32 v7, v49;
	v49 =	vmax.f32 v5, v63;
	v63 =	vld [tilespmem:$0x1FF50]  }
0x36f: {  	vm2 =	veq.s32 v35, $0x10;
	vm0 =	veq.f32 v14, v27;
	vm10 =	veq.s32 v58, $0x10;
	[tilespmem:v2+s16+$0x0] =	vst.idx.add.f32.msk $0x1, v62  }
0x370: {  	s22 =	sadd.s32 $0x4, s22;
	v41 =	vor.u32 s23, v61;
	v29 =	vor.u32 s28, v61;
	v56 =	vmovc v59;
	v57 =	vadd.s32 $0x10, v42;
	[tilespmem:v0+s16+$0x0] =	vst.idx.add.f32.msk $0x1, v62  }
0x371: {  	p0 =	slt.u32 s22, $0x1F0;
	v59 =	vld [tilespmem:$0x1FFC0];
	v55 =	vmovc v13;
	v30 =	vor.u32 s23, v60;
	v13 =	vmovc v48;
	v48 =	vor.u32 s26, v60;
	v53 =	vmov v54;
	[tilespmem:s21+$0xFB00] =	vst v44  }
.Ltmp4:
0x372: {  	v54 =	vmovc v12;
	v12 =	vmovc v39;
	v31 =	vor.u32 s28, v60;
	v39 =	vsel vm5, v45, v28;
	vm5 =	veq.s32 v42, $0x10;
	v50 =	vld.idx.msk [tilespmem:v46+s15+$0x0], $0xffff;
	(pc) =	sbr.rel @p0 .LBB2_10-.Ltmp4, $4  }
0x373: {  	v42 =	vmctz.xlane vm9;
	vm1 =	veq.f32 v18, v36;
	v45 =	vsel vm5, $0x40, v57;
	[tilespmem:v3+s16+$0x0] =	vst.idx.add.f32.msk $0x1, v62  }
0x374: {  	v43 =	vmctz.xlane vm0;
	vm0 =	veq.f32 v16, v36;
	[tilespmem:s21+$0xFB20] =	vst v47;
	v7 =	vld [tilespmem:$0x1FF40];
	v0 =	vadd.s32 $0x30, v33  }
0x375: {  	vm3 =	veq.s32 v40, $0x10;
	v46 =	vmctz.xlane vm8;
	v51 =	vld.idx.msk [tilespmem:v38+s15+$0x0], $0xffff;
	vm5 =	vlt.s32 v1, v0;
	[tilespmem:s21+$0xFB30] =	vst v49  }
0x376: {  	s24 =	sadd.s32 $0x100, s24;
	s25 =	sadd.s32 $0x100, s25;
	v6 =	vmovc v8;
	s23 =	sadd.s32 $0x40, s23;
	vm6 =	veq.s32 v43, $0x10;
	[tilespmem:s21+$0xFB10] =	vst v34;
	v33 =	vsel vm10, $0x40, v58;
	v28 =	vsel vm5, v1, v0;
	v52 =	vld.idx.msk [tilespmem:v63+s15+$0x0], $0xffff  }
0x377: {  	vm7 =	veq.f32 v6, v27;
	v0 =	vadd.s32 $0x10, v43  }
0x378: {  	v2 =	vmax.f32 v44, v50;
	v4 =	vsel vm2, $0x40, v35;
	vm14 =	veq.f32 v55, v36  }
0x379: {  	vm15 =	veq.f32 v54, v32;
	v8 =	vmctz.xlane vm1;
	vm8 =	veq.s32 v46, $0x10  }
0x37a: {  	v50 =	vadd.s32 $0x20, v40;
	v63 =	vadd.s32 $0x30, v42;
	v3 =	vmctz.xlane vm7  }
0x37b: {  	vm13 =	vlt.s32 v4, v45;
	v0 =	vsel vm6, $0x40, v0;
	v14 =	vmctz.xlane vm14  }
0x37c: {  	[tilespmem:s21+$0xFB00] =	vst v2;
	v55 =	vsel vm8, $0x40, v46;
	vm5 =	veq.f32 v7, v27;
	v4 =	vsel vm13, v4, v45  }
0x37d: {  	v43 =	vld.idx.msk [tilespmem:v41+s15+$0x0], $0xffff;
	vm13 =	veq.s32 v8, $0x10;
	v1 =	vmctz.xlane vm5;
	v5 =	vmax.f32 v47, v51  }
0x37e: {  	v3 =	vadd.s32 $0x30, v3;
	v14 =	vadd.s32 $0x30, v14;
	v8 =	vsel vm13, $0x40, v8  }
0x37f: {  	[tilespmem:s21+$0xFB20] =	vst v5;
	v44 =	vmax.f32 v49, v52;
	v49 =	vmctz.xlane vm15;
	v52 =	vsel vm3, $0x40, v50  }
0x380: {  	vm12 =	veq.s32 v1, $0x10;
	v1 =	vadd.s32 $0x20, v1;
	v47 =	vld.idx.msk [tilespmem:v48+s15+$0x0], $0xffff;
	[tilespmem:s21+$0xFB30] =	vst v44;
	v48 =	vmctz.xlane vm4  }
0x381: {  	vm10 =	vlt.s32 v52, v14;
	v1 =	vsel vm12, $0x40, v1;
	v26 =	vld.idx.msk [tilespmem:v26+s15+$0x0], $0xffff;
	v54 =	vadd.s32 $0x10, v49  }
0x382: {  	v51 =	vld.idx.msk [tilespmem:v29+s15+$0x0], $0xffff;
	v14 =	vsel vm10, v52, v14;
	vm2 =	vlt.s32 v1, v3;
	v2 =	vmax.f32 v2, v43  }
0x383: {  	vm12 =	veq.s32 v48, $0x10;
	v1 =	vsel vm2, v1, v3;
	v3 =	vadd.s32 $0x20, v48  }
0x384: {  	vm14 =	veq.s32 v49, $0x10;
	vm2 =	vlt.s32 v4, v28;
	[tilespmem:s21+$0xFB00] =	vst v2;
	v3 =	vsel vm12, $0x40, v3  }
0x385: {  	v58 =	vld.idx.msk [tilespmem:v30+s15+$0x0], $0xffff;
	v30 =	vmctz.xlane vm0;
	v4 =	vsel vm2, v4, v28;
	v5 =	vmax.f32 v5, v47  }
0x386: {  	vm15 =	vlt.s32 v3, v63;
	vm5 =	veq.f32 v20, v5;
	v7 =	vmax.f32 v44, v26  }
0x387: {  	v20 =	vmax.f32 v34, v51;
	v3 =	vsel vm15, v3, v63;
	v32 =	vadd.s32 $0x10, v30  }
0x388: {  	vm12 =	veq.s32 v30, $0x10;
	vm15 =	veq.f32 v12, v5;
	vm9 =	veq.f32 v17, v7  }
0x389: {  	vm4 =	veq.f32 v23, v7;
	vm11 =	veq.f32 v25, v7;
	v17 =	vsel vm14, $0x40, v54  }
0x38a: {  	vm6 =	veq.f32 v21, v7;
	v12 =	vmctz.xlane vm15;
	vm15 =	veq.f32 v10, v5  }
0x38b: {  	[tilespmem:s21+$0xFB10] =	vst v20;
	v57 =	vmctz.xlane vm9;
	v25 =	vmctz.xlane vm11;
	vm9 =	vlt.s32 v55, v17  }
0x38c: {  	v9 =	vld.idx.msk [tilespmem:v31+s15+$0x0], $0xffff;
	v31 =	vmctz.xlane vm5;
	vm11 =	vlt.s32 v33, v0;
	v35 =	vmctz.xlane vm4  }
0x38d: {  	v16 =	vmctz.xlane vm15;
	v17 =	vsel vm9, v55, v17;
	v2 =	vmax.f32 v2, v58  }
0x38e: {  	v0 =	vsel vm11, v33, v0;
	v33 =	vsel vm12, $0x40, v32;
	vm1 =	veq.s32 v57, $0x10  }
0x38f: {  	vm10 =	vlt.s32 v17, v3;
	vm3 =	vlt.s32 v0, v1;
	vm7 =	veq.f32 v22, v2  }
0x390: {  	vm13 =	vlt.s32 v8, v33;
	vm5 =	veq.f32 v37, v2;
	vm9 =	veq.s32 v31, $0x10  }
0x391: {  	v38 =	vadd.s32 $0x20, v25;
	vm12 =	veq.s32 v25, $0x10;
	v16 =	vadd.s32 $0x30, v16  }
0x392: {  	v0 =	vsel vm3, v0, v1;
	v6 =	vsel vm13, v8, v33;
	v3 =	vsel vm10, v17, v3  }
0x393: {  	vm10 =	veq.s32 v12, $0x10;
	vm13 =	veq.s32 v35, $0x10;
	v1 =	vadd.s32 $0x10, v35  }
0x394: {  	v40 =	vmctz.xlane vm7;
	v43 =	vsel vm9, $0x40, v31;
	v44 =	vsel vm1, $0x40, v57  }
0x395: {  	v12 =	vadd.s32 $0x10, v12;
	v46 =	vmctz.xlane vm5;
	vm8 =	vlt.s32 v6, v14  }
0x396: {  	v1 =	vsel vm13, $0x40, v1;
	v45 =	vsel vm10, $0x40, v12;
	v34 =	vmax.f32 v20, v9  }
0x397: {  	v6 =	vsel vm8, v6, v14;
	vm8 =	veq.f32 v19, v2;
	v9 =	vmctz.xlane vm6  }
0x398: {  	vm1 =	vlt.s32 v44, v1;
	vm13 =	veq.s32 v40, $0x10;
	vm15 =	veq.s32 v46, $0x10  }
0x399: {  	vm3 =	veq.f32 v53, v34;
	vm14 =	veq.f32 v56, v34;
	vm0 =	veq.f32 v13, v34  }
0x39a: {  	v13 =	vsel vm12, $0x40, v38;
	v42 =	vmctz.xlane vm8;
	vm11 =	veq.f32 v15, v34  }
0x39b: {  	vm12 =	veq.f32 v24, v2;
	v14 =	vsel vm13, $0x40, v40;
	v2 =	vadd.s32 $0x20, v46  }
0x39c: {  	v1 =	vsel vm1, v44, v1;
	v36 =	vmctz.xlane vm14;
	v9 =	vadd.s32 $0x30, v9  }
0x39d: {  	vm14 =	veq.f32 v11, v5;
	v47 =	vmctz.xlane vm11;
	v48 =	vmctz.xlane vm3  }
0x39e: {  	v49 =	vmctz.xlane vm12;
	v2 =	vsel vm15, $0x40, v2;
	v52 =	vmctz.xlane vm0  }
0x39f: {  	vm11 =	vlt.s32 v43, v45;
	vm6 =	vlt.s32 v13, v9;
	v41 =	vmctz.xlane vm14  }
0x3a0: {  	v10 =	vadd.s32 $0x30, v42;
	v7 =	vsel vm11, v43, v45;
	vm4 =	veq.s32 v36, $0x10  }
0x3a1: {  	v9 =	vsel vm6, v13, v9;
	v8 =	vadd.s32 $0x20, v36;
	v12 =	vadd.s32 $0x30, v47  }
0x3a2: {  	v50 =	vadd.s32 $0x10, v49;
	vm6 =	veq.s32 v48, $0x10;
	vm7 =	veq.s32 v49, $0x10  }
0x3a3: {  	vm8 =	vlt.s32 v2, v10;
	v53 =	vadd.s32 $0x10, v52;
	vm10 =	veq.s32 v52, $0x10  }
0x3a4: {  	vm2 =	veq.s32 v41, $0x10;
	v5 =	vadd.s32 $0x20, v41;
	v8 =	vsel vm4, $0x40, v8  }
0x3a5: {  	[tilespmem:v39+s16+$0x0] =	vst.idx.add.f32.msk $0x1, v62;
	v51 =	vsel vm7, $0x40, v50;
	v15 =	vsel vm6, $0x40, v48;
	v55 =	vsel vm10, $0x40, v53  }
0x3a6: {  	[tilespmem:v0+s16+$0x0] =	vst.idx.add.f32.msk $0x1, v62;
	v2 =	vsel vm8, v2, v10;
	vm1 =	vlt.s32 v1, v9;
	v5 =	vsel vm2, $0x40, v5  }
0x3a7: {  	vm14 =	vlt.s32 v8, v12;
	vm9 =	vlt.s32 v14, v51;
	vm13 =	vlt.s32 v15, v55  }
0x3a8: {  	v1 =	vsel vm1, v1, v9;
	vm2 =	vlt.s32 v5, v16;
	v54 =	vsel vm9, v14, v51  }
0x3a9: {  	v8 =	vsel vm14, v8, v12;
	v56 =	vsel vm13, v15, v55;
	vm14 =	vlt.s32 v54, v2  }
0x3aa: {  	v5 =	vsel vm2, v5, v16;
	vm15 =	vlt.s32 v56, v8;
	v0 =	vsel vm14, v54, v2  }
0x3ab: {  	[tilespmem:v4+s16+$0x0] =	vst.idx.add.f32.msk $0x1, v62;
	vm12 =	vlt.s32 v7, v5;
	v57 =	vsel vm15, v56, v8  }
0x3ac: {  	[tilespmem:v3+s16+$0x0] =	vst.idx.add.f32.msk $0x1, v62;
	v5 =	vsel vm12, v7, v5  }
0x3ad: {  	[tilespmem:v6+s16+$0x0] =	vst.idx.add.f32.msk $0x1, v62  }
0x3ae: {  	[tilespmem:v1+s16+$0x0] =	vst.idx.add.f32.msk $0x1, v62  }
0x3af: {  	[tilespmem:v0+s16+$0x0] =	vst.idx.add.f32.msk $0x1, v62  }
0x3b0: {  	[tilespmem:v57+s16+$0x0] =	vst.idx.add.f32.msk $0x1, v62  }
0x3b1: {  	[tilespmem:v5+s16+$0x0] =	vst.idx.add.f32.msk $0x1, v62  }
0x3b2: {  	v0 =	vld [tilespmem:$0xFA00]  }
0x3b3: {  	v1 =	vld [tilespmem:$0xFA10]  }
0x3b4: {  	v2 =	vld [tilespmem:$0xFA20]  }
0x3b5: {  	v3 =	vld [tilespmem:$0xFA30];
	_ =	sdelay $0x1  }
0x3b6: {  	v0 =	vmul.f32 $1.999999950e-05, v0  }
0x3b7: {  	v1 =	vmul.f32 $1.999999950e-05, v1  }
0x3b8: {  	v58 =	vmul.f32 $1.999999950e-05, v2;
	[tilespmem:$0xFA80] =	vst v0  }
0x3b9: {  	s20 =	sadd.s32 $0x1, s20;
	v63 =	vmul.f32 $1.999999950e-05, v3;
	[tilespmem:$0xFA90] =	vst v1  }
0x3ba: {  	s18 =	simm.s32 $0x0;
	p0 =	sne.s32 s20, s11;
	[tilespmem:$0xFAA0] =	vst v58  }
.Ltmp5:
0x3bb: {  	s1 =	simm.s32 $0xFA80;
	s0 =	rddreg [dreg:$0x5];
	[tilespmem:$0xFAB0] =	vst v63;
	(pc) =	sbr.rel @p0 .LBB2_1-.Ltmp5, $4  }
0x3bc: {  	[hbm4b:s0+s18] =	stream.linear.scatter [tilespmem:s1], [sflag:$0x3], $0x80, $0x38;
	[tilespmem:$0x11A80] =	vst v63  }
0x3bd: {  	_ =	swait.ge [sflag:s19], $0x80  }
0x3be: {  	[sflag:s19] =	ssyncset.done $0x0  }
0x3bf: {  	v49 =	vld [tilespmem:$0x1FFF0];
	[sflag:s19] =	ssyncadd.s32 $0xFFFFFF80  }
0x3c0: {  	_ =	sfence.sel $0x180000  }
0x3c1: {  	[bflag:$0x0] =	sbarrier.arrive $0xFFFF  }
0x3c2: {  	_ =	strace $0x90000047  }
0x3c3: {  	s0 =	stileid.u32;
	[bflag:$0x2] =	sbarrier.arrive $0xFFFF  }
0x3c4: {  	p0 =	sne.s32 s0, $0x0;
	s0 =	rddreg [dreg:$0x2]  }
0x3c5: {  	s0 =	sadd.s32 @!p0 $0x100000, s0  }
0x3c6: {  	[sflag:s0] =	ssyncadd.tile.s32 @!p0 $0x1;
	_ =	shalt  }
.Lfunc_end2:
_tile_overlayer_lowered:
.L_overlay_start_2:
0x3c7: {  	(tag) =	ssettag $0x2  }
0x3c8: {  	s0 =	rddreg [dreg:$0x0];
	s2 =	stileid.u32  }
0x3c9: {  	s1 =	rddreg [dreg:$0x1];
	p0 =	sne.s32 s2, $0x0  }
0x3ca: {  	s3 =	rddreg [dreg:$0x2];
	[bflag:$0x3] =	sbarrier.arrive $0xFFFF;
	s2 =	simm.s32 @!p0 $0x1C03  }
0x3cb: {  	[timem:s3], [sflag:s2] =	dma.local @!p0 [hbm:s0], s1  }
0x3cc: {  	s0 =	simm.s32 @!p0 $0x3  }
0x3cd: {  	_ =	swait.ge @!p0 [sflag:s0], s1  }
0x3ce: {  	s1 =	ssub.s32 @!p0 $0x0, s1;
	[sflag:s0] =	ssyncset.done @!p0 $0x0  }
0x3cf: {  	[sflag:s0] =	ssyncadd.s32 @!p0 s1  }
0x3d0: {  	[bflag:$0x3] =	sbarrier.arrive $0xFFFF  }
0x3d1: {  	_ =	shalt  }

</sc_bundles>
